<compile_context>
chip_gen: v7x
topology: tpu7x:2x2x1
jax: 0.10.2.dev20260603
libtpu: 0.0.44.dev20260713+nightly
codegen_flags: <defaults>
</compile_context>

<pallas_src>
import functools

import jax
import jax.numpy as jnp
from jax import lax
from jax.experimental import pallas as pl
from jax.experimental.pallas import tpu as pltpu
from jax.experimental.pallas import tpu_sc as plsc

_B = 4096
_N = 20
_D = 32
_P = _N * (_N - 1) // 2
_ROWS = 1000000
_PACK = 128 // _D


def _sc_gather(pidx_item, pidx_user, item_packed, user_packed):
    info = plsc.get_sparse_core_info()
    nw = info.num_cores * info.num_subcores
    bpw = _B // nw
    rpw = bpw * _N
    chunk = 128
    nchunks = rpw // chunk

    mesh = plsc.VectorSubcoreMesh(core_axis_name="c", subcore_axis_name="s")

    @functools.partial(
        pl.kernel,
        mesh=mesh,
        out_type=[
            jax.ShapeDtypeStruct((_B * _N, 128), jnp.float32),
            jax.ShapeDtypeStruct((_B, 128), jnp.float32),
        ],
        scratch_types=[
            pltpu.VMEM((rpw,), jnp.int32),
            pltpu.VMEM((bpw,), jnp.int32),
            pltpu.VMEM((2, chunk, 128), jnp.float32),
            pltpu.VMEM((bpw, 128), jnp.float32),
            pltpu.SemaphoreType.DMA,
            pltpu.SemaphoreType.DMA,
            pltpu.SemaphoreType.DMA,
        ],
    )
    def k(mem_idx_hbm, user_idx_hbm, item_t_hbm, user_t_hbm,
          item_out, user_out, vidx, vuidx, vrows, vurows, gsem0, gsem1, usem):
        wid = lax.axis_index("s") * info.num_cores + lax.axis_index("c")
        rbase = wid * rpw
        bbase = wid * bpw
        pltpu.sync_copy(mem_idx_hbm.at[pl.ds(rbase, rpw)], vidx)
        pltpu.sync_copy(user_idx_hbm.at[pl.ds(bbase, bpw)], vuidx)

        ucopy = pltpu.make_async_copy(
            user_t_hbm.at[vuidx], vurows, usem)
        ucopy.start()

        gsems = (gsem0, gsem1)
        copies = []
        for g in range(nchunks):
            c = pltpu.make_async_copy(
                item_t_hbm.at[vidx.at[pl.ds(g * chunk, chunk)]],
                vrows.at[g % 2], gsems[g % 2])
            if g >= 2:
                copies[g - 2].wait()
            c.start()
            c.wait()
            oc = pltpu.make_async_copy(
                vrows.at[g % 2],
                item_out.at[pl.ds(rbase + g * chunk, chunk)],
                gsems[g % 2])
            oc.start()
            copies.append(oc)
        copies[nchunks - 2].wait()
        copies[nchunks - 1].wait()

        ucopy.wait()
        pltpu.sync_copy(vurows, user_out.at[pl.ds(bbase, bpw)])

    return k(pidx_item, pidx_user, item_packed, user_packed)


def _extract(packed, offs, n):
    res = None
    for kk in range(_PACK):
        sel = jnp.concatenate(
            [packed[:, j * 128 + kk * _D:j * 128 + (kk + 1) * _D]
             for j in range(n)], axis=1)
        cur = jnp.where(offs == kk, sel, 0.0)
        res = cur if res is None else res + cur
    return res


def _expand_body(upref, ipref, uoref, ioref, wref, oref):
    ue = _extract(upref[...], uoref[...], 1)
    ie = _extract(ipref[...], ioref[...], _N)
    we = ie * wref[...]
    parts = [jnp.concatenate([ue] * _N, axis=1) * we]
    for i in range(_N - 1):
        li = we[:, i * _D:(i + 1) * _D]
        rep = _N - 1 - i
        parts.append(jnp.concatenate([li] * rep, axis=1) * we[:, (i + 1) * _D:])
    oref[...] = jnp.concatenate(parts, axis=1)


def kernel(user, memory, user_table, item_table, weights):
    mem_idx = memory.reshape(-1).astype(jnp.int32)
    user_idx = user.reshape(-1).astype(jnp.int32)
    item_packed = item_table[:_ROWS].reshape(_ROWS // _PACK, 128)
    user_packed = user_table.reshape(_ROWS // _PACK, 128)

    item_rows, user_rows = _sc_gather(
        mem_idx // _PACK, user_idx // _PACK, item_packed, user_packed)
    ioffs = jnp.repeat(memory.astype(jnp.int32) % _PACK, _D, axis=1)
    uoffs = jnp.repeat(user.astype(jnp.int32) % _PACK, _D, axis=1)
    wcols = jnp.repeat(weights, _D)[None, :]

    item_2d = item_rows.reshape(_B, _N * 128)

    bb = 128
    grid = (_B // bb,)
    out = pl.pallas_call(
        _expand_body,
        grid=grid,
        in_specs=[
            pl.BlockSpec((bb, 128), lambda i: (i, 0)),
            pl.BlockSpec((bb, _N * 128), lambda i: (i, 0)),
            pl.BlockSpec((bb, _D), lambda i: (i, 0)),
            pl.BlockSpec((bb, _N * _D), lambda i: (i, 0)),
            pl.BlockSpec((1, _N * _D), lambda i: (0, 0)),
        ],
        out_specs=pl.BlockSpec((bb, (_N + _P) * _D), lambda i: (i, 0)),
        out_shape=jax.ShapeDtypeStruct((_B, (_N + _P) * _D), jnp.float32),
    )(user_rows, item_2d, uoffs, ioffs, wcols)
    return out

# --- scband reference (transcript-rebuilt; emitter-appended) ---
"""Pipeline reference for scband-state-repr-module-u-5592047419689 (READ-ONLY COPY).

The authoritative reference and input builder live on the scoring server;
editing this copy changes nothing except your own understanding.
"""

import jax, jax.numpy as jnp
import numpy as np

USER_NUM = 1000000
ITEM_NUM = 1000000
D = 32
N = 20
B = 4096


def setup_inputs(seed: int = 0) -> dict:
    key = jax.random.key(seed)
    k1, k2, k3, k4, k5 = jax.random.split(key, 5)
    user = jax.random.randint(k1, (B, 1), 0, USER_NUM)
    memory = jax.random.randint(k2, (B, N), 0, ITEM_NUM)
    user_table = jax.random.normal(k3, (USER_NUM, D), dtype=jnp.float32) * 0.01
    item_table = jax.random.normal(k4, (ITEM_NUM + 1, D), dtype=jnp.float32) * 0.01
    item_table = item_table.at[-1].set(0.0)
    weights = jax.random.uniform(k5, (N,), dtype=jnp.float32)
    return {"user": user, "memory": memory, "user_table": user_table,
            "item_table": item_table, "weights": weights}


def reference(user, memory, user_table, item_table, weights):
    # user: [B,1] -> embedding -> [B,1,D] -> squeeze(1) -> [B,D]
    user_emb = jnp.take(user_table, user[:, 0], axis=0)          # [B, D]
    # memory: [B,N] -> embedding -> [B,N,D] (squeeze(1) is a no-op)
    item_emb = jnp.take(item_table, memory, axis=0)              # [B, N, D]

    # user_item_vectors[u, i, :] = user_emb[u] * weights[i] * item_emb[u, i]
    user_item_vectors = user_emb[:, None, :] * weights[None, :, None] * item_emb

    # pairwise item vectors for item_1 < item_2 in row-major loop order
    i1, i2 = np.triu_indices(N, k=1)                             # same order as nested torch loops
    w1 = weights[i1][None, :, None]                              # [1, P, 1]
    w2 = weights[i2][None, :, None]
    item_vectors = (w1 * item_emb[:, i1, :]) * (w2 * item_emb[:, i2, :])  # [B, P, D]

    out = jnp.concatenate([user_item_vectors, item_vectors], axis=1)
    return out.reshape(user_emb.shape[0], -1)

if __name__ == "__main__":
    import jax
    _d = setup_inputs()
    print(jax.jit(kernel)(*tuple(_d.values())))

</pallas_src>

<mosaic_0001>
#map = affine_map<(d0, d1) -> (0)>
#map1 = affine_map<(d0, d1) -> (0, 0)>
module attributes {stable_mosaic.version = 14 : i64} {
  func.func @k(%arg0: i32, %arg1: i32, %arg2: memref<81920xi32, #tpu.memory_space<hbm>>, %arg3: memref<4096xi32, #tpu.memory_space<hbm>>, %arg4: memref<250000x128xf32, #tpu.memory_space<hbm>>, %arg5: memref<250000x128xf32, #tpu.memory_space<hbm>>, %arg6: memref<81920x128xf32, #tpu.memory_space<hbm>>, %arg7: memref<4096x128xf32, #tpu.memory_space<hbm>>, %arg8: memref<2560xi32, #tpu.memory_space<vmem>>, %arg9: memref<128xi32, #tpu.memory_space<vmem>>, %arg10: memref<2x128x128xf32, #tpu.memory_space<vmem>>, %arg11: memref<128x128xf32, #tpu.memory_space<vmem>>, %arg12: memref<!tpu.dma_semaphore, #tpu.memory_space<semaphore_mem>>, %arg13: memref<!tpu.dma_semaphore, #tpu.memory_space<semaphore_mem>>, %arg14: memref<!tpu.dma_semaphore, #tpu.memory_space<semaphore_mem>>) attributes {dimension_semantics = [#tpu.dimension_semantics<core_parallel>, #tpu.dimension_semantics<subcore_parallel>], iteration_bounds = array<i64: 2, 16>, scalar_prefetch = 0 : i64, scratch_operands = 7 : i64, tpu.core_type = #tpu.core_type<sc_vector_subcore>, window_params = [{transform_indices = #map}, {transform_indices = #map}, {transform_indices = #map1}, {transform_indices = #map1}, {transform_indices = #map1}, {transform_indices = #map1}]} {
    %mul3A = arith.constant 2 : i32
    %mul3A_0 = arith.muli %arg1, %mul3A : i32
    %add3A = arith.addi %mul3A_0, %arg0 : i32
    %mul3A_1 = arith.constant 2560 : i32
    %mul3A_2 = arith.muli %add3A, %mul3A_1 : i32
    %mul3A_3 = arith.constant 128 : i32
    %mul3A_4 = arith.muli %add3A, %mul3A_3 : i32
    "tpu.region"() ({
      %run_scoped3A = tpu.sem_alloc : memref<!tpu.dma_semaphore, #tpu.memory_space<semaphore_mem>>
      %dma_start3A_969 = tpu.memref_slice %arg2[%mul3A_2] : memref<81920xi32, #tpu.memory_space<hbm>> -> memref<2560xi32, #tpu.memory_space<hbm>>
      %dma_start3A_970 = tpu.memref_slice %arg2[%mul3A_2] : memref<81920xi32, #tpu.memory_space<hbm>> -> memref<2560xi32, #tpu.memory_space<hbm>>
      tpu.enqueue_dma source(%dma_start3A_970 : memref<2560xi32, #tpu.memory_space<hbm>>) target(%arg8 : memref<2560xi32, #tpu.memory_space<vmem>>) target_semaphore(%run_scoped3A : memref<!tpu.dma_semaphore, #tpu.memory_space<semaphore_mem>>)
      %dma_wait3A_971 = tpu.memref_slice %arg2[%mul3A_2] : memref<81920xi32, #tpu.memory_space<hbm>> -> memref<2560xi32, #tpu.memory_space<hbm>>
      %dma_wait3A_972 = tpu.memref_slice %arg2[%mul3A_2] : memref<81920xi32, #tpu.memory_space<hbm>> -> memref<2560xi32, #tpu.memory_space<hbm>>
      tpu.wait_dma2 semaphore(%run_scoped3A : memref<!tpu.dma_semaphore, #tpu.memory_space<semaphore_mem>>) src(%dma_wait3A_972 : memref<2560xi32, #tpu.memory_space<hbm>>) dst(%arg8 : memref<2560xi32, #tpu.memory_space<vmem>>)
      tpu.yield
    }) : () -> ()
    "tpu.region"() ({
      %run_scoped3A = tpu.sem_alloc : memref<!tpu.dma_semaphore, #tpu.memory_space<semaphore_mem>>
      %dma_start3A_969 = tpu.memref_slice %arg3[%mul3A_4] : memref<4096xi32, #tpu.memory_space<hbm>> -> memref<128xi32, #tpu.memory_space<hbm>>
      %dma_start3A_970 = tpu.memref_slice %arg3[%mul3A_4] : memref<4096xi32, #tpu.memory_space<hbm>> -> memref<128xi32, #tpu.memory_space<hbm>>
      tpu.enqueue_dma source(%dma_start3A_970 : memref<128xi32, #tpu.memory_space<hbm>>) target(%arg9 : memref<128xi32, #tpu.memory_space<vmem>>) target_semaphore(%run_scoped3A : memref<!tpu.dma_semaphore, #tpu.memory_space<semaphore_mem>>)
      %dma_wait3A_971 = tpu.memref_slice %arg3[%mul3A_4] : memref<4096xi32, #tpu.memory_space<hbm>> -> memref<128xi32, #tpu.memory_space<hbm>>
      %dma_wait3A_972 = tpu.memref_slice %arg3[%mul3A_4] : memref<4096xi32, #tpu.memory_space<hbm>> -> memref<128xi32, #tpu.memory_space<hbm>>
      tpu.wait_dma2 semaphore(%run_scoped3A : memref<!tpu.dma_semaphore, #tpu.memory_space<semaphore_mem>>) src(%dma_wait3A_972 : memref<128xi32, #tpu.memory_space<hbm>>) dst(%arg9 : memref<128xi32, #tpu.memory_space<vmem>>)
      tpu.yield
    }) : () -> ()
    %dma_start3A = arith.constant 0 : i32
    %dma_start3A_5 = arith.constant 0 : i32
    %dma_start3A_6 = tpu.memref_slice %arg5[%dma_start3A, %dma_start3A_5] : memref<250000x128xf32, #tpu.memory_space<hbm>> -> memref<250000x128xf32, #tpu.memory_space<hbm>>
    tpu.enqueue_indirect_dma source(%dma_start3A_6 : memref<250000x128xf32, #tpu.memory_space<hbm>>) target(%arg11 : memref<128x128xf32, #tpu.memory_space<vmem>>) offsets(%arg9 : memref<128xi32, #tpu.memory_space<vmem>>) semaphore(%arg14 : memref<!tpu.dma_semaphore, #tpu.memory_space<semaphore_mem>>)
    %dma_start3A_7 = arith.constant 0 : i32
    %dma_start3A_8 = arith.constant 0 : i32
    %dma_start3A_9 = arith.constant 0 : i32
    %dma_start3A_10 = tpu.memref_slice %arg10[%dma_start3A_7, %dma_start3A_8, %dma_start3A_9] : memref<2x128x128xf32, #tpu.memory_space<vmem>> -> memref<1x128x128xf32, #tpu.memory_space<vmem>>
    %dma_start3A_11 = tpu.memref_squeeze %dma_start3A_10 : memref<1x128x128xf32, #tpu.memory_space<vmem>> -> memref<128x128xf32, #tpu.memory_space<vmem>>
    %dma_start3A_12 = arith.constant 0 : i32
    %dma_start3A_13 = tpu.memref_slice %arg8[%dma_start3A_12] : memref<2560xi32, #tpu.memory_space<vmem>> -> memref<128xi32, #tpu.memory_space<vmem>>
    %dma_start3A_14 = arith.constant 0 : i32
    %dma_start3A_15 = arith.constant 0 : i32
    %dma_start3A_16 = tpu.memref_slice %arg4[%dma_start3A_14, %dma_start3A_15] : memref<250000x128xf32, #tpu.memory_space<hbm>> -> memref<250000x128xf32, #tpu.memory_space<hbm>>
    tpu.enqueue_indirect_dma source(%dma_start3A_16 : memref<250000x128xf32, #tpu.memory_space<hbm>>) target(%dma_start3A_11 : memref<128x128xf32, #tpu.memory_space<vmem>>) offsets(%dma_start3A_13 : memref<128xi32, #tpu.memory_space<vmem>>) semaphore(%arg12 : memref<!tpu.dma_semaphore, #tpu.memory_space<semaphore_mem>>)
    %dma_wait3A = arith.constant 0 : i32
    %dma_wait3A_17 = arith.constant 0 : i32
    %dma_wait3A_18 = arith.constant 0 : i32
    %dma_wait3A_19 = tpu.memref_slice %arg10[%dma_wait3A, %dma_wait3A_17, %dma_wait3A_18] : memref<2x128x128xf32, #tpu.memory_space<vmem>> -> memref<1x128x128xf32, #tpu.memory_space<vmem>>
    %dma_wait3A_20 = tpu.memref_squeeze %dma_wait3A_19 : memref<1x128x128xf32, #tpu.memory_space<vmem>> -> memref<128x128xf32, #tpu.memory_space<vmem>>
    %dma_wait3A_21 = arith.constant 0 : i32
    %dma_wait3A_22 = tpu.memref_slice %arg8[%dma_wait3A_21] : memref<2560xi32, #tpu.memory_space<vmem>> -> memref<128xi32, #tpu.memory_space<vmem>>
    %dma_wait3A_23 = arith.constant 0 : i32
    %dma_wait3A_24 = arith.constant 0 : i32
    %dma_wait3A_25 = tpu.memref_slice %arg4[%dma_wait3A_23, %dma_wait3A_24] : memref<250000x128xf32, #tpu.memory_space<hbm>> -> memref<250000x128xf32, #tpu.memory_space<hbm>>
    tpu.wait_indirect_dma semaphore(%arg12 : memref<!tpu.dma_semaphore, #tpu.memory_space<semaphore_mem>>) src(%dma_wait3A_25 : memref<250000x128xf32, #tpu.memory_space<hbm>>) dst(%dma_wait3A_20 : memref<128x128xf32, #tpu.memory_space<vmem>>)
    %add3A_26 = arith.constant 0 : i32
    %add3A_27 = arith.addi %mul3A_2, %add3A_26 : i32
    %dma_start3A_28 = arith.constant 0 : i32
    %dma_start3A_29 = arith.constant 0 : i32
    %dma_start3A_30 = arith.constant 0 : i32
    %dma_start3A_31 = tpu.memref_slice %arg10[%dma_start3A_28, %dma_start3A_29, %dma_start3A_30] : memref<2x128x128xf32, #tpu.memory_space<vmem>> -> memref<1x128x128xf32, #tpu.memory_space<vmem>>
    %dma_start3A_32 = tpu.memref_squeeze %dma_start3A_31 : memref<1x128x128xf32, #tpu.memory_space<vmem>> -> memref<128x128xf32, #tpu.memory_space<vmem>>
    %dma_start3A_33 = arith.constant 0 : i32
    %dma_start3A_34 = tpu.memref_slice %arg6[%add3A_27, %dma_start3A_33] : memref<81920x128xf32, #tpu.memory_space<hbm>> -> memref<128x128xf32, #tpu.memory_space<hbm>>
    %dma_start3A_35 = arith.constant 0 : i32
    %dma_start3A_36 = tpu.memref_slice %arg6[%add3A_27, %dma_start3A_35] : memref<81920x128xf32, #tpu.memory_space<hbm>> -> memref<128x128xf32, #tpu.memory_space<hbm>>
    %dma_start3A_37 = arith.constant 0 : i32
    %dma_start3A_38 = arith.constant 0 : i32
    %dma_start3A_39 = tpu.memref_slice %arg10[%dma_start3A_28, %dma_start3A_37, %dma_start3A_38] : memref<2x128x128xf32, #tpu.memory_space<vmem>> -> memref<1x128x128xf32, #tpu.memory_space<vmem>>
    %dma_start3A_40 = tpu.memref_squeeze %dma_start3A_39 : memref<1x128x128xf32, #tpu.memory_space<vmem>> -> memref<128x128xf32, #tpu.memory_space<vmem>>
    tpu.enqueue_dma source(%dma_start3A_40 : memref<128x128xf32, #tpu.memory_space<vmem>>) target(%dma_start3A_36 : memref<128x128xf32, #tpu.memory_space<hbm>>) target_semaphore(%arg12 : memref<!tpu.dma_semaphore, #tpu.memory_space<semaphore_mem>>)
    %dma_start3A_41 = arith.constant 1 : i32
    %dma_start3A_42 = arith.constant 0 : i32
    %dma_start3A_43 = arith.constant 0 : i32
    %dma_start3A_44 = tpu.memref_slice %arg10[%dma_start3A_41, %dma_start3A_42, %dma_start3A_43] : memref<2x128x128xf32, #tpu.memory_space<vmem>> -> memref<1x128x128xf32, #tpu.memory_space<vmem>>
    %dma_start3A_45 = tpu.memref_squeeze %dma_start3A_44 : memref<1x128x128xf32, #tpu.memory_space<vmem>> -> memref<128x128xf32, #tpu.memory_space<vmem>>
    %dma_start3A_46 = arith.constant 128 : i32
    %dma_start3A_47 = tpu.memref_slice %arg8[%dma_start3A_46] : memref<2560xi32, #tpu.memory_space<vmem>> -> memref<128xi32, #tpu.memory_space<vmem>>
    %dma_start3A_48 = arith.constant 0 : i32
    %dma_start3A_49 = arith.constant 0 : i32
    %dma_start3A_50 = tpu.memref_slice %arg4[%dma_start3A_48, %dma_start3A_49] : memref<250000x128xf32, #tpu.memory_space<hbm>> -> memref<250000x128xf32, #tpu.memory_space<hbm>>
    tpu.enqueue_indirect_dma source(%dma_start3A_50 : memref<250000x128xf32, #tpu.memory_space<hbm>>) target(%dma_start3A_45 : memref<128x128xf32, #tpu.memory_space<vmem>>) offsets(%dma_start3A_47 : memref<128xi32, #tpu.memory_space<vmem>>) semaphore(%arg13 : memref<!tpu.dma_semaphore, #tpu.memory_space<semaphore_mem>>)
    %dma_wait3A_51 = arith.constant 1 : i32
    %dma_wait3A_52 = arith.constant 0 : i32
    %dma_wait3A_53 = arith.constant 0 : i32
    %dma_wait3A_54 = tpu.memref_slice %arg10[%dma_wait3A_51, %dma_wait3A_52, %dma_wait3A_53] : memref<2x128x128xf32, #tpu.memory_space<vmem>> -> memref<1x128x128xf32, #tpu.memory_space<vmem>>
    %dma_wait3A_55 = tpu.memref_squeeze %dma_wait3A_54 : memref<1x128x128xf32, #tpu.memory_space<vmem>> -> memref<128x128xf32, #tpu.memory_space<vmem>>
    %dma_wait3A_56 = arith.constant 128 : i32
    %dma_wait3A_57 = tpu.memref_slice %arg8[%dma_wait3A_56] : memref<2560xi32, #tpu.memory_space<vmem>> -> memref<128xi32, #tpu.memory_space<vmem>>
    %dma_wait3A_58 = arith.constant 0 : i32
    %dma_wait3A_59 = arith.constant 0 : i32
    %dma_wait3A_60 = tpu.memref_slice %arg4[%dma_wait3A_58, %dma_wait3A_59] : memref<250000x128xf32, #tpu.memory_space<hbm>> -> memref<250000x128xf32, #tpu.memory_space<hbm>>
    tpu.wait_indirect_dma semaphore(%arg13 : memref<!tpu.dma_semaphore, #tpu.memory_space<semaphore_mem>>) src(%dma_wait3A_60 : memref<250000x128xf32, #tpu.memory_space<hbm>>) dst(%dma_wait3A_55 : memref<128x128xf32, #tpu.memory_space<vmem>>)
    %add3A_61 = arith.constant 128 : i32
    %add3A_62 = arith.addi %mul3A_2, %add3A_61 : i32
    %dma_start3A_63 = arith.constant 1 : i32
    %dma_start3A_64 = arith.constant 0 : i32
    %dma_start3A_65 = arith.constant 0 : i32
    %dma_start3A_66 = tpu.memref_slice %arg10[%dma_start3A_63, %dma_start3A_64, %dma_start3A_65] : memref<2x128x128xf32, #tpu.memory_space<vmem>> -> memref<1x128x128xf32, #tpu.memory_space<vmem>>
    %dma_start3A_67 = tpu.memref_squeeze %dma_start3A_66 : memref<1x128x128xf32, #tpu.memory_space<vmem>> -> memref<128x128xf32, #tpu.memory_space<vmem>>
    %dma_start3A_68 = arith.constant 0 : i32
    %dma_start3A_69 = tpu.memref_slice %arg6[%add3A_62, %dma_start3A_68] : memref<81920x128xf32, #tpu.memory_space<hbm>> -> memref<128x128xf32, #tpu.memory_space<hbm>>
    %dma_start3A_70 = arith.constant 0 : i32
    %dma_start3A_71 = tpu.memref_slice %arg6[%add3A_62, %dma_start3A_70] : memref<81920x128xf32, #tpu.memory_space<hbm>> -> memref<128x128xf32, #tpu.memory_space<hbm>>
    %dma_start3A_72 = arith.constant 0 : i32
    %dma_start3A_73 = arith.constant 0 : i32
    %dma_start3A_74 = tpu.memref_slice %arg10[%dma_start3A_63, %dma_start3A_72, %dma_start3A_73] : memref<2x128x128xf32, #tpu.memory_space<vmem>> -> memref<1x128x128xf32, #tpu.memory_space<vmem>>
    %dma_start3A_75 = tpu.memref_squeeze %dma_start3A_74 : memref<1x128x128xf32, #tpu.memory_space<vmem>> -> memref<128x128xf32, #tpu.memory_space<vmem>>
    tpu.enqueue_dma source(%dma_start3A_75 : memref<128x128xf32, #tpu.memory_space<vmem>>) target(%dma_start3A_71 : memref<128x128xf32, #tpu.memory_space<hbm>>) target_semaphore(%arg13 : memref<!tpu.dma_semaphore, #tpu.memory_space<semaphore_mem>>)
    %dma_wait3A_76 = arith.constant 0 : i32
    %dma_wait3A_77 = arith.constant 0 : i32
    %dma_wait3A_78 = arith.constant 0 : i32
    %dma_wait3A_79 = tpu.memref_slice %arg10[%dma_wait3A_76, %dma_wait3A_77, %dma_wait3A_78] : memref<2x128x128xf32, #tpu.memory_space<vmem>> -> memref<1x128x128xf32, #tpu.memory_space<vmem>>
    %dma_wait3A_80 = tpu.memref_squeeze %dma_wait3A_79 : memref<1x128x128xf32, #tpu.memory_space<vmem>> -> memref<128x128xf32, #tpu.memory_space<vmem>>
    %dma_wait3A_81 = arith.constant 0 : i32
    %dma_wait3A_82 = tpu.memref_slice %arg6[%add3A_27, %dma_wait3A_81] : memref<81920x128xf32, #tpu.memory_space<hbm>> -> memref<128x128xf32, #tpu.memory_space<hbm>>
    %dma_wait3A_83 = arith.constant 0 : i32
    %dma_wait3A_84 = tpu.memref_slice %arg6[%add3A_27, %dma_wait3A_83] : memref<81920x128xf32, #tpu.memory_space<hbm>> -> memref<128x128xf32, #tpu.memory_space<hbm>>
    %dma_wait3A_85 = arith.constant 0 : i32
    %dma_wait3A_86 = arith.constant 0 : i32
    %dma_wait3A_87 = tpu.memref_slice %arg10[%dma_wait3A_76, %dma_wait3A_85, %dma_wait3A_86] : memref<2x128x128xf32, #tpu.memory_space<vmem>> -> memref<1x128x128xf32, #tpu.memory_space<vmem>>
    %dma_wait3A_88 = tpu.memref_squeeze %dma_wait3A_87 : memref<1x128x128xf32, #tpu.memory_space<vmem>> -> memref<128x128xf32, #tpu.memory_space<vmem>>
    tpu.wait_dma2 semaphore(%arg12 : memref<!tpu.dma_semaphore, #tpu.memory_space<semaphore_mem>>) src(%dma_wait3A_88 : memref<128x128xf32, #tpu.memory_space<vmem>>) dst(%dma_wait3A_84 : memref<128x128xf32, #tpu.memory_space<hbm>>)
    %dma_start3A_89 = arith.constant 0 : i32
    %dma_start3A_90 = arith.constant 0 : i32
    %dma_start3A_91 = arith.constant 0 : i32
    %dma_start3A_92 = tpu.memref_slice %arg10[%dma_start3A_89, %dma_start3A_90, %dma_start3A_91] : memref<2x128x128xf32, #tpu.memory_space<vmem>> -> memref<1x128x128xf32, #tpu.memory_space<vmem>>
    %dma_start3A_93 = tpu.memref_squeeze %dma_start3A_92 : memref<1x128x128xf32, #tpu.memory_space<vmem>> -> memref<128x128xf32, #tpu.memory_space<vmem>>
    %dma_start3A_94 = arith.constant 256 : i32
    %dma_start3A_95 = tpu.memref_slice %arg8[%dma_start3A_94] : memref<2560xi32, #tpu.memory_space<vmem>> -> memref<128xi32, #tpu.memory_space<vmem>>
    %dma_start3A_96 = arith.constant 0 : i32
    %dma_start3A_97 = arith.constant 0 : i32
    %dma_start3A_98 = tpu.memref_slice %arg4[%dma_start3A_96, %dma_start3A_97] : memref<250000x128xf32, #tpu.memory_space<hbm>> -> memref<250000x128xf32, #tpu.memory_space<hbm>>
    tpu.enqueue_indirect_dma source(%dma_start3A_98 : memref<250000x128xf32, #tpu.memory_space<hbm>>) target(%dma_start3A_93 : memref<128x128xf32, #tpu.memory_space<vmem>>) offsets(%dma_start3A_95 : memref<128xi32, #tpu.memory_space<vmem>>) semaphore(%arg12 : memref<!tpu.dma_semaphore, #tpu.memory_space<semaphore_mem>>)
    %dma_wait3A_99 = arith.constant 0 : i32
    %dma_wait3A_100 = arith.constant 0 : i32
    %dma_wait3A_101 = arith.constant 0 : i32
    %dma_wait3A_102 = tpu.memref_slice %arg10[%dma_wait3A_99, %dma_wait3A_100, %dma_wait3A_101] : memref<2x128x128xf32, #tpu.memory_space<vmem>> -> memref<1x128x128xf32, #tpu.memory_space<vmem>>
    %dma_wait3A_103 = tpu.memref_squeeze %dma_wait3A_102 : memref<1x128x128xf32, #tpu.memory_space<vmem>> -> memref<128x128xf32, #tpu.memory_space<vmem>>
    %dma_wait3A_104 = arith.constant 256 : i32
    %dma_wait3A_105 = tpu.memref_slice %arg8[%dma_wait3A_104] : memref<2560xi32, #tpu.memory_space<vmem>> -> memref<128xi32, #tpu.memory_space<vmem>>
    %dma_wait3A_106 = arith.constant 0 : i32
    %dma_wait3A_107 = arith.constant 0 : i32
    %dma_wait3A_108 = tpu.memref_slice %arg4[%dma_wait3A_106, %dma_wait3A_107] : memref<250000x128xf32, #tpu.memory_space<hbm>> -> memref<250000x128xf32, #tpu.memory_space<hbm>>
    tpu.wait_indirect_dma semaphore(%arg12 : memref<!tpu.dma_semaphore, #tpu.memory_space<semaphore_mem>>) src(%dma_wait3A_108 : memref<250000x128xf32, #tpu.memory_space<hbm>>) dst(%dma_wait3A_103 : memref<128x128xf32, #tpu.memory_space<vmem>>)
    %add3A_109 = arith.constant 256 : i32
    %add3A_110 = arith.addi %mul3A_2, %add3A_109 : i32
    %dma_start3A_111 = arith.constant 0 : i32
    %dma_start3A_112 = arith.constant 0 : i32
    %dma_start3A_113 = arith.constant 0 : i32
    %dma_start3A_114 = tpu.memref_slice %arg10[%dma_start3A_111, %dma_start3A_112, %dma_start3A_113] : memref<2x128x128xf32, #tpu.memory_space<vmem>> -> memref<1x128x128xf32, #tpu.memory_space<vmem>>
    %dma_start3A_115 = tpu.memref_squeeze %dma_start3A_114 : memref<1x128x128xf32, #tpu.memory_space<vmem>> -> memref<128x128xf32, #tpu.memory_space<vmem>>
    %dma_start3A_116 = arith.constant 0 : i32
    %dma_start3A_117 = tpu.memref_slice %arg6[%add3A_110, %dma_start3A_116] : memref<81920x128xf32, #tpu.memory_space<hbm>> -> memref<128x128xf32, #tpu.memory_space<hbm>>
    %dma_start3A_118 = arith.constant 0 : i32
    %dma_start3A_119 = tpu.memref_slice %arg6[%add3A_110, %dma_start3A_118] : memref<81920x128xf32, #tpu.memory_space<hbm>> -> memref<128x128xf32, #tpu.memory_space<hbm>>
    %dma_start3A_120 = arith.constant 0 : i32
    %dma_start3A_121 = arith.constant 0 : i32
    %dma_start3A_122 = tpu.memref_slice %arg10[%dma_start3A_111, %dma_start3A_120, %dma_start3A_121] : memref<2x128x128xf32, #tpu.memory_space<vmem>> -> memref<1x128x128xf32, #tpu.memory_space<vmem>>
    %dma_start3A_123 = tpu.memref_squeeze %dma_start3A_122 : memref<1x128x128xf32, #tpu.memory_space<vmem>> -> memref<128x128xf32, #tpu.memory_space<vmem>>
    tpu.enqueue_dma source(%dma_start3A_123 : memref<128x128xf32, #tpu.memory_space<vmem>>) target(%dma_start3A_119 : memref<128x128xf32, #tpu.memory_space<hbm>>) target_semaphore(%arg12 : memref<!tpu.dma_semaphore, #tpu.memory_space<semaphore_mem>>)
    %dma_wait3A_124 = arith.constant 1 : i32
    %dma_wait3A_125 = arith.constant 0 : i32
    %dma_wait3A_126 = arith.constant 0 : i32
    %dma_wait3A_127 = tpu.memref_slice %arg10[%dma_wait3A_124, %dma_wait3A_125, %dma_wait3A_126] : memref<2x128x128xf32, #tpu.memory_space<vmem>> -> memref<1x128x128xf32, #tpu.memory_space<vmem>>
    %dma_wait3A_128 = tpu.memref_squeeze %dma_wait3A_127 : memref<1x128x128xf32, #tpu.memory_space<vmem>> -> memref<128x128xf32, #tpu.memory_space<vmem>>
    %dma_wait3A_129 = arith.constant 0 : i32
    %dma_wait3A_130 = tpu.memref_slice %arg6[%add3A_62, %dma_wait3A_129] : memref<81920x128xf32, #tpu.memory_space<hbm>> -> memref<128x128xf32, #tpu.memory_space<hbm>>
    %dma_wait3A_131 = arith.constant 0 : i32
    %dma_wait3A_132 = tpu.memref_slice %arg6[%add3A_62, %dma_wait3A_131] : memref<81920x128xf32, #tpu.memory_space<hbm>> -> memref<128x128xf32, #tpu.memory_space<hbm>>
    %dma_wait3A_133 = arith.constant 0 : i32
    %dma_wait3A_134 = arith.constant 0 : i32
    %dma_wait3A_135 = tpu.memref_slice %arg10[%dma_wait3A_124, %dma_wait3A_133, %dma_wait3A_134] : memref<2x128x128xf32, #tpu.memory_space<vmem>> -> memref<1x128x128xf32, #tpu.memory_space<vmem>>
    %dma_wait3A_136 = tpu.memref_squeeze %dma_wait3A_135 : memref<1x128x128xf32, #tpu.memory_space<vmem>> -> memref<128x128xf32, #tpu.memory_space<vmem>>
    tpu.wait_dma2 semaphore(%arg13 : memref<!tpu.dma_semaphore, #tpu.memory_space<semaphore_mem>>) src(%dma_wait3A_136 : memref<128x128xf32, #tpu.memory_space<vmem>>) dst(%dma_wait3A_132 : memref<128x128xf32, #tpu.memory_space<hbm>>)
    %dma_start3A_137 = arith.constant 1 : i32
    %dma_start3A_138 = arith.constant 0 : i32
    %dma_start3A_139 = arith.constant 0 : i32
    %dma_start3A_140 = tpu.memref_slice %arg10[%dma_start3A_137, %dma_start3A_138, %dma_start3A_139] : memref<2x128x128xf32, #tpu.memory_space<vmem>> -> memref<1x128x128xf32, #tpu.memory_space<vmem>>
    %dma_start3A_141 = tpu.memref_squeeze %dma_start3A_140 : memref<1x128x128xf32, #tpu.memory_space<vmem>> -> memref<128x128xf32, #tpu.memory_space<vmem>>
    %dma_start3A_142 = arith.constant 384 : i32
    %dma_start3A_143 = tpu.memref_slice %arg8[%dma_start3A_142] : memref<2560xi32, #tpu.memory_space<vmem>> -> memref<128xi32, #tpu.memory_space<vmem>>
    %dma_start3A_144 = arith.constant 0 : i32
    %dma_start3A_145 = arith.constant 0 : i32
    %dma_start3A_146 = tpu.memref_slice %arg4[%dma_start3A_144, %dma_start3A_145] : memref<250000x128xf32, #tpu.memory_space<hbm>> -> memref<250000x128xf32, #tpu.memory_space<hbm>>
    tpu.enqueue_indirect_dma source(%dma_start3A_146 : memref<250000x128xf32, #tpu.memory_space<hbm>>) target(%dma_start3A_141 : memref<128x128xf32, #tpu.memory_space<vmem>>) offsets(%dma_start3A_143 : memref<128xi32, #tpu.memory_space<vmem>>) semaphore(%arg13 : memref<!tpu.dma_semaphore, #tpu.memory_space<semaphore_mem>>)
    %dma_wait3A_147 = arith.constant 1 : i32
    %dma_wait3A_148 = arith.constant 0 : i32
    %dma_wait3A_149 = arith.constant 0 : i32
    %dma_wait3A_150 = tpu.memref_slice %arg10[%dma_wait3A_147, %dma_wait3A_148, %dma_wait3A_149] : memref<2x128x128xf32, #tpu.memory_space<vmem>> -> memref<1x128x128xf32, #tpu.memory_space<vmem>>
    %dma_wait3A_151 = tpu.memref_squeeze %dma_wait3A_150 : memref<1x128x128xf32, #tpu.memory_space<vmem>> -> memref<128x128xf32, #tpu.memory_space<vmem>>
    %dma_wait3A_152 = arith.constant 384 : i32
    %dma_wait3A_153 = tpu.memref_slice %arg8[%dma_wait3A_152] : memref<2560xi32, #tpu.memory_space<vmem>> -> memref<128xi32, #tpu.memory_space<vmem>>
    %dma_wait3A_154 = arith.constant 0 : i32
    %dma_wait3A_155 = arith.constant 0 : i32
    %dma_wait3A_156 = tpu.memref_slice %arg4[%dma_wait3A_154, %dma_wait3A_155] : memref<250000x128xf32, #tpu.memory_space<hbm>> -> memref<250000x128xf32, #tpu.memory_space<hbm>>
    tpu.wait_indirect_dma semaphore(%arg13 : memref<!tpu.dma_semaphore, #tpu.memory_space<semaphore_mem>>) src(%dma_wait3A_156 : memref<250000x128xf32, #tpu.memory_space<hbm>>) dst(%dma_wait3A_151 : memref<128x128xf32, #tpu.memory_space<vmem>>)
    %add3A_157 = arith.constant 384 : i32
    %add3A_158 = arith.addi %mul3A_2, %add3A_157 : i32
    %dma_start3A_159 = arith.constant 1 : i32
    %dma_start3A_160 = arith.constant 0 : i32
    %dma_start3A_161 = arith.constant 0 : i32
    %dma_start3A_162 = tpu.memref_slice %arg10[%dma_start3A_159, %dma_start3A_160, %dma_start3A_161] : memref<2x128x128xf32, #tpu.memory_space<vmem>> -> memref<1x128x128xf32, #tpu.memory_space<vmem>>
    %dma_start3A_163 = tpu.memref_squeeze %dma_start3A_162 : memref<1x128x128xf32, #tpu.memory_space<vmem>> -> memref<128x128xf32, #tpu.memory_space<vmem>>
    %dma_start3A_164 = arith.constant 0 : i32
    %dma_start3A_165 = tpu.memref_slice %arg6[%add3A_158, %dma_start3A_164] : memref<81920x128xf32, #tpu.memory_space<hbm>> -> memref<128x128xf32, #tpu.memory_space<hbm>>
    %dma_start3A_166 = arith.constant 0 : i32
    %dma_start3A_167 = tpu.memref_slice %arg6[%add3A_158, %dma_start3A_166] : memref<81920x128xf32, #tpu.memory_space<hbm>> -> memref<128x128xf32, #tpu.memory_space<hbm>>
    %dma_start3A_168 = arith.constant 0 : i32
    %dma_start3A_169 = arith.constant 0 : i32
    %dma_start3A_170 = tpu.memref_slice %arg10[%dma_start3A_159, %dma_start3A_168, %dma_start3A_169] : memref<2x128x128xf32, #tpu.memory_space<vmem>> -> memref<1x128x128xf32, #tpu.memory_space<vmem>>
    %dma_start3A_171 = tpu.memref_squeeze %dma_start3A_170 : memref<1x128x128xf32, #tpu.memory_space<vmem>> -> memref<128x128xf32, #tpu.memory_space<vmem>>
    tpu.enqueue_dma source(%dma_start3A_171 : memref<128x128xf32, #tpu.memory_space<vmem>>) target(%dma_start3A_167 : memref<128x128xf32, #tpu.memory_space<hbm>>) target_semaphore(%arg13 : memref<!tpu.dma_semaphore, #tpu.memory_space<semaphore_mem>>)
    %dma_wait3A_172 = arith.constant 0 : i32
    %dma_wait3A_173 = arith.constant 0 : i32
    %dma_wait3A_174 = arith.constant 0 : i32
    %dma_wait3A_175 = tpu.memref_slice %arg10[%dma_wait3A_172, %dma_wait3A_173, %dma_wait3A_174] : memref<2x128x128xf32, #tpu.memory_space<vmem>> -> memref<1x128x128xf32, #tpu.memory_space<vmem>>
    %dma_wait3A_176 = tpu.memref_squeeze %dma_wait3A_175 : memref<1x128x128xf32, #tpu.memory_space<vmem>> -> memref<128x128xf32, #tpu.memory_space<vmem>>
    %dma_wait3A_177 = arith.constant 0 : i32
    %dma_wait3A_178 = tpu.memref_slice %arg6[%add3A_110, %dma_wait3A_177] : memref<81920x128xf32, #tpu.memory_space<hbm>> -> memref<128x128xf32, #tpu.memory_space<hbm>>
    %dma_wait3A_179 = arith.constant 0 : i32
    %dma_wait3A_180 = tpu.memref_slice %arg6[%add3A_110, %dma_wait3A_179] : memref<81920x128xf32, #tpu.memory_space<hbm>> -> memref<128x128xf32, #tpu.memory_space<hbm>>
    %dma_wait3A_181 = arith.constant 0 : i32
    %dma_wait3A_182 = arith.constant 0 : i32
    %dma_wait3A_183 = tpu.memref_slice %arg10[%dma_wait3A_172, %dma_wait3A_181, %dma_wait3A_182] : memref<2x128x128xf32, #tpu.memory_space<vmem>> -> memref<1x128x128xf32, #tpu.memory_space<vmem>>
    %dma_wait3A_184 = tpu.memref_squeeze %dma_wait3A_183 : memref<1x128x128xf32, #tpu.memory_space<vmem>> -> memref<128x128xf32, #tpu.memory_space<vmem>>
    tpu.wait_dma2 semaphore(%arg12 : memref<!tpu.dma_semaphore, #tpu.memory_space<semaphore_mem>>) src(%dma_wait3A_184 : memref<128x128xf32, #tpu.memory_space<vmem>>) dst(%dma_wait3A_180 : memref<128x128xf32, #tpu.memory_space<hbm>>)
    %dma_start3A_185 = arith.constant 0 : i32
    %dma_start3A_186 = arith.constant 0 : i32
    %dma_start3A_187 = arith.constant 0 : i32
    %dma_start3A_188 = tpu.memref_slice %arg10[%dma_start3A_185, %dma_start3A_186, %dma_start3A_187] : memref<2x128x128xf32, #tpu.memory_space<vmem>> -> memref<1x128x128xf32, #tpu.memory_space<vmem>>
    %dma_start3A_189 = tpu.memref_squeeze %dma_start3A_188 : memref<1x128x128xf32, #tpu.memory_space<vmem>> -> memref<128x128xf32, #tpu.memory_space<vmem>>
    %dma_start3A_190 = arith.constant 512 : i32
    %dma_start3A_191 = tpu.memref_slice %arg8[%dma_start3A_190] : memref<2560xi32, #tpu.memory_space<vmem>> -> memref<128xi32, #tpu.memory_space<vmem>>
    %dma_start3A_192 = arith.constant 0 : i32
    %dma_start3A_193 = arith.constant 0 : i32
    %dma_start3A_194 = tpu.memref_slice %arg4[%dma_start3A_192, %dma_start3A_193] : memref<250000x128xf32, #tpu.memory_space<hbm>> -> memref<250000x128xf32, #tpu.memory_space<hbm>>
    tpu.enqueue_indirect_dma source(%dma_start3A_194 : memref<250000x128xf32, #tpu.memory_space<hbm>>) target(%dma_start3A_189 : memref<128x128xf32, #tpu.memory_space<vmem>>) offsets(%dma_start3A_191 : memref<128xi32, #tpu.memory_space<vmem>>) semaphore(%arg12 : memref<!tpu.dma_semaphore, #tpu.memory_space<semaphore_mem>>)
    %dma_wait3A_195 = arith.constant 0 : i32
    %dma_wait3A_196 = arith.constant 0 : i32
    %dma_wait3A_197 = arith.constant 0 : i32
    %dma_wait3A_198 = tpu.memref_slice %arg10[%dma_wait3A_195, %dma_wait3A_196, %dma_wait3A_197] : memref<2x128x128xf32, #tpu.memory_space<vmem>> -> memref<1x128x128xf32, #tpu.memory_space<vmem>>
    %dma_wait3A_199 = tpu.memref_squeeze %dma_wait3A_198 : memref<1x128x128xf32, #tpu.memory_space<vmem>> -> memref<128x128xf32, #tpu.memory_space<vmem>>
    %dma_wait3A_200 = arith.constant 512 : i32
    %dma_wait3A_201 = tpu.memref_slice %arg8[%dma_wait3A_200] : memref<2560xi32, #tpu.memory_space<vmem>> -> memref<128xi32, #tpu.memory_space<vmem>>
    %dma_wait3A_202 = arith.constant 0 : i32
    %dma_wait3A_203 = arith.constant 0 : i32
    %dma_wait3A_204 = tpu.memref_slice %arg4[%dma_wait3A_202, %dma_wait3A_203] : memref<250000x128xf32, #tpu.memory_space<hbm>> -> memref<250000x128xf32, #tpu.memory_space<hbm>>
    tpu.wait_indirect_dma semaphore(%arg12 : memref<!tpu.dma_semaphore, #tpu.memory_space<semaphore_mem>>) src(%dma_wait3A_204 : memref<250000x128xf32, #tpu.memory_space<hbm>>) dst(%dma_wait3A_199 : memref<128x128xf32, #tpu.memory_space<vmem>>)
    %add3A_205 = arith.constant 512 : i32
    %add3A_206 = arith.addi %mul3A_2, %add3A_205 : i32
    %dma_start3A_207 = arith.constant 0 : i32
    %dma_start3A_208 = arith.constant 0 : i32
    %dma_start3A_209 = arith.constant 0 : i32
    %dma_start3A_210 = tpu.memref_slice %arg10[%dma_start3A_207, %dma_start3A_208, %dma_start3A_209] : memref<2x128x128xf32, #tpu.memory_space<vmem>> -> memref<1x128x128xf32, #tpu.memory_space<vmem>>
    %dma_start3A_211 = tpu.memref_squeeze %dma_start3A_210 : memref<1x128x128xf32, #tpu.memory_space<vmem>> -> memref<128x128xf32, #tpu.memory_space<vmem>>
    %dma_start3A_212 = arith.constant 0 : i32
    %dma_start3A_213 = tpu.memref_slice %arg6[%add3A_206, %dma_start3A_212] : memref<81920x128xf32, #tpu.memory_space<hbm>> -> memref<128x128xf32, #tpu.memory_space<hbm>>
    %dma_start3A_214 = arith.constant 0 : i32
    %dma_start3A_215 = tpu.memref_slice %arg6[%add3A_206, %dma_start3A_214] : memref<81920x128xf32, #tpu.memory_space<hbm>> -> memref<128x128xf32, #tpu.memory_space<hbm>>
    %dma_start3A_216 = arith.constant 0 : i32
    %dma_start3A_217 = arith.constant 0 : i32
    %dma_start3A_218 = tpu.memref_slice %arg10[%dma_start3A_207, %dma_start3A_216, %dma_start3A_217] : memref<2x128x128xf32, #tpu.memory_space<vmem>> -> memref<1x128x128xf32, #tpu.memory_space<vmem>>
    %dma_start3A_219 = tpu.memref_squeeze %dma_start3A_218 : memref<1x128x128xf32, #tpu.memory_space<vmem>> -> memref<128x128xf32, #tpu.memory_space<vmem>>
    tpu.enqueue_dma source(%dma_start3A_219 : memref<128x128xf32, #tpu.memory_space<vmem>>) target(%dma_start3A_215 : memref<128x128xf32, #tpu.memory_space<hbm>>) target_semaphore(%arg12 : memref<!tpu.dma_semaphore, #tpu.memory_space<semaphore_mem>>)
    %dma_wait3A_220 = arith.constant 1 : i32
    %dma_wait3A_221 = arith.constant 0 : i32
    %dma_wait3A_222 = arith.constant 0 : i32
    %dma_wait3A_223 = tpu.memref_slice %arg10[%dma_wait3A_220, %dma_wait3A_221, %dma_wait3A_222] : memref<2x128x128xf32, #tpu.memory_space<vmem>> -> memref<1x128x128xf32, #tpu.memory_space<vmem>>
    %dma_wait3A_224 = tpu.memref_squeeze %dma_wait3A_223 : memref<1x128x128xf32, #tpu.memory_space<vmem>> -> memref<128x128xf32, #tpu.memory_space<vmem>>
    %dma_wait3A_225 = arith.constant 0 : i32
    %dma_wait3A_226 = tpu.memref_slice %arg6[%add3A_158, %dma_wait3A_225] : memref<81920x128xf32, #tpu.memory_space<hbm>> -> memref<128x128xf32, #tpu.memory_space<hbm>>
    %dma_wait3A_227 = arith.constant 0 : i32
    %dma_wait3A_228 = tpu.memref_slice %arg6[%add3A_158, %dma_wait3A_227] : memref<81920x128xf32, #tpu.memory_space<hbm>> -> memref<128x128xf32, #tpu.memory_space<hbm>>
    %dma_wait3A_229 = arith.constant 0 : i32
    %dma_wait3A_230 = arith.constant 0 : i32
    %dma_wait3A_231 = tpu.memref_slice %arg10[%dma_wait3A_220, %dma_wait3A_229, %dma_wait3A_230] : memref<2x128x128xf32, #tpu.memory_space<vmem>> -> memref<1x128x128xf32, #tpu.memory_space<vmem>>
    %dma_wait3A_232 = tpu.memref_squeeze %dma_wait3A_231 : memref<1x128x128xf32, #tpu.memory_space<vmem>> -> memref<128x128xf32, #tpu.memory_space<vmem>>
    tpu.wait_dma2 semaphore(%arg13 : memref<!tpu.dma_semaphore, #tpu.memory_space<semaphore_mem>>) src(%dma_wait3A_232 : memref<128x128xf32, #tpu.memory_space<vmem>>) dst(%dma_wait3A_228 : memref<128x128xf32, #tpu.memory_space<hbm>>)
    %dma_start3A_233 = arith.constant 1 : i32
    %dma_start3A_234 = arith.constant 0 : i32
    %dma_start3A_235 = arith.constant 0 : i32
    %dma_start3A_236 = tpu.memref_slice %arg10[%dma_start3A_233, %dma_start3A_234, %dma_start3A_235] : memref<2x128x128xf32, #tpu.memory_space<vmem>> -> memref<1x128x128xf32, #tpu.memory_space<vmem>>
    %dma_start3A_237 = tpu.memref_squeeze %dma_start3A_236 : memref<1x128x128xf32, #tpu.memory_space<vmem>> -> memref<128x128xf32, #tpu.memory_space<vmem>>
    %dma_start3A_238 = arith.constant 640 : i32
    %dma_start3A_239 = tpu.memref_slice %arg8[%dma_start3A_238] : memref<2560xi32, #tpu.memory_space<vmem>> -> memref<128xi32, #tpu.memory_space<vmem>>
    %dma_start3A_240 = arith.constant 0 : i32
    %dma_start3A_241 = arith.constant 0 : i32
    %dma_start3A_242 = tpu.memref_slice %arg4[%dma_start3A_240, %dma_start3A_241] : memref<250000x128xf32, #tpu.memory_space<hbm>> -> memref<250000x128xf32, #tpu.memory_space<hbm>>
    tpu.enqueue_indirect_dma source(%dma_start3A_242 : memref<250000x128xf32, #tpu.memory_space<hbm>>) target(%dma_start3A_237 : memref<128x128xf32, #tpu.memory_space<vmem>>) offsets(%dma_start3A_239 : memref<128xi32, #tpu.memory_space<vmem>>) semaphore(%arg13 : memref<!tpu.dma_semaphore, #tpu.memory_space<semaphore_mem>>)
    %dma_wait3A_243 = arith.constant 1 : i32
    %dma_wait3A_244 = arith.constant 0 : i32
    %dma_wait3A_245 = arith.constant 0 : i32
    %dma_wait3A_246 = tpu.memref_slice %arg10[%dma_wait3A_243, %dma_wait3A_244, %dma_wait3A_245] : memref<2x128x128xf32, #tpu.memory_space<vmem>> -> memref<1x128x128xf32, #tpu.memory_space<vmem>>
    %dma_wait3A_247 = tpu.memref_squeeze %dma_wait3A_246 : memref<1x128x128xf32, #tpu.memory_space<vmem>> -> memref<128x128xf32, #tpu.memory_space<vmem>>
    %dma_wait3A_248 = arith.constant 640 : i32
    %dma_wait3A_249 = tpu.memref_slice %arg8[%dma_wait3A_248] : memref<2560xi32, #tpu.memory_space<vmem>> -> memref<128xi32, #tpu.memory_space<vmem>>
    %dma_wait3A_250 = arith.constant 0 : i32
    %dma_wait3A_251 = arith.constant 0 : i32
    %dma_wait3A_252 = tpu.memref_slice %arg4[%dma_wait3A_250, %dma_wait3A_251] : memref<250000x128xf32, #tpu.memory_space<hbm>> -> memref<250000x128xf32, #tpu.memory_space<hbm>>
    tpu.wait_indirect_dma semaphore(%arg13 : memref<!tpu.dma_semaphore, #tpu.memory_space<semaphore_mem>>) src(%dma_wait3A_252 : memref<250000x128xf32, #tpu.memory_space<hbm>>) dst(%dma_wait3A_247 : memref<128x128xf32, #tpu.memory_space<vmem>>)
    %add3A_253 = arith.constant 640 : i32
    %add3A_254 = arith.addi %mul3A_2, %add3A_253 : i32
    %dma_start3A_255 = arith.constant 1 : i32
    %dma_start3A_256 = arith.constant 0 : i32
    %dma_start3A_257 = arith.constant 0 : i32
    %dma_start3A_258 = tpu.memref_slice %arg10[%dma_start3A_255, %dma_start3A_256, %dma_start3A_257] : memref<2x128x128xf32, #tpu.memory_space<vmem>> -> memref<1x128x128xf32, #tpu.memory_space<vmem>>
    %dma_start3A_259 = tpu.memref_squeeze %dma_start3A_258 : memref<1x128x128xf32, #tpu.memory_space<vmem>> -> memref<128x128xf32, #tpu.memory_space<vmem>>
    %dma_start3A_260 = arith.constant 0 : i32
    %dma_start3A_261 = tpu.memref_slice %arg6[%add3A_254, %dma_start3A_260] : memref<81920x128xf32, #tpu.memory_space<hbm>> -> memref<128x128xf32, #tpu.memory_space<hbm>>
    %dma_start3A_262 = arith.constant 0 : i32
    %dma_start3A_263 = tpu.memref_slice %arg6[%add3A_254, %dma_start3A_262] : memref<81920x128xf32, #tpu.memory_space<hbm>> -> memref<128x128xf32, #tpu.memory_space<hbm>>
    %dma_start3A_264 = arith.constant 0 : i32
    %dma_start3A_265 = arith.constant 0 : i32
    %dma_start3A_266 = tpu.memref_slice %arg10[%dma_start3A_255, %dma_start3A_264, %dma_start3A_265] : memref<2x128x128xf32, #tpu.memory_space<vmem>> -> memref<1x128x128xf32, #tpu.memory_space<vmem>>
    %dma_start3A_267 = tpu.memref_squeeze %dma_start3A_266 : memref<1x128x128xf32, #tpu.memory_space<vmem>> -> memref<128x128xf32, #tpu.memory_space<vmem>>
    tpu.enqueue_dma source(%dma_start3A_267 : memref<128x128xf32, #tpu.memory_space<vmem>>) target(%dma_start3A_263 : memref<128x128xf32, #tpu.memory_space<hbm>>) target_semaphore(%arg13 : memref<!tpu.dma_semaphore, #tpu.memory_space<semaphore_mem>>)
    %dma_wait3A_268 = arith.constant 0 : i32
    %dma_wait3A_269 = arith.constant 0 : i32
    %dma_wait3A_270 = arith.constant 0 : i32
    %dma_wait3A_271 = tpu.memref_slice %arg10[%dma_wait3A_268, %dma_wait3A_269, %dma_wait3A_270] : memref<2x128x128xf32, #tpu.memory_space<vmem>> -> memref<1x128x128xf32, #tpu.memory_space<vmem>>
    %dma_wait3A_272 = tpu.memref_squeeze %dma_wait3A_271 : memref<1x128x128xf32, #tpu.memory_space<vmem>> -> memref<128x128xf32, #tpu.memory_space<vmem>>
    %dma_wait3A_273 = arith.constant 0 : i32
    %dma_wait3A_274 = tpu.memref_slice %arg6[%add3A_206, %dma_wait3A_273] : memref<81920x128xf32, #tpu.memory_space<hbm>> -> memref<128x128xf32, #tpu.memory_space<hbm>>
    %dma_wait3A_275 = arith.constant 0 : i32
    %dma_wait3A_276 = tpu.memref_slice %arg6[%add3A_206, %dma_wait3A_275] : memref<81920x128xf32, #tpu.memory_space<hbm>> -> memref<128x128xf32, #tpu.memory_space<hbm>>
    %dma_wait3A_277 = arith.constant 0 : i32
    %dma_wait3A_278 = arith.constant 0 : i32
    %dma_wait3A_279 = tpu.memref_slice %arg10[%dma_wait3A_268, %dma_wait3A_277, %dma_wait3A_278] : memref<2x128x128xf32, #tpu.memory_space<vmem>> -> memref<1x128x128xf32, #tpu.memory_space<vmem>>
    %dma_wait3A_280 = tpu.memref_squeeze %dma_wait3A_279 : memref<1x128x128xf32, #tpu.memory_space<vmem>> -> memref<128x128xf32, #tpu.memory_space<vmem>>
    tpu.wait_dma2 semaphore(%arg12 : memref<!tpu.dma_semaphore, #tpu.memory_space<semaphore_mem>>) src(%dma_wait3A_280 : memref<128x128xf32, #tpu.memory_space<vmem>>) dst(%dma_wait3A_276 : memref<128x128xf32, #tpu.memory_space<hbm>>)
    %dma_start3A_281 = arith.constant 0 : i32
    %dma_start3A_282 = arith.constant 0 : i32
    %dma_start3A_283 = arith.constant 0 : i32
    %dma_start3A_284 = tpu.memref_slice %arg10[%dma_start3A_281, %dma_start3A_282, %dma_start3A_283] : memref<2x128x128xf32, #tpu.memory_space<vmem>> -> memref<1x128x128xf32, #tpu.memory_space<vmem>>
    %dma_start3A_285 = tpu.memref_squeeze %dma_start3A_284 : memref<1x128x128xf32, #tpu.memory_space<vmem>> -> memref<128x128xf32, #tpu.memory_space<vmem>>
    %dma_start3A_286 = arith.constant 768 : i32
    %dma_start3A_287 = tpu.memref_slice %arg8[%dma_start3A_286] : memref<2560xi32, #tpu.memory_space<vmem>> -> memref<128xi32, #tpu.memory_space<vmem>>
    %dma_start3A_288 = arith.constant 0 : i32
    %dma_start3A_289 = arith.constant 0 : i32
    %dma_start3A_290 = tpu.memref_slice %arg4[%dma_start3A_288, %dma_start3A_289] : memref<250000x128xf32, #tpu.memory_space<hbm>> -> memref<250000x128xf32, #tpu.memory_space<hbm>>
    tpu.enqueue_indirect_dma source(%dma_start3A_290 : memref<250000x128xf32, #tpu.memory_space<hbm>>) target(%dma_start3A_285 : memref<128x128xf32, #tpu.memory_space<vmem>>) offsets(%dma_start3A_287 : memref<128xi32, #tpu.memory_space<vmem>>) semaphore(%arg12 : memref<!tpu.dma_semaphore, #tpu.memory_space<semaphore_mem>>)
    %dma_wait3A_291 = arith.constant 0 : i32
    %dma_wait3A_292 = arith.constant 0 : i32
    %dma_wait3A_293 = arith.constant 0 : i32
    %dma_wait3A_294 = tpu.memref_slice %arg10[%dma_wait3A_291, %dma_wait3A_292, %dma_wait3A_293] : memref<2x128x128xf32, #tpu.memory_space<vmem>> -> memref<1x128x128xf32, #tpu.memory_space<vmem>>
    %dma_wait3A_295 = tpu.memref_squeeze %dma_wait3A_294 : memref<1x128x128xf32, #tpu.memory_space<vmem>> -> memref<128x128xf32, #tpu.memory_space<vmem>>
    %dma_wait3A_296 = arith.constant 768 : i32
    %dma_wait3A_297 = tpu.memref_slice %arg8[%dma_wait3A_296] : memref<2560xi32, #tpu.memory_space<vmem>> -> memref<128xi32, #tpu.memory_space<vmem>>
    %dma_wait3A_298 = arith.constant 0 : i32
    %dma_wait3A_299 = arith.constant 0 : i32
    %dma_wait3A_300 = tpu.memref_slice %arg4[%dma_wait3A_298, %dma_wait3A_299] : memref<250000x128xf32, #tpu.memory_space<hbm>> -> memref<250000x128xf32, #tpu.memory_space<hbm>>
    tpu.wait_indirect_dma semaphore(%arg12 : memref<!tpu.dma_semaphore, #tpu.memory_space<semaphore_mem>>) src(%dma_wait3A_300 : memref<250000x128xf32, #tpu.memory_space<hbm>>) dst(%dma_wait3A_295 : memref<128x128xf32, #tpu.memory_space<vmem>>)
    %add3A_301 = arith.constant 768 : i32
    %add3A_302 = arith.addi %mul3A_2, %add3A_301 : i32
    %dma_start3A_303 = arith.constant 0 : i32
    %dma_start3A_304 = arith.constant 0 : i32
    %dma_start3A_305 = arith.constant 0 : i32
    %dma_start3A_306 = tpu.memref_slice %arg10[%dma_start3A_303, %dma_start3A_304, %dma_start3A_305] : memref<2x128x128xf32, #tpu.memory_space<vmem>> -> memref<1x128x128xf32, #tpu.memory_space<vmem>>
    %dma_start3A_307 = tpu.memref_squeeze %dma_start3A_306 : memref<1x128x128xf32, #tpu.memory_space<vmem>> -> memref<128x128xf32, #tpu.memory_space<vmem>>
    %dma_start3A_308 = arith.constant 0 : i32
    %dma_start3A_309 = tpu.memref_slice %arg6[%add3A_302, %dma_start3A_308] : memref<81920x128xf32, #tpu.memory_space<hbm>> -> memref<128x128xf32, #tpu.memory_space<hbm>>
    %dma_start3A_310 = arith.constant 0 : i32
    %dma_start3A_311 = tpu.memref_slice %arg6[%add3A_302, %dma_start3A_310] : memref<81920x128xf32, #tpu.memory_space<hbm>> -> memref<128x128xf32, #tpu.memory_space<hbm>>
    %dma_start3A_312 = arith.constant 0 : i32
    %dma_start3A_313 = arith.constant 0 : i32
    %dma_start3A_314 = tpu.memref_slice %arg10[%dma_start3A_303, %dma_start3A_312, %dma_start3A_313] : memref<2x128x128xf32, #tpu.memory_space<vmem>> -> memref<1x128x128xf32, #tpu.memory_space<vmem>>
    %dma_start3A_315 = tpu.memref_squeeze %dma_start3A_314 : memref<1x128x128xf32, #tpu.memory_space<vmem>> -> memref<128x128xf32, #tpu.memory_space<vmem>>
    tpu.enqueue_dma source(%dma_start3A_315 : memref<128x128xf32, #tpu.memory_space<vmem>>) target(%dma_start3A_311 : memref<128x128xf32, #tpu.memory_space<hbm>>) target_semaphore(%arg12 : memref<!tpu.dma_semaphore, #tpu.memory_space<semaphore_mem>>)
    %dma_wait3A_316 = arith.constant 1 : i32
    %dma_wait3A_317 = arith.constant 0 : i32
    %dma_wait3A_318 = arith.constant 0 : i32
    %dma_wait3A_319 = tpu.memref_slice %arg10[%dma_wait3A_316, %dma_wait3A_317, %dma_wait3A_318] : memref<2x128x128xf32, #tpu.memory_space<vmem>> -> memref<1x128x128xf32, #tpu.memory_space<vmem>>
    %dma_wait3A_320 = tpu.memref_squeeze %dma_wait3A_319 : memref<1x128x128xf32, #tpu.memory_space<vmem>> -> memref<128x128xf32, #tpu.memory_space<vmem>>
    %dma_wait3A_321 = arith.constant 0 : i32
    %dma_wait3A_322 = tpu.memref_slice %arg6[%add3A_254, %dma_wait3A_321] : memref<81920x128xf32, #tpu.memory_space<hbm>> -> memref<128x128xf32, #tpu.memory_space<hbm>>
    %dma_wait3A_323 = arith.constant 0 : i32
    %dma_wait3A_324 = tpu.memref_slice %arg6[%add3A_254, %dma_wait3A_323] : memref<81920x128xf32, #tpu.memory_space<hbm>> -> memref<128x128xf32, #tpu.memory_space<hbm>>
    %dma_wait3A_325 = arith.constant 0 : i32
    %dma_wait3A_326 = arith.constant 0 : i32
    %dma_wait3A_327 = tpu.memref_slice %arg10[%dma_wait3A_316, %dma_wait3A_325, %dma_wait3A_326] : memref<2x128x128xf32, #tpu.memory_space<vmem>> -> memref<1x128x128xf32, #tpu.memory_space<vmem>>
    %dma_wait3A_328 = tpu.memref_squeeze %dma_wait3A_327 : memref<1x128x128xf32, #tpu.memory_space<vmem>> -> memref<128x128xf32, #tpu.memory_space<vmem>>
    tpu.wait_dma2 semaphore(%arg13 : memref<!tpu.dma_semaphore, #tpu.memory_space<semaphore_mem>>) src(%dma_wait3A_328 : memref<128x128xf32, #tpu.memory_space<vmem>>) dst(%dma_wait3A_324 : memref<128x128xf32, #tpu.memory_space<hbm>>)
    %dma_start3A_329 = arith.constant 1 : i32
    %dma_start3A_330 = arith.constant 0 : i32
    %dma_start3A_331 = arith.constant 0 : i32
    %dma_start3A_332 = tpu.memref_slice %arg10[%dma_start3A_329, %dma_start3A_330, %dma_start3A_331] : memref<2x128x128xf32, #tpu.memory_space<vmem>> -> memref<1x128x128xf32, #tpu.memory_space<vmem>>
    %dma_start3A_333 = tpu.memref_squeeze %dma_start3A_332 : memref<1x128x128xf32, #tpu.memory_space<vmem>> -> memref<128x128xf32, #tpu.memory_space<vmem>>
    %dma_start3A_334 = arith.constant 896 : i32
    %dma_start3A_335 = tpu.memref_slice %arg8[%dma_start3A_334] : memref<2560xi32, #tpu.memory_space<vmem>> -> memref<128xi32, #tpu.memory_space<vmem>>
    %dma_start3A_336 = arith.constant 0 : i32
    %dma_start3A_337 = arith.constant 0 : i32
    %dma_start3A_338 = tpu.memref_slice %arg4[%dma_start3A_336, %dma_start3A_337] : memref<250000x128xf32, #tpu.memory_space<hbm>> -> memref<250000x128xf32, #tpu.memory_space<hbm>>
    tpu.enqueue_indirect_dma source(%dma_start3A_338 : memref<250000x128xf32, #tpu.memory_space<hbm>>) target(%dma_start3A_333 : memref<128x128xf32, #tpu.memory_space<vmem>>) offsets(%dma_start3A_335 : memref<128xi32, #tpu.memory_space<vmem>>) semaphore(%arg13 : memref<!tpu.dma_semaphore, #tpu.memory_space<semaphore_mem>>)
    %dma_wait3A_339 = arith.constant 1 : i32
    %dma_wait3A_340 = arith.constant 0 : i32
    %dma_wait3A_341 = arith.constant 0 : i32
    %dma_wait3A_342 = tpu.memref_slice %arg10[%dma_wait3A_339, %dma_wait3A_340, %dma_wait3A_341] : memref<2x128x128xf32, #tpu.memory_space<vmem>> -> memref<1x128x128xf32, #tpu.memory_space<vmem>>
    %dma_wait3A_343 = tpu.memref_squeeze %dma_wait3A_342 : memref<1x128x128xf32, #tpu.memory_space<vmem>> -> memref<128x128xf32, #tpu.memory_space<vmem>>
    %dma_wait3A_344 = arith.constant 896 : i32
    %dma_wait3A_345 = tpu.memref_slice %arg8[%dma_wait3A_344] : memref<2560xi32, #tpu.memory_space<vmem>> -> memref<128xi32, #tpu.memory_space<vmem>>
    %dma_wait3A_346 = arith.constant 0 : i32
    %dma_wait3A_347 = arith.constant 0 : i32
    %dma_wait3A_348 = tpu.memref_slice %arg4[%dma_wait3A_346, %dma_wait3A_347] : memref<250000x128xf32, #tpu.memory_space<hbm>> -> memref<250000x128xf32, #tpu.memory_space<hbm>>
    tpu.wait_indirect_dma semaphore(%arg13 : memref<!tpu.dma_semaphore, #tpu.memory_space<semaphore_mem>>) src(%dma_wait3A_348 : memref<250000x128xf32, #tpu.memory_space<hbm>>) dst(%dma_wait3A_343 : memref<128x128xf32, #tpu.memory_space<vmem>>)
    %add3A_349 = arith.constant 896 : i32
    %add3A_350 = arith.addi %mul3A_2, %add3A_349 : i32
    %dma_start3A_351 = arith.constant 1 : i32
    %dma_start3A_352 = arith.constant 0 : i32
    %dma_start3A_353 = arith.constant 0 : i32
    %dma_start3A_354 = tpu.memref_slice %arg10[%dma_start3A_351, %dma_start3A_352, %dma_start3A_353] : memref<2x128x128xf32, #tpu.memory_space<vmem>> -> memref<1x128x128xf32, #tpu.memory_space<vmem>>
    %dma_start3A_355 = tpu.memref_squeeze %dma_start3A_354 : memref<1x128x128xf32, #tpu.memory_space<vmem>> -> memref<128x128xf32, #tpu.memory_space<vmem>>
    %dma_start3A_356 = arith.constant 0 : i32
    %dma_start3A_357 = tpu.memref_slice %arg6[%add3A_350, %dma_start3A_356] : memref<81920x128xf32, #tpu.memory_space<hbm>> -> memref<128x128xf32, #tpu.memory_space<hbm>>
    %dma_start3A_358 = arith.constant 0 : i32
    %dma_start3A_359 = tpu.memref_slice %arg6[%add3A_350, %dma_start3A_358] : memref<81920x128xf32, #tpu.memory_space<hbm>> -> memref<128x128xf32, #tpu.memory_space<hbm>>
    %dma_start3A_360 = arith.constant 0 : i32
    %dma_start3A_361 = arith.constant 0 : i32
    %dma_start3A_362 = tpu.memref_slice %arg10[%dma_start3A_351, %dma_start3A_360, %dma_start3A_361] : memref<2x128x128xf32, #tpu.memory_space<vmem>> -> memref<1x128x128xf32, #tpu.memory_space<vmem>>
    %dma_start3A_363 = tpu.memref_squeeze %dma_start3A_362 : memref<1x128x128xf32, #tpu.memory_space<vmem>> -> memref<128x128xf32, #tpu.memory_space<vmem>>
    tpu.enqueue_dma source(%dma_start3A_363 : memref<128x128xf32, #tpu.memory_space<vmem>>) target(%dma_start3A_359 : memref<128x128xf32, #tpu.memory_space<hbm>>) target_semaphore(%arg13 : memref<!tpu.dma_semaphore, #tpu.memory_space<semaphore_mem>>)
    %dma_wait3A_364 = arith.constant 0 : i32
    %dma_wait3A_365 = arith.constant 0 : i32
    %dma_wait3A_366 = arith.constant 0 : i32
    %dma_wait3A_367 = tpu.memref_slice %arg10[%dma_wait3A_364, %dma_wait3A_365, %dma_wait3A_366] : memref<2x128x128xf32, #tpu.memory_space<vmem>> -> memref<1x128x128xf32, #tpu.memory_space<vmem>>
    %dma_wait3A_368 = tpu.memref_squeeze %dma_wait3A_367 : memref<1x128x128xf32, #tpu.memory_space<vmem>> -> memref<128x128xf32, #tpu.memory_space<vmem>>
    %dma_wait3A_369 = arith.constant 0 : i32
    %dma_wait3A_370 = tpu.memref_slice %arg6[%add3A_302, %dma_wait3A_369] : memref<81920x128xf32, #tpu.memory_space<hbm>> -> memref<128x128xf32, #tpu.memory_space<hbm>>
    %dma_wait3A_371 = arith.constant 0 : i32
    %dma_wait3A_372 = tpu.memref_slice %arg6[%add3A_302, %dma_wait3A_371] : memref<81920x128xf32, #tpu.memory_space<hbm>> -> memref<128x128xf32, #tpu.memory_space<hbm>>
    %dma_wait3A_373 = arith.constant 0 : i32
    %dma_wait3A_374 = arith.constant 0 : i32
    %dma_wait3A_375 = tpu.memref_slice %arg10[%dma_wait3A_364, %dma_wait3A_373, %dma_wait3A_374] : memref<2x128x128xf32, #tpu.memory_space<vmem>> -> memref<1x128x128xf32, #tpu.memory_space<vmem>>
    %dma_wait3A_376 = tpu.memref_squeeze %dma_wait3A_375 : memref<1x128x128xf32, #tpu.memory_space<vmem>> -> memref<128x128xf32, #tpu.memory_space<vmem>>
    tpu.wait_dma2 semaphore(%arg12 : memref<!tpu.dma_semaphore, #tpu.memory_space<semaphore_mem>>) src(%dma_wait3A_376 : memref<128x128xf32, #tpu.memory_space<vmem>>) dst(%dma_wait3A_372 : memref<128x128xf32, #tpu.memory_space<hbm>>)
    %dma_start3A_377 = arith.constant 0 : i32
    %dma_start3A_378 = arith.constant 0 : i32
    %dma_start3A_379 = arith.constant 0 : i32
    %dma_start3A_380 = tpu.memref_slice %arg10[%dma_start3A_377, %dma_start3A_378, %dma_start3A_379] : memref<2x128x128xf32, #tpu.memory_space<vmem>> -> memref<1x128x128xf32, #tpu.memory_space<vmem>>
    %dma_start3A_381 = tpu.memref_squeeze %dma_start3A_380 : memref<1x128x128xf32, #tpu.memory_space<vmem>> -> memref<128x128xf32, #tpu.memory_space<vmem>>
    %dma_start3A_382 = arith.constant 1024 : i32
    %dma_start3A_383 = tpu.memref_slice %arg8[%dma_start3A_382] : memref<2560xi32, #tpu.memory_space<vmem>> -> memref<128xi32, #tpu.memory_space<vmem>>
    %dma_start3A_384 = arith.constant 0 : i32
    %dma_start3A_385 = arith.constant 0 : i32
    %dma_start3A_386 = tpu.memref_slice %arg4[%dma_start3A_384, %dma_start3A_385] : memref<250000x128xf32, #tpu.memory_space<hbm>> -> memref<250000x128xf32, #tpu.memory_space<hbm>>
    tpu.enqueue_indirect_dma source(%dma_start3A_386 : memref<250000x128xf32, #tpu.memory_space<hbm>>) target(%dma_start3A_381 : memref<128x128xf32, #tpu.memory_space<vmem>>) offsets(%dma_start3A_383 : memref<128xi32, #tpu.memory_space<vmem>>) semaphore(%arg12 : memref<!tpu.dma_semaphore, #tpu.memory_space<semaphore_mem>>)
    %dma_wait3A_387 = arith.constant 0 : i32
    %dma_wait3A_388 = arith.constant 0 : i32
    %dma_wait3A_389 = arith.constant 0 : i32
    %dma_wait3A_390 = tpu.memref_slice %arg10[%dma_wait3A_387, %dma_wait3A_388, %dma_wait3A_389] : memref<2x128x128xf32, #tpu.memory_space<vmem>> -> memref<1x128x128xf32, #tpu.memory_space<vmem>>
    %dma_wait3A_391 = tpu.memref_squeeze %dma_wait3A_390 : memref<1x128x128xf32, #tpu.memory_space<vmem>> -> memref<128x128xf32, #tpu.memory_space<vmem>>
    %dma_wait3A_392 = arith.constant 1024 : i32
    %dma_wait3A_393 = tpu.memref_slice %arg8[%dma_wait3A_392] : memref<2560xi32, #tpu.memory_space<vmem>> -> memref<128xi32, #tpu.memory_space<vmem>>
    %dma_wait3A_394 = arith.constant 0 : i32
    %dma_wait3A_395 = arith.constant 0 : i32
    %dma_wait3A_396 = tpu.memref_slice %arg4[%dma_wait3A_394, %dma_wait3A_395] : memref<250000x128xf32, #tpu.memory_space<hbm>> -> memref<250000x128xf32, #tpu.memory_space<hbm>>
    tpu.wait_indirect_dma semaphore(%arg12 : memref<!tpu.dma_semaphore, #tpu.memory_space<semaphore_mem>>) src(%dma_wait3A_396 : memref<250000x128xf32, #tpu.memory_space<hbm>>) dst(%dma_wait3A_391 : memref<128x128xf32, #tpu.memory_space<vmem>>)
    %add3A_397 = arith.constant 1024 : i32
    %add3A_398 = arith.addi %mul3A_2, %add3A_397 : i32
    %dma_start3A_399 = arith.constant 0 : i32
    %dma_start3A_400 = arith.constant 0 : i32
    %dma_start3A_401 = arith.constant 0 : i32
    %dma_start3A_402 = tpu.memref_slice %arg10[%dma_start3A_399, %dma_start3A_400, %dma_start3A_401] : memref<2x128x128xf32, #tpu.memory_space<vmem>> -> memref<1x128x128xf32, #tpu.memory_space<vmem>>
    %dma_start3A_403 = tpu.memref_squeeze %dma_start3A_402 : memref<1x128x128xf32, #tpu.memory_space<vmem>> -> memref<128x128xf32, #tpu.memory_space<vmem>>
    %dma_start3A_404 = arith.constant 0 : i32
    %dma_start3A_405 = tpu.memref_slice %arg6[%add3A_398, %dma_start3A_404] : memref<81920x128xf32, #tpu.memory_space<hbm>> -> memref<128x128xf32, #tpu.memory_space<hbm>>
    %dma_start3A_406 = arith.constant 0 : i32
    %dma_start3A_407 = tpu.memref_slice %arg6[%add3A_398, %dma_start3A_406] : memref<81920x128xf32, #tpu.memory_space<hbm>> -> memref<128x128xf32, #tpu.memory_space<hbm>>
    %dma_start3A_408 = arith.constant 0 : i32
    %dma_start3A_409 = arith.constant 0 : i32
    %dma_start3A_410 = tpu.memref_slice %arg10[%dma_start3A_399, %dma_start3A_408, %dma_start3A_409] : memref<2x128x128xf32, #tpu.memory_space<vmem>> -> memref<1x128x128xf32, #tpu.memory_space<vmem>>
    %dma_start3A_411 = tpu.memref_squeeze %dma_start3A_410 : memref<1x128x128xf32, #tpu.memory_space<vmem>> -> memref<128x128xf32, #tpu.memory_space<vmem>>
    tpu.enqueue_dma source(%dma_start3A_411 : memref<128x128xf32, #tpu.memory_space<vmem>>) target(%dma_start3A_407 : memref<128x128xf32, #tpu.memory_space<hbm>>) target_semaphore(%arg12 : memref<!tpu.dma_semaphore, #tpu.memory_space<semaphore_mem>>)
    %dma_wait3A_412 = arith.constant 1 : i32
    %dma_wait3A_413 = arith.constant 0 : i32
    %dma_wait3A_414 = arith.constant 0 : i32
    %dma_wait3A_415 = tpu.memref_slice %arg10[%dma_wait3A_412, %dma_wait3A_413, %dma_wait3A_414] : memref<2x128x128xf32, #tpu.memory_space<vmem>> -> memref<1x128x128xf32, #tpu.memory_space<vmem>>
    %dma_wait3A_416 = tpu.memref_squeeze %dma_wait3A_415 : memref<1x128x128xf32, #tpu.memory_space<vmem>> -> memref<128x128xf32, #tpu.memory_space<vmem>>
    %dma_wait3A_417 = arith.constant 0 : i32
    %dma_wait3A_418 = tpu.memref_slice %arg6[%add3A_350, %dma_wait3A_417] : memref<81920x128xf32, #tpu.memory_space<hbm>> -> memref<128x128xf32, #tpu.memory_space<hbm>>
    %dma_wait3A_419 = arith.constant 0 : i32
    %dma_wait3A_420 = tpu.memref_slice %arg6[%add3A_350, %dma_wait3A_419] : memref<81920x128xf32, #tpu.memory_space<hbm>> -> memref<128x128xf32, #tpu.memory_space<hbm>>
    %dma_wait3A_421 = arith.constant 0 : i32
    %dma_wait3A_422 = arith.constant 0 : i32
    %dma_wait3A_423 = tpu.memref_slice %arg10[%dma_wait3A_412, %dma_wait3A_421, %dma_wait3A_422] : memref<2x128x128xf32, #tpu.memory_space<vmem>> -> memref<1x128x128xf32, #tpu.memory_space<vmem>>
    %dma_wait3A_424 = tpu.memref_squeeze %dma_wait3A_423 : memref<1x128x128xf32, #tpu.memory_space<vmem>> -> memref<128x128xf32, #tpu.memory_space<vmem>>
    tpu.wait_dma2 semaphore(%arg13 : memref<!tpu.dma_semaphore, #tpu.memory_space<semaphore_mem>>) src(%dma_wait3A_424 : memref<128x128xf32, #tpu.memory_space<vmem>>) dst(%dma_wait3A_420 : memref<128x128xf32, #tpu.memory_space<hbm>>)
    %dma_start3A_425 = arith.constant 1 : i32
    %dma_start3A_426 = arith.constant 0 : i32
    %dma_start3A_427 = arith.constant 0 : i32
    %dma_start3A_428 = tpu.memref_slice %arg10[%dma_start3A_425, %dma_start3A_426, %dma_start3A_427] : memref<2x128x128xf32, #tpu.memory_space<vmem>> -> memref<1x128x128xf32, #tpu.memory_space<vmem>>
    %dma_start3A_429 = tpu.memref_squeeze %dma_start3A_428 : memref<1x128x128xf32, #tpu.memory_space<vmem>> -> memref<128x128xf32, #tpu.memory_space<vmem>>
    %dma_start3A_430 = arith.constant 1152 : i32
    %dma_start3A_431 = tpu.memref_slice %arg8[%dma_start3A_430] : memref<2560xi32, #tpu.memory_space<vmem>> -> memref<128xi32, #tpu.memory_space<vmem>>
    %dma_start3A_432 = arith.constant 0 : i32
    %dma_start3A_433 = arith.constant 0 : i32
    %dma_start3A_434 = tpu.memref_slice %arg4[%dma_start3A_432, %dma_start3A_433] : memref<250000x128xf32, #tpu.memory_space<hbm>> -> memref<250000x128xf32, #tpu.memory_space<hbm>>
    tpu.enqueue_indirect_dma source(%dma_start3A_434 : memref<250000x128xf32, #tpu.memory_space<hbm>>) target(%dma_start3A_429 : memref<128x128xf32, #tpu.memory_space<vmem>>) offsets(%dma_start3A_431 : memref<128xi32, #tpu.memory_space<vmem>>) semaphore(%arg13 : memref<!tpu.dma_semaphore, #tpu.memory_space<semaphore_mem>>)
    %dma_wait3A_435 = arith.constant 1 : i32
    %dma_wait3A_436 = arith.constant 0 : i32
    %dma_wait3A_437 = arith.constant 0 : i32
    %dma_wait3A_438 = tpu.memref_slice %arg10[%dma_wait3A_435, %dma_wait3A_436, %dma_wait3A_437] : memref<2x128x128xf32, #tpu.memory_space<vmem>> -> memref<1x128x128xf32, #tpu.memory_space<vmem>>
    %dma_wait3A_439 = tpu.memref_squeeze %dma_wait3A_438 : memref<1x128x128xf32, #tpu.memory_space<vmem>> -> memref<128x128xf32, #tpu.memory_space<vmem>>
    %dma_wait3A_440 = arith.constant 1152 : i32
    %dma_wait3A_441 = tpu.memref_slice %arg8[%dma_wait3A_440] : memref<2560xi32, #tpu.memory_space<vmem>> -> memref<128xi32, #tpu.memory_space<vmem>>
    %dma_wait3A_442 = arith.constant 0 : i32
    %dma_wait3A_443 = arith.constant 0 : i32
    %dma_wait3A_444 = tpu.memref_slice %arg4[%dma_wait3A_442, %dma_wait3A_443] : memref<250000x128xf32, #tpu.memory_space<hbm>> -> memref<250000x128xf32, #tpu.memory_space<hbm>>
    tpu.wait_indirect_dma semaphore(%arg13 : memref<!tpu.dma_semaphore, #tpu.memory_space<semaphore_mem>>) src(%dma_wait3A_444 : memref<250000x128xf32, #tpu.memory_space<hbm>>) dst(%dma_wait3A_439 : memref<128x128xf32, #tpu.memory_space<vmem>>)
    %add3A_445 = arith.constant 1152 : i32
    %add3A_446 = arith.addi %mul3A_2, %add3A_445 : i32
    %dma_start3A_447 = arith.constant 1 : i32
    %dma_start3A_448 = arith.constant 0 : i32
    %dma_start3A_449 = arith.constant 0 : i32
    %dma_start3A_450 = tpu.memref_slice %arg10[%dma_start3A_447, %dma_start3A_448, %dma_start3A_449] : memref<2x128x128xf32, #tpu.memory_space<vmem>> -> memref<1x128x128xf32, #tpu.memory_space<vmem>>
    %dma_start3A_451 = tpu.memref_squeeze %dma_start3A_450 : memref<1x128x128xf32, #tpu.memory_space<vmem>> -> memref<128x128xf32, #tpu.memory_space<vmem>>
    %dma_start3A_452 = arith.constant 0 : i32
    %dma_start3A_453 = tpu.memref_slice %arg6[%add3A_446, %dma_start3A_452] : memref<81920x128xf32, #tpu.memory_space<hbm>> -> memref<128x128xf32, #tpu.memory_space<hbm>>
    %dma_start3A_454 = arith.constant 0 : i32
    %dma_start3A_455 = tpu.memref_slice %arg6[%add3A_446, %dma_start3A_454] : memref<81920x128xf32, #tpu.memory_space<hbm>> -> memref<128x128xf32, #tpu.memory_space<hbm>>
    %dma_start3A_456 = arith.constant 0 : i32
    %dma_start3A_457 = arith.constant 0 : i32
    %dma_start3A_458 = tpu.memref_slice %arg10[%dma_start3A_447, %dma_start3A_456, %dma_start3A_457] : memref<2x128x128xf32, #tpu.memory_space<vmem>> -> memref<1x128x128xf32, #tpu.memory_space<vmem>>
    %dma_start3A_459 = tpu.memref_squeeze %dma_start3A_458 : memref<1x128x128xf32, #tpu.memory_space<vmem>> -> memref<128x128xf32, #tpu.memory_space<vmem>>
    tpu.enqueue_dma source(%dma_start3A_459 : memref<128x128xf32, #tpu.memory_space<vmem>>) target(%dma_start3A_455 : memref<128x128xf32, #tpu.memory_space<hbm>>) target_semaphore(%arg13 : memref<!tpu.dma_semaphore, #tpu.memory_space<semaphore_mem>>)
    %dma_wait3A_460 = arith.constant 0 : i32
    %dma_wait3A_461 = arith.constant 0 : i32
    %dma_wait3A_462 = arith.constant 0 : i32
    %dma_wait3A_463 = tpu.memref_slice %arg10[%dma_wait3A_460, %dma_wait3A_461, %dma_wait3A_462] : memref<2x128x128xf32, #tpu.memory_space<vmem>> -> memref<1x128x128xf32, #tpu.memory_space<vmem>>
    %dma_wait3A_464 = tpu.memref_squeeze %dma_wait3A_463 : memref<1x128x128xf32, #tpu.memory_space<vmem>> -> memref<128x128xf32, #tpu.memory_space<vmem>>
    %dma_wait3A_465 = arith.constant 0 : i32
    %dma_wait3A_466 = tpu.memref_slice %arg6[%add3A_398, %dma_wait3A_465] : memref<81920x128xf32, #tpu.memory_space<hbm>> -> memref<128x128xf32, #tpu.memory_space<hbm>>
    %dma_wait3A_467 = arith.constant 0 : i32
    %dma_wait3A_468 = tpu.memref_slice %arg6[%add3A_398, %dma_wait3A_467] : memref<81920x128xf32, #tpu.memory_space<hbm>> -> memref<128x128xf32, #tpu.memory_space<hbm>>
    %dma_wait3A_469 = arith.constant 0 : i32
    %dma_wait3A_470 = arith.constant 0 : i32
    %dma_wait3A_471 = tpu.memref_slice %arg10[%dma_wait3A_460, %dma_wait3A_469, %dma_wait3A_470] : memref<2x128x128xf32, #tpu.memory_space<vmem>> -> memref<1x128x128xf32, #tpu.memory_space<vmem>>
    %dma_wait3A_472 = tpu.memref_squeeze %dma_wait3A_471 : memref<1x128x128xf32, #tpu.memory_space<vmem>> -> memref<128x128xf32, #tpu.memory_space<vmem>>
    tpu.wait_dma2 semaphore(%arg12 : memref<!tpu.dma_semaphore, #tpu.memory_space<semaphore_mem>>) src(%dma_wait3A_472 : memref<128x128xf32, #tpu.memory_space<vmem>>) dst(%dma_wait3A_468 : memref<128x128xf32, #tpu.memory_space<hbm>>)
    %dma_start3A_473 = arith.constant 0 : i32
    %dma_start3A_474 = arith.constant 0 : i32
    %dma_start3A_475 = arith.constant 0 : i32
    %dma_start3A_476 = tpu.memref_slice %arg10[%dma_start3A_473, %dma_start3A_474, %dma_start3A_475] : memref<2x128x128xf32, #tpu.memory_space<vmem>> -> memref<1x128x128xf32, #tpu.memory_space<vmem>>
    %dma_start3A_477 = tpu.memref_squeeze %dma_start3A_476 : memref<1x128x128xf32, #tpu.memory_space<vmem>> -> memref<128x128xf32, #tpu.memory_space<vmem>>
    %dma_start3A_478 = arith.constant 1280 : i32
    %dma_start3A_479 = tpu.memref_slice %arg8[%dma_start3A_478] : memref<2560xi32, #tpu.memory_space<vmem>> -> memref<128xi32, #tpu.memory_space<vmem>>
    %dma_start3A_480 = arith.constant 0 : i32
    %dma_start3A_481 = arith.constant 0 : i32
    %dma_start3A_482 = tpu.memref_slice %arg4[%dma_start3A_480, %dma_start3A_481] : memref<250000x128xf32, #tpu.memory_space<hbm>> -> memref<250000x128xf32, #tpu.memory_space<hbm>>
    tpu.enqueue_indirect_dma source(%dma_start3A_482 : memref<250000x128xf32, #tpu.memory_space<hbm>>) target(%dma_start3A_477 : memref<128x128xf32, #tpu.memory_space<vmem>>) offsets(%dma_start3A_479 : memref<128xi32, #tpu.memory_space<vmem>>) semaphore(%arg12 : memref<!tpu.dma_semaphore, #tpu.memory_space<semaphore_mem>>)
    %dma_wait3A_483 = arith.constant 0 : i32
    %dma_wait3A_484 = arith.constant 0 : i32
    %dma_wait3A_485 = arith.constant 0 : i32
    %dma_wait3A_486 = tpu.memref_slice %arg10[%dma_wait3A_483, %dma_wait3A_484, %dma_wait3A_485] : memref<2x128x128xf32, #tpu.memory_space<vmem>> -> memref<1x128x128xf32, #tpu.memory_space<vmem>>
    %dma_wait3A_487 = tpu.memref_squeeze %dma_wait3A_486 : memref<1x128x128xf32, #tpu.memory_space<vmem>> -> memref<128x128xf32, #tpu.memory_space<vmem>>
    %dma_wait3A_488 = arith.constant 1280 : i32
    %dma_wait3A_489 = tpu.memref_slice %arg8[%dma_wait3A_488] : memref<2560xi32, #tpu.memory_space<vmem>> -> memref<128xi32, #tpu.memory_space<vmem>>
    %dma_wait3A_490 = arith.constant 0 : i32
    %dma_wait3A_491 = arith.constant 0 : i32
    %dma_wait3A_492 = tpu.memref_slice %arg4[%dma_wait3A_490, %dma_wait3A_491] : memref<250000x128xf32, #tpu.memory_space<hbm>> -> memref<250000x128xf32, #tpu.memory_space<hbm>>
    tpu.wait_indirect_dma semaphore(%arg12 : memref<!tpu.dma_semaphore, #tpu.memory_space<semaphore_mem>>) src(%dma_wait3A_492 : memref<250000x128xf32, #tpu.memory_space<hbm>>) dst(%dma_wait3A_487 : memref<128x128xf32, #tpu.memory_space<vmem>>)
    %add3A_493 = arith.constant 1280 : i32
    %add3A_494 = arith.addi %mul3A_2, %add3A_493 : i32
    %dma_start3A_495 = arith.constant 0 : i32
    %dma_start3A_496 = arith.constant 0 : i32
    %dma_start3A_497 = arith.constant 0 : i32
    %dma_start3A_498 = tpu.memref_slice %arg10[%dma_start3A_495, %dma_start3A_496, %dma_start3A_497] : memref<2x128x128xf32, #tpu.memory_space<vmem>> -> memref<1x128x128xf32, #tpu.memory_space<vmem>>
    %dma_start3A_499 = tpu.memref_squeeze %dma_start3A_498 : memref<1x128x128xf32, #tpu.memory_space<vmem>> -> memref<128x128xf32, #tpu.memory_space<vmem>>
    %dma_start3A_500 = arith.constant 0 : i32
    %dma_start3A_501 = tpu.memref_slice %arg6[%add3A_494, %dma_start3A_500] : memref<81920x128xf32, #tpu.memory_space<hbm>> -> memref<128x128xf32, #tpu.memory_space<hbm>>
    %dma_start3A_502 = arith.constant 0 : i32
    %dma_start3A_503 = tpu.memref_slice %arg6[%add3A_494, %dma_start3A_502] : memref<81920x128xf32, #tpu.memory_space<hbm>> -> memref<128x128xf32, #tpu.memory_space<hbm>>
    %dma_start3A_504 = arith.constant 0 : i32
    %dma_start3A_505 = arith.constant 0 : i32
    %dma_start3A_506 = tpu.memref_slice %arg10[%dma_start3A_495, %dma_start3A_504, %dma_start3A_505] : memref<2x128x128xf32, #tpu.memory_space<vmem>> -> memref<1x128x128xf32, #tpu.memory_space<vmem>>
    %dma_start3A_507 = tpu.memref_squeeze %dma_start3A_506 : memref<1x128x128xf32, #tpu.memory_space<vmem>> -> memref<128x128xf32, #tpu.memory_space<vmem>>
    tpu.enqueue_dma source(%dma_start3A_507 : memref<128x128xf32, #tpu.memory_space<vmem>>) target(%dma_start3A_503 : memref<128x128xf32, #tpu.memory_space<hbm>>) target_semaphore(%arg12 : memref<!tpu.dma_semaphore, #tpu.memory_space<semaphore_mem>>)
    %dma_wait3A_508 = arith.constant 1 : i32
    %dma_wait3A_509 = arith.constant 0 : i32
    %dma_wait3A_510 = arith.constant 0 : i32
    %dma_wait3A_511 = tpu.memref_slice %arg10[%dma_wait3A_508, %dma_wait3A_509, %dma_wait3A_510] : memref<2x128x128xf32, #tpu.memory_space<vmem>> -> memref<1x128x128xf32, #tpu.memory_space<vmem>>
    %dma_wait3A_512 = tpu.memref_squeeze %dma_wait3A_511 : memref<1x128x128xf32, #tpu.memory_space<vmem>> -> memref<128x128xf32, #tpu.memory_space<vmem>>
    %dma_wait3A_513 = arith.constant 0 : i32
    %dma_wait3A_514 = tpu.memref_slice %arg6[%add3A_446, %dma_wait3A_513] : memref<81920x128xf32, #tpu.memory_space<hbm>> -> memref<128x128xf32, #tpu.memory_space<hbm>>
    %dma_wait3A_515 = arith.constant 0 : i32
    %dma_wait3A_516 = tpu.memref_slice %arg6[%add3A_446, %dma_wait3A_515] : memref<81920x128xf32, #tpu.memory_space<hbm>> -> memref<128x128xf32, #tpu.memory_space<hbm>>
    %dma_wait3A_517 = arith.constant 0 : i32
    %dma_wait3A_518 = arith.constant 0 : i32
    %dma_wait3A_519 = tpu.memref_slice %arg10[%dma_wait3A_508, %dma_wait3A_517, %dma_wait3A_518] : memref<2x128x128xf32, #tpu.memory_space<vmem>> -> memref<1x128x128xf32, #tpu.memory_space<vmem>>
    %dma_wait3A_520 = tpu.memref_squeeze %dma_wait3A_519 : memref<1x128x128xf32, #tpu.memory_space<vmem>> -> memref<128x128xf32, #tpu.memory_space<vmem>>
    tpu.wait_dma2 semaphore(%arg13 : memref<!tpu.dma_semaphore, #tpu.memory_space<semaphore_mem>>) src(%dma_wait3A_520 : memref<128x128xf32, #tpu.memory_space<vmem>>) dst(%dma_wait3A_516 : memref<128x128xf32, #tpu.memory_space<hbm>>)
    %dma_start3A_521 = arith.constant 1 : i32
    %dma_start3A_522 = arith.constant 0 : i32
    %dma_start3A_523 = arith.constant 0 : i32
    %dma_start3A_524 = tpu.memref_slice %arg10[%dma_start3A_521, %dma_start3A_522, %dma_start3A_523] : memref<2x128x128xf32, #tpu.memory_space<vmem>> -> memref<1x128x128xf32, #tpu.memory_space<vmem>>
    %dma_start3A_525 = tpu.memref_squeeze %dma_start3A_524 : memref<1x128x128xf32, #tpu.memory_space<vmem>> -> memref<128x128xf32, #tpu.memory_space<vmem>>
    %dma_start3A_526 = arith.constant 1408 : i32
    %dma_start3A_527 = tpu.memref_slice %arg8[%dma_start3A_526] : memref<2560xi32, #tpu.memory_space<vmem>> -> memref<128xi32, #tpu.memory_space<vmem>>
    %dma_start3A_528 = arith.constant 0 : i32
    %dma_start3A_529 = arith.constant 0 : i32
    %dma_start3A_530 = tpu.memref_slice %arg4[%dma_start3A_528, %dma_start3A_529] : memref<250000x128xf32, #tpu.memory_space<hbm>> -> memref<250000x128xf32, #tpu.memory_space<hbm>>
    tpu.enqueue_indirect_dma source(%dma_start3A_530 : memref<250000x128xf32, #tpu.memory_space<hbm>>) target(%dma_start3A_525 : memref<128x128xf32, #tpu.memory_space<vmem>>) offsets(%dma_start3A_527 : memref<128xi32, #tpu.memory_space<vmem>>) semaphore(%arg13 : memref<!tpu.dma_semaphore, #tpu.memory_space<semaphore_mem>>)
    %dma_wait3A_531 = arith.constant 1 : i32
    %dma_wait3A_532 = arith.constant 0 : i32
    %dma_wait3A_533 = arith.constant 0 : i32
    %dma_wait3A_534 = tpu.memref_slice %arg10[%dma_wait3A_531, %dma_wait3A_532, %dma_wait3A_533] : memref<2x128x128xf32, #tpu.memory_space<vmem>> -> memref<1x128x128xf32, #tpu.memory_space<vmem>>
    %dma_wait3A_535 = tpu.memref_squeeze %dma_wait3A_534 : memref<1x128x128xf32, #tpu.memory_space<vmem>> -> memref<128x128xf32, #tpu.memory_space<vmem>>
    %dma_wait3A_536 = arith.constant 1408 : i32
    %dma_wait3A_537 = tpu.memref_slice %arg8[%dma_wait3A_536] : memref<2560xi32, #tpu.memory_space<vmem>> -> memref<128xi32, #tpu.memory_space<vmem>>
    %dma_wait3A_538 = arith.constant 0 : i32
    %dma_wait3A_539 = arith.constant 0 : i32
    %dma_wait3A_540 = tpu.memref_slice %arg4[%dma_wait3A_538, %dma_wait3A_539] : memref<250000x128xf32, #tpu.memory_space<hbm>> -> memref<250000x128xf32, #tpu.memory_space<hbm>>
    tpu.wait_indirect_dma semaphore(%arg13 : memref<!tpu.dma_semaphore, #tpu.memory_space<semaphore_mem>>) src(%dma_wait3A_540 : memref<250000x128xf32, #tpu.memory_space<hbm>>) dst(%dma_wait3A_535 : memref<128x128xf32, #tpu.memory_space<vmem>>)
    %add3A_541 = arith.constant 1408 : i32
    %add3A_542 = arith.addi %mul3A_2, %add3A_541 : i32
    %dma_start3A_543 = arith.constant 1 : i32
    %dma_start3A_544 = arith.constant 0 : i32
    %dma_start3A_545 = arith.constant 0 : i32
    %dma_start3A_546 = tpu.memref_slice %arg10[%dma_start3A_543, %dma_start3A_544, %dma_start3A_545] : memref<2x128x128xf32, #tpu.memory_space<vmem>> -> memref<1x128x128xf32, #tpu.memory_space<vmem>>
    %dma_start3A_547 = tpu.memref_squeeze %dma_start3A_546 : memref<1x128x128xf32, #tpu.memory_space<vmem>> -> memref<128x128xf32, #tpu.memory_space<vmem>>
    %dma_start3A_548 = arith.constant 0 : i32
    %dma_start3A_549 = tpu.memref_slice %arg6[%add3A_542, %dma_start3A_548] : memref<81920x128xf32, #tpu.memory_space<hbm>> -> memref<128x128xf32, #tpu.memory_space<hbm>>
    %dma_start3A_550 = arith.constant 0 : i32
    %dma_start3A_551 = tpu.memref_slice %arg6[%add3A_542, %dma_start3A_550] : memref<81920x128xf32, #tpu.memory_space<hbm>> -> memref<128x128xf32, #tpu.memory_space<hbm>>
    %dma_start3A_552 = arith.constant 0 : i32
    %dma_start3A_553 = arith.constant 0 : i32
    %dma_start3A_554 = tpu.memref_slice %arg10[%dma_start3A_543, %dma_start3A_552, %dma_start3A_553] : memref<2x128x128xf32, #tpu.memory_space<vmem>> -> memref<1x128x128xf32, #tpu.memory_space<vmem>>
    %dma_start3A_555 = tpu.memref_squeeze %dma_start3A_554 : memref<1x128x128xf32, #tpu.memory_space<vmem>> -> memref<128x128xf32, #tpu.memory_space<vmem>>
    tpu.enqueue_dma source(%dma_start3A_555 : memref<128x128xf32, #tpu.memory_space<vmem>>) target(%dma_start3A_551 : memref<128x128xf32, #tpu.memory_space<hbm>>) target_semaphore(%arg13 : memref<!tpu.dma_semaphore, #tpu.memory_space<semaphore_mem>>)
    %dma_wait3A_556 = arith.constant 0 : i32
    %dma_wait3A_557 = arith.constant 0 : i32
    %dma_wait3A_558 = arith.constant 0 : i32
    %dma_wait3A_559 = tpu.memref_slice %arg10[%dma_wait3A_556, %dma_wait3A_557, %dma_wait3A_558] : memref<2x128x128xf32, #tpu.memory_space<vmem>> -> memref<1x128x128xf32, #tpu.memory_space<vmem>>
    %dma_wait3A_560 = tpu.memref_squeeze %dma_wait3A_559 : memref<1x128x128xf32, #tpu.memory_space<vmem>> -> memref<128x128xf32, #tpu.memory_space<vmem>>
    %dma_wait3A_561 = arith.constant 0 : i32
    %dma_wait3A_562 = tpu.memref_slice %arg6[%add3A_494, %dma_wait3A_561] : memref<81920x128xf32, #tpu.memory_space<hbm>> -> memref<128x128xf32, #tpu.memory_space<hbm>>
    %dma_wait3A_563 = arith.constant 0 : i32
    %dma_wait3A_564 = tpu.memref_slice %arg6[%add3A_494, %dma_wait3A_563] : memref<81920x128xf32, #tpu.memory_space<hbm>> -> memref<128x128xf32, #tpu.memory_space<hbm>>
    %dma_wait3A_565 = arith.constant 0 : i32
    %dma_wait3A_566 = arith.constant 0 : i32
    %dma_wait3A_567 = tpu.memref_slice %arg10[%dma_wait3A_556, %dma_wait3A_565, %dma_wait3A_566] : memref<2x128x128xf32, #tpu.memory_space<vmem>> -> memref<1x128x128xf32, #tpu.memory_space<vmem>>
    %dma_wait3A_568 = tpu.memref_squeeze %dma_wait3A_567 : memref<1x128x128xf32, #tpu.memory_space<vmem>> -> memref<128x128xf32, #tpu.memory_space<vmem>>
    tpu.wait_dma2 semaphore(%arg12 : memref<!tpu.dma_semaphore, #tpu.memory_space<semaphore_mem>>) src(%dma_wait3A_568 : memref<128x128xf32, #tpu.memory_space<vmem>>) dst(%dma_wait3A_564 : memref<128x128xf32, #tpu.memory_space<hbm>>)
    %dma_start3A_569 = arith.constant 0 : i32
    %dma_start3A_570 = arith.constant 0 : i32
    %dma_start3A_571 = arith.constant 0 : i32
    %dma_start3A_572 = tpu.memref_slice %arg10[%dma_start3A_569, %dma_start3A_570, %dma_start3A_571] : memref<2x128x128xf32, #tpu.memory_space<vmem>> -> memref<1x128x128xf32, #tpu.memory_space<vmem>>
    %dma_start3A_573 = tpu.memref_squeeze %dma_start3A_572 : memref<1x128x128xf32, #tpu.memory_space<vmem>> -> memref<128x128xf32, #tpu.memory_space<vmem>>
    %dma_start3A_574 = arith.constant 1536 : i32
    %dma_start3A_575 = tpu.memref_slice %arg8[%dma_start3A_574] : memref<2560xi32, #tpu.memory_space<vmem>> -> memref<128xi32, #tpu.memory_space<vmem>>
    %dma_start3A_576 = arith.constant 0 : i32
    %dma_start3A_577 = arith.constant 0 : i32
    %dma_start3A_578 = tpu.memref_slice %arg4[%dma_start3A_576, %dma_start3A_577] : memref<250000x128xf32, #tpu.memory_space<hbm>> -> memref<250000x128xf32, #tpu.memory_space<hbm>>
    tpu.enqueue_indirect_dma source(%dma_start3A_578 : memref<250000x128xf32, #tpu.memory_space<hbm>>) target(%dma_start3A_573 : memref<128x128xf32, #tpu.memory_space<vmem>>) offsets(%dma_start3A_575 : memref<128xi32, #tpu.memory_space<vmem>>) semaphore(%arg12 : memref<!tpu.dma_semaphore, #tpu.memory_space<semaphore_mem>>)
    %dma_wait3A_579 = arith.constant 0 : i32
    %dma_wait3A_580 = arith.constant 0 : i32
    %dma_wait3A_581 = arith.constant 0 : i32
    %dma_wait3A_582 = tpu.memref_slice %arg10[%dma_wait3A_579, %dma_wait3A_580, %dma_wait3A_581] : memref<2x128x128xf32, #tpu.memory_space<vmem>> -> memref<1x128x128xf32, #tpu.memory_space<vmem>>
    %dma_wait3A_583 = tpu.memref_squeeze %dma_wait3A_582 : memref<1x128x128xf32, #tpu.memory_space<vmem>> -> memref<128x128xf32, #tpu.memory_space<vmem>>
    %dma_wait3A_584 = arith.constant 1536 : i32
    %dma_wait3A_585 = tpu.memref_slice %arg8[%dma_wait3A_584] : memref<2560xi32, #tpu.memory_space<vmem>> -> memref<128xi32, #tpu.memory_space<vmem>>
    %dma_wait3A_586 = arith.constant 0 : i32
    %dma_wait3A_587 = arith.constant 0 : i32
    %dma_wait3A_588 = tpu.memref_slice %arg4[%dma_wait3A_586, %dma_wait3A_587] : memref<250000x128xf32, #tpu.memory_space<hbm>> -> memref<250000x128xf32, #tpu.memory_space<hbm>>
    tpu.wait_indirect_dma semaphore(%arg12 : memref<!tpu.dma_semaphore, #tpu.memory_space<semaphore_mem>>) src(%dma_wait3A_588 : memref<250000x128xf32, #tpu.memory_space<hbm>>) dst(%dma_wait3A_583 : memref<128x128xf32, #tpu.memory_space<vmem>>)
    %add3A_589 = arith.constant 1536 : i32
    %add3A_590 = arith.addi %mul3A_2, %add3A_589 : i32
    %dma_start3A_591 = arith.constant 0 : i32
    %dma_start3A_592 = arith.constant 0 : i32
    %dma_start3A_593 = arith.constant 0 : i32
    %dma_start3A_594 = tpu.memref_slice %arg10[%dma_start3A_591, %dma_start3A_592, %dma_start3A_593] : memref<2x128x128xf32, #tpu.memory_space<vmem>> -> memref<1x128x128xf32, #tpu.memory_space<vmem>>
    %dma_start3A_595 = tpu.memref_squeeze %dma_start3A_594 : memref<1x128x128xf32, #tpu.memory_space<vmem>> -> memref<128x128xf32, #tpu.memory_space<vmem>>
    %dma_start3A_596 = arith.constant 0 : i32
    %dma_start3A_597 = tpu.memref_slice %arg6[%add3A_590, %dma_start3A_596] : memref<81920x128xf32, #tpu.memory_space<hbm>> -> memref<128x128xf32, #tpu.memory_space<hbm>>
    %dma_start3A_598 = arith.constant 0 : i32
    %dma_start3A_599 = tpu.memref_slice %arg6[%add3A_590, %dma_start3A_598] : memref<81920x128xf32, #tpu.memory_space<hbm>> -> memref<128x128xf32, #tpu.memory_space<hbm>>
    %dma_start3A_600 = arith.constant 0 : i32
    %dma_start3A_601 = arith.constant 0 : i32
    %dma_start3A_602 = tpu.memref_slice %arg10[%dma_start3A_591, %dma_start3A_600, %dma_start3A_601] : memref<2x128x128xf32, #tpu.memory_space<vmem>> -> memref<1x128x128xf32, #tpu.memory_space<vmem>>
    %dma_start3A_603 = tpu.memref_squeeze %dma_start3A_602 : memref<1x128x128xf32, #tpu.memory_space<vmem>> -> memref<128x128xf32, #tpu.memory_space<vmem>>
    tpu.enqueue_dma source(%dma_start3A_603 : memref<128x128xf32, #tpu.memory_space<vmem>>) target(%dma_start3A_599 : memref<128x128xf32, #tpu.memory_space<hbm>>) target_semaphore(%arg12 : memref<!tpu.dma_semaphore, #tpu.memory_space<semaphore_mem>>)
    %dma_wait3A_604 = arith.constant 1 : i32
    %dma_wait3A_605 = arith.constant 0 : i32
    %dma_wait3A_606 = arith.constant 0 : i32
    %dma_wait3A_607 = tpu.memref_slice %arg10[%dma_wait3A_604, %dma_wait3A_605, %dma_wait3A_606] : memref<2x128x128xf32, #tpu.memory_space<vmem>> -> memref<1x128x128xf32, #tpu.memory_space<vmem>>
    %dma_wait3A_608 = tpu.memref_squeeze %dma_wait3A_607 : memref<1x128x128xf32, #tpu.memory_space<vmem>> -> memref<128x128xf32, #tpu.memory_space<vmem>>
    %dma_wait3A_609 = arith.constant 0 : i32
    %dma_wait3A_610 = tpu.memref_slice %arg6[%add3A_542, %dma_wait3A_609] : memref<81920x128xf32, #tpu.memory_space<hbm>> -> memref<128x128xf32, #tpu.memory_space<hbm>>
    %dma_wait3A_611 = arith.constant 0 : i32
    %dma_wait3A_612 = tpu.memref_slice %arg6[%add3A_542, %dma_wait3A_611] : memref<81920x128xf32, #tpu.memory_space<hbm>> -> memref<128x128xf32, #tpu.memory_space<hbm>>
    %dma_wait3A_613 = arith.constant 0 : i32
    %dma_wait3A_614 = arith.constant 0 : i32
    %dma_wait3A_615 = tpu.memref_slice %arg10[%dma_wait3A_604, %dma_wait3A_613, %dma_wait3A_614] : memref<2x128x128xf32, #tpu.memory_space<vmem>> -> memref<1x128x128xf32, #tpu.memory_space<vmem>>
    %dma_wait3A_616 = tpu.memref_squeeze %dma_wait3A_615 : memref<1x128x128xf32, #tpu.memory_space<vmem>> -> memref<128x128xf32, #tpu.memory_space<vmem>>
    tpu.wait_dma2 semaphore(%arg13 : memref<!tpu.dma_semaphore, #tpu.memory_space<semaphore_mem>>) src(%dma_wait3A_616 : memref<128x128xf32, #tpu.memory_space<vmem>>) dst(%dma_wait3A_612 : memref<128x128xf32, #tpu.memory_space<hbm>>)
    %dma_start3A_617 = arith.constant 1 : i32
    %dma_start3A_618 = arith.constant 0 : i32
    %dma_start3A_619 = arith.constant 0 : i32
    %dma_start3A_620 = tpu.memref_slice %arg10[%dma_start3A_617, %dma_start3A_618, %dma_start3A_619] : memref<2x128x128xf32, #tpu.memory_space<vmem>> -> memref<1x128x128xf32, #tpu.memory_space<vmem>>
    %dma_start3A_621 = tpu.memref_squeeze %dma_start3A_620 : memref<1x128x128xf32, #tpu.memory_space<vmem>> -> memref<128x128xf32, #tpu.memory_space<vmem>>
    %dma_start3A_622 = arith.constant 1664 : i32
    %dma_start3A_623 = tpu.memref_slice %arg8[%dma_start3A_622] : memref<2560xi32, #tpu.memory_space<vmem>> -> memref<128xi32, #tpu.memory_space<vmem>>
    %dma_start3A_624 = arith.constant 0 : i32
    %dma_start3A_625 = arith.constant 0 : i32
    %dma_start3A_626 = tpu.memref_slice %arg4[%dma_start3A_624, %dma_start3A_625] : memref<250000x128xf32, #tpu.memory_space<hbm>> -> memref<250000x128xf32, #tpu.memory_space<hbm>>
    tpu.enqueue_indirect_dma source(%dma_start3A_626 : memref<250000x128xf32, #tpu.memory_space<hbm>>) target(%dma_start3A_621 : memref<128x128xf32, #tpu.memory_space<vmem>>) offsets(%dma_start3A_623 : memref<128xi32, #tpu.memory_space<vmem>>) semaphore(%arg13 : memref<!tpu.dma_semaphore, #tpu.memory_space<semaphore_mem>>)
    %dma_wait3A_627 = arith.constant 1 : i32
    %dma_wait3A_628 = arith.constant 0 : i32
    %dma_wait3A_629 = arith.constant 0 : i32
    %dma_wait3A_630 = tpu.memref_slice %arg10[%dma_wait3A_627, %dma_wait3A_628, %dma_wait3A_629] : memref<2x128x128xf32, #tpu.memory_space<vmem>> -> memref<1x128x128xf32, #tpu.memory_space<vmem>>
    %dma_wait3A_631 = tpu.memref_squeeze %dma_wait3A_630 : memref<1x128x128xf32, #tpu.memory_space<vmem>> -> memref<128x128xf32, #tpu.memory_space<vmem>>
    %dma_wait3A_632 = arith.constant 1664 : i32
    %dma_wait3A_633 = tpu.memref_slice %arg8[%dma_wait3A_632] : memref<2560xi32, #tpu.memory_space<vmem>> -> memref<128xi32, #tpu.memory_space<vmem>>
    %dma_wait3A_634 = arith.constant 0 : i32
    %dma_wait3A_635 = arith.constant 0 : i32
    %dma_wait3A_636 = tpu.memref_slice %arg4[%dma_wait3A_634, %dma_wait3A_635] : memref<250000x128xf32, #tpu.memory_space<hbm>> -> memref<250000x128xf32, #tpu.memory_space<hbm>>
    tpu.wait_indirect_dma semaphore(%arg13 : memref<!tpu.dma_semaphore, #tpu.memory_space<semaphore_mem>>) src(%dma_wait3A_636 : memref<250000x128xf32, #tpu.memory_space<hbm>>) dst(%dma_wait3A_631 : memref<128x128xf32, #tpu.memory_space<vmem>>)
    %add3A_637 = arith.constant 1664 : i32
    %add3A_638 = arith.addi %mul3A_2, %add3A_637 : i32
    %dma_start3A_639 = arith.constant 1 : i32
    %dma_start3A_640 = arith.constant 0 : i32
    %dma_start3A_641 = arith.constant 0 : i32
    %dma_start3A_642 = tpu.memref_slice %arg10[%dma_start3A_639, %dma_start3A_640, %dma_start3A_641] : memref<2x128x128xf32, #tpu.memory_space<vmem>> -> memref<1x128x128xf32, #tpu.memory_space<vmem>>
    %dma_start3A_643 = tpu.memref_squeeze %dma_start3A_642 : memref<1x128x128xf32, #tpu.memory_space<vmem>> -> memref<128x128xf32, #tpu.memory_space<vmem>>
    %dma_start3A_644 = arith.constant 0 : i32
    %dma_start3A_645 = tpu.memref_slice %arg6[%add3A_638, %dma_start3A_644] : memref<81920x128xf32, #tpu.memory_space<hbm>> -> memref<128x128xf32, #tpu.memory_space<hbm>>
    %dma_start3A_646 = arith.constant 0 : i32
    %dma_start3A_647 = tpu.memref_slice %arg6[%add3A_638, %dma_start3A_646] : memref<81920x128xf32, #tpu.memory_space<hbm>> -> memref<128x128xf32, #tpu.memory_space<hbm>>
    %dma_start3A_648 = arith.constant 0 : i32
    %dma_start3A_649 = arith.constant 0 : i32
    %dma_start3A_650 = tpu.memref_slice %arg10[%dma_start3A_639, %dma_start3A_648, %dma_start3A_649] : memref<2x128x128xf32, #tpu.memory_space<vmem>> -> memref<1x128x128xf32, #tpu.memory_space<vmem>>
    %dma_start3A_651 = tpu.memref_squeeze %dma_start3A_650 : memref<1x128x128xf32, #tpu.memory_space<vmem>> -> memref<128x128xf32, #tpu.memory_space<vmem>>
    tpu.enqueue_dma source(%dma_start3A_651 : memref<128x128xf32, #tpu.memory_space<vmem>>) target(%dma_start3A_647 : memref<128x128xf32, #tpu.memory_space<hbm>>) target_semaphore(%arg13 : memref<!tpu.dma_semaphore, #tpu.memory_space<semaphore_mem>>)
    %dma_wait3A_652 = arith.constant 0 : i32
    %dma_wait3A_653 = arith.constant 0 : i32
    %dma_wait3A_654 = arith.constant 0 : i32
    %dma_wait3A_655 = tpu.memref_slice %arg10[%dma_wait3A_652, %dma_wait3A_653, %dma_wait3A_654] : memref<2x128x128xf32, #tpu.memory_space<vmem>> -> memref<1x128x128xf32, #tpu.memory_space<vmem>>
    %dma_wait3A_656 = tpu.memref_squeeze %dma_wait3A_655 : memref<1x128x128xf32, #tpu.memory_space<vmem>> -> memref<128x128xf32, #tpu.memory_space<vmem>>
    %dma_wait3A_657 = arith.constant 0 : i32
    %dma_wait3A_658 = tpu.memref_slice %arg6[%add3A_590, %dma_wait3A_657] : memref<81920x128xf32, #tpu.memory_space<hbm>> -> memref<128x128xf32, #tpu.memory_space<hbm>>
    %dma_wait3A_659 = arith.constant 0 : i32
    %dma_wait3A_660 = tpu.memref_slice %arg6[%add3A_590, %dma_wait3A_659] : memref<81920x128xf32, #tpu.memory_space<hbm>> -> memref<128x128xf32, #tpu.memory_space<hbm>>
    %dma_wait3A_661 = arith.constant 0 : i32
    %dma_wait3A_662 = arith.constant 0 : i32
    %dma_wait3A_663 = tpu.memref_slice %arg10[%dma_wait3A_652, %dma_wait3A_661, %dma_wait3A_662] : memref<2x128x128xf32, #tpu.memory_space<vmem>> -> memref<1x128x128xf32, #tpu.memory_space<vmem>>
    %dma_wait3A_664 = tpu.memref_squeeze %dma_wait3A_663 : memref<1x128x128xf32, #tpu.memory_space<vmem>> -> memref<128x128xf32, #tpu.memory_space<vmem>>
    tpu.wait_dma2 semaphore(%arg12 : memref<!tpu.dma_semaphore, #tpu.memory_space<semaphore_mem>>) src(%dma_wait3A_664 : memref<128x128xf32, #tpu.memory_space<vmem>>) dst(%dma_wait3A_660 : memref<128x128xf32, #tpu.memory_space<hbm>>)
    %dma_start3A_665 = arith.constant 0 : i32
    %dma_start3A_666 = arith.constant 0 : i32
    %dma_start3A_667 = arith.constant 0 : i32
    %dma_start3A_668 = tpu.memref_slice %arg10[%dma_start3A_665, %dma_start3A_666, %dma_start3A_667] : memref<2x128x128xf32, #tpu.memory_space<vmem>> -> memref<1x128x128xf32, #tpu.memory_space<vmem>>
    %dma_start3A_669 = tpu.memref_squeeze %dma_start3A_668 : memref<1x128x128xf32, #tpu.memory_space<vmem>> -> memref<128x128xf32, #tpu.memory_space<vmem>>
    %dma_start3A_670 = arith.constant 1792 : i32
    %dma_start3A_671 = tpu.memref_slice %arg8[%dma_start3A_670] : memref<2560xi32, #tpu.memory_space<vmem>> -> memref<128xi32, #tpu.memory_space<vmem>>
    %dma_start3A_672 = arith.constant 0 : i32
    %dma_start3A_673 = arith.constant 0 : i32
    %dma_start3A_674 = tpu.memref_slice %arg4[%dma_start3A_672, %dma_start3A_673] : memref<250000x128xf32, #tpu.memory_space<hbm>> -> memref<250000x128xf32, #tpu.memory_space<hbm>>
    tpu.enqueue_indirect_dma source(%dma_start3A_674 : memref<250000x128xf32, #tpu.memory_space<hbm>>) target(%dma_start3A_669 : memref<128x128xf32, #tpu.memory_space<vmem>>) offsets(%dma_start3A_671 : memref<128xi32, #tpu.memory_space<vmem>>) semaphore(%arg12 : memref<!tpu.dma_semaphore, #tpu.memory_space<semaphore_mem>>)
    %dma_wait3A_675 = arith.constant 0 : i32
    %dma_wait3A_676 = arith.constant 0 : i32
    %dma_wait3A_677 = arith.constant 0 : i32
    %dma_wait3A_678 = tpu.memref_slice %arg10[%dma_wait3A_675, %dma_wait3A_676, %dma_wait3A_677] : memref<2x128x128xf32, #tpu.memory_space<vmem>> -> memref<1x128x128xf32, #tpu.memory_space<vmem>>
    %dma_wait3A_679 = tpu.memref_squeeze %dma_wait3A_678 : memref<1x128x128xf32, #tpu.memory_space<vmem>> -> memref<128x128xf32, #tpu.memory_space<vmem>>
    %dma_wait3A_680 = arith.constant 1792 : i32
    %dma_wait3A_681 = tpu.memref_slice %arg8[%dma_wait3A_680] : memref<2560xi32, #tpu.memory_space<vmem>> -> memref<128xi32, #tpu.memory_space<vmem>>
    %dma_wait3A_682 = arith.constant 0 : i32
    %dma_wait3A_683 = arith.constant 0 : i32
    %dma_wait3A_684 = tpu.memref_slice %arg4[%dma_wait3A_682, %dma_wait3A_683] : memref<250000x128xf32, #tpu.memory_space<hbm>> -> memref<250000x128xf32, #tpu.memory_space<hbm>>
    tpu.wait_indirect_dma semaphore(%arg12 : memref<!tpu.dma_semaphore, #tpu.memory_space<semaphore_mem>>) src(%dma_wait3A_684 : memref<250000x128xf32, #tpu.memory_space<hbm>>) dst(%dma_wait3A_679 : memref<128x128xf32, #tpu.memory_space<vmem>>)
    %add3A_685 = arith.constant 1792 : i32
    %add3A_686 = arith.addi %mul3A_2, %add3A_685 : i32
    %dma_start3A_687 = arith.constant 0 : i32
    %dma_start3A_688 = arith.constant 0 : i32
    %dma_start3A_689 = arith.constant 0 : i32
    %dma_start3A_690 = tpu.memref_slice %arg10[%dma_start3A_687, %dma_start3A_688, %dma_start3A_689] : memref<2x128x128xf32, #tpu.memory_space<vmem>> -> memref<1x128x128xf32, #tpu.memory_space<vmem>>
    %dma_start3A_691 = tpu.memref_squeeze %dma_start3A_690 : memref<1x128x128xf32, #tpu.memory_space<vmem>> -> memref<128x128xf32, #tpu.memory_space<vmem>>
    %dma_start3A_692 = arith.constant 0 : i32
    %dma_start3A_693 = tpu.memref_slice %arg6[%add3A_686, %dma_start3A_692] : memref<81920x128xf32, #tpu.memory_space<hbm>> -> memref<128x128xf32, #tpu.memory_space<hbm>>
    %dma_start3A_694 = arith.constant 0 : i32
    %dma_start3A_695 = tpu.memref_slice %arg6[%add3A_686, %dma_start3A_694] : memref<81920x128xf32, #tpu.memory_space<hbm>> -> memref<128x128xf32, #tpu.memory_space<hbm>>
    %dma_start3A_696 = arith.constant 0 : i32
    %dma_start3A_697 = arith.constant 0 : i32
    %dma_start3A_698 = tpu.memref_slice %arg10[%dma_start3A_687, %dma_start3A_696, %dma_start3A_697] : memref<2x128x128xf32, #tpu.memory_space<vmem>> -> memref<1x128x128xf32, #tpu.memory_space<vmem>>
    %dma_start3A_699 = tpu.memref_squeeze %dma_start3A_698 : memref<1x128x128xf32, #tpu.memory_space<vmem>> -> memref<128x128xf32, #tpu.memory_space<vmem>>
    tpu.enqueue_dma source(%dma_start3A_699 : memref<128x128xf32, #tpu.memory_space<vmem>>) target(%dma_start3A_695 : memref<128x128xf32, #tpu.memory_space<hbm>>) target_semaphore(%arg12 : memref<!tpu.dma_semaphore, #tpu.memory_space<semaphore_mem>>)
    %dma_wait3A_700 = arith.constant 1 : i32
    %dma_wait3A_701 = arith.constant 0 : i32
    %dma_wait3A_702 = arith.constant 0 : i32
    %dma_wait3A_703 = tpu.memref_slice %arg10[%dma_wait3A_700, %dma_wait3A_701, %dma_wait3A_702] : memref<2x128x128xf32, #tpu.memory_space<vmem>> -> memref<1x128x128xf32, #tpu.memory_space<vmem>>
    %dma_wait3A_704 = tpu.memref_squeeze %dma_wait3A_703 : memref<1x128x128xf32, #tpu.memory_space<vmem>> -> memref<128x128xf32, #tpu.memory_space<vmem>>
    %dma_wait3A_705 = arith.constant 0 : i32
    %dma_wait3A_706 = tpu.memref_slice %arg6[%add3A_638, %dma_wait3A_705] : memref<81920x128xf32, #tpu.memory_space<hbm>> -> memref<128x128xf32, #tpu.memory_space<hbm>>
    %dma_wait3A_707 = arith.constant 0 : i32
    %dma_wait3A_708 = tpu.memref_slice %arg6[%add3A_638, %dma_wait3A_707] : memref<81920x128xf32, #tpu.memory_space<hbm>> -> memref<128x128xf32, #tpu.memory_space<hbm>>
    %dma_wait3A_709 = arith.constant 0 : i32
    %dma_wait3A_710 = arith.constant 0 : i32
    %dma_wait3A_711 = tpu.memref_slice %arg10[%dma_wait3A_700, %dma_wait3A_709, %dma_wait3A_710] : memref<2x128x128xf32, #tpu.memory_space<vmem>> -> memref<1x128x128xf32, #tpu.memory_space<vmem>>
    %dma_wait3A_712 = tpu.memref_squeeze %dma_wait3A_711 : memref<1x128x128xf32, #tpu.memory_space<vmem>> -> memref<128x128xf32, #tpu.memory_space<vmem>>
    tpu.wait_dma2 semaphore(%arg13 : memref<!tpu.dma_semaphore, #tpu.memory_space<semaphore_mem>>) src(%dma_wait3A_712 : memref<128x128xf32, #tpu.memory_space<vmem>>) dst(%dma_wait3A_708 : memref<128x128xf32, #tpu.memory_space<hbm>>)
    %dma_start3A_713 = arith.constant 1 : i32
    %dma_start3A_714 = arith.constant 0 : i32
    %dma_start3A_715 = arith.constant 0 : i32
    %dma_start3A_716 = tpu.memref_slice %arg10[%dma_start3A_713, %dma_start3A_714, %dma_start3A_715] : memref<2x128x128xf32, #tpu.memory_space<vmem>> -> memref<1x128x128xf32, #tpu.memory_space<vmem>>
    %dma_start3A_717 = tpu.memref_squeeze %dma_start3A_716 : memref<1x128x128xf32, #tpu.memory_space<vmem>> -> memref<128x128xf32, #tpu.memory_space<vmem>>
    %dma_start3A_718 = arith.constant 1920 : i32
    %dma_start3A_719 = tpu.memref_slice %arg8[%dma_start3A_718] : memref<2560xi32, #tpu.memory_space<vmem>> -> memref<128xi32, #tpu.memory_space<vmem>>
    %dma_start3A_720 = arith.constant 0 : i32
    %dma_start3A_721 = arith.constant 0 : i32
    %dma_start3A_722 = tpu.memref_slice %arg4[%dma_start3A_720, %dma_start3A_721] : memref<250000x128xf32, #tpu.memory_space<hbm>> -> memref<250000x128xf32, #tpu.memory_space<hbm>>
    tpu.enqueue_indirect_dma source(%dma_start3A_722 : memref<250000x128xf32, #tpu.memory_space<hbm>>) target(%dma_start3A_717 : memref<128x128xf32, #tpu.memory_space<vmem>>) offsets(%dma_start3A_719 : memref<128xi32, #tpu.memory_space<vmem>>) semaphore(%arg13 : memref<!tpu.dma_semaphore, #tpu.memory_space<semaphore_mem>>)
    %dma_wait3A_723 = arith.constant 1 : i32
    %dma_wait3A_724 = arith.constant 0 : i32
    %dma_wait3A_725 = arith.constant 0 : i32
    %dma_wait3A_726 = tpu.memref_slice %arg10[%dma_wait3A_723, %dma_wait3A_724, %dma_wait3A_725] : memref<2x128x128xf32, #tpu.memory_space<vmem>> -> memref<1x128x128xf32, #tpu.memory_space<vmem>>
    %dma_wait3A_727 = tpu.memref_squeeze %dma_wait3A_726 : memref<1x128x128xf32, #tpu.memory_space<vmem>> -> memref<128x128xf32, #tpu.memory_space<vmem>>
    %dma_wait3A_728 = arith.constant 1920 : i32
    %dma_wait3A_729 = tpu.memref_slice %arg8[%dma_wait3A_728] : memref<2560xi32, #tpu.memory_space<vmem>> -> memref<128xi32, #tpu.memory_space<vmem>>
    %dma_wait3A_730 = arith.constant 0 : i32
    %dma_wait3A_731 = arith.constant 0 : i32
    %dma_wait3A_732 = tpu.memref_slice %arg4[%dma_wait3A_730, %dma_wait3A_731] : memref<250000x128xf32, #tpu.memory_space<hbm>> -> memref<250000x128xf32, #tpu.memory_space<hbm>>
    tpu.wait_indirect_dma semaphore(%arg13 : memref<!tpu.dma_semaphore, #tpu.memory_space<semaphore_mem>>) src(%dma_wait3A_732 : memref<250000x128xf32, #tpu.memory_space<hbm>>) dst(%dma_wait3A_727 : memref<128x128xf32, #tpu.memory_space<vmem>>)
    %add3A_733 = arith.constant 1920 : i32
    %add3A_734 = arith.addi %mul3A_2, %add3A_733 : i32
    %dma_start3A_735 = arith.constant 1 : i32
    %dma_start3A_736 = arith.constant 0 : i32
    %dma_start3A_737 = arith.constant 0 : i32
    %dma_start3A_738 = tpu.memref_slice %arg10[%dma_start3A_735, %dma_start3A_736, %dma_start3A_737] : memref<2x128x128xf32, #tpu.memory_space<vmem>> -> memref<1x128x128xf32, #tpu.memory_space<vmem>>
    %dma_start3A_739 = tpu.memref_squeeze %dma_start3A_738 : memref<1x128x128xf32, #tpu.memory_space<vmem>> -> memref<128x128xf32, #tpu.memory_space<vmem>>
    %dma_start3A_740 = arith.constant 0 : i32
    %dma_start3A_741 = tpu.memref_slice %arg6[%add3A_734, %dma_start3A_740] : memref<81920x128xf32, #tpu.memory_space<hbm>> -> memref<128x128xf32, #tpu.memory_space<hbm>>
    %dma_start3A_742 = arith.constant 0 : i32
    %dma_start3A_743 = tpu.memref_slice %arg6[%add3A_734, %dma_start3A_742] : memref<81920x128xf32, #tpu.memory_space<hbm>> -> memref<128x128xf32, #tpu.memory_space<hbm>>
    %dma_start3A_744 = arith.constant 0 : i32
    %dma_start3A_745 = arith.constant 0 : i32
    %dma_start3A_746 = tpu.memref_slice %arg10[%dma_start3A_735, %dma_start3A_744, %dma_start3A_745] : memref<2x128x128xf32, #tpu.memory_space<vmem>> -> memref<1x128x128xf32, #tpu.memory_space<vmem>>
    %dma_start3A_747 = tpu.memref_squeeze %dma_start3A_746 : memref<1x128x128xf32, #tpu.memory_space<vmem>> -> memref<128x128xf32, #tpu.memory_space<vmem>>
    tpu.enqueue_dma source(%dma_start3A_747 : memref<128x128xf32, #tpu.memory_space<vmem>>) target(%dma_start3A_743 : memref<128x128xf32, #tpu.memory_space<hbm>>) target_semaphore(%arg13 : memref<!tpu.dma_semaphore, #tpu.memory_space<semaphore_mem>>)
    %dma_wait3A_748 = arith.constant 0 : i32
    %dma_wait3A_749 = arith.constant 0 : i32
    %dma_wait3A_750 = arith.constant 0 : i32
    %dma_wait3A_751 = tpu.memref_slice %arg10[%dma_wait3A_748, %dma_wait3A_749, %dma_wait3A_750] : memref<2x128x128xf32, #tpu.memory_space<vmem>> -> memref<1x128x128xf32, #tpu.memory_space<vmem>>
    %dma_wait3A_752 = tpu.memref_squeeze %dma_wait3A_751 : memref<1x128x128xf32, #tpu.memory_space<vmem>> -> memref<128x128xf32, #tpu.memory_space<vmem>>
    %dma_wait3A_753 = arith.constant 0 : i32
    %dma_wait3A_754 = tpu.memref_slice %arg6[%add3A_686, %dma_wait3A_753] : memref<81920x128xf32, #tpu.memory_space<hbm>> -> memref<128x128xf32, #tpu.memory_space<hbm>>
    %dma_wait3A_755 = arith.constant 0 : i32
    %dma_wait3A_756 = tpu.memref_slice %arg6[%add3A_686, %dma_wait3A_755] : memref<81920x128xf32, #tpu.memory_space<hbm>> -> memref<128x128xf32, #tpu.memory_space<hbm>>
    %dma_wait3A_757 = arith.constant 0 : i32
    %dma_wait3A_758 = arith.constant 0 : i32
    %dma_wait3A_759 = tpu.memref_slice %arg10[%dma_wait3A_748, %dma_wait3A_757, %dma_wait3A_758] : memref<2x128x128xf32, #tpu.memory_space<vmem>> -> memref<1x128x128xf32, #tpu.memory_space<vmem>>
    %dma_wait3A_760 = tpu.memref_squeeze %dma_wait3A_759 : memref<1x128x128xf32, #tpu.memory_space<vmem>> -> memref<128x128xf32, #tpu.memory_space<vmem>>
    tpu.wait_dma2 semaphore(%arg12 : memref<!tpu.dma_semaphore, #tpu.memory_space<semaphore_mem>>) src(%dma_wait3A_760 : memref<128x128xf32, #tpu.memory_space<vmem>>) dst(%dma_wait3A_756 : memref<128x128xf32, #tpu.memory_space<hbm>>)
    %dma_start3A_761 = arith.constant 0 : i32
    %dma_start3A_762 = arith.constant 0 : i32
    %dma_start3A_763 = arith.constant 0 : i32
    %dma_start3A_764 = tpu.memref_slice %arg10[%dma_start3A_761, %dma_start3A_762, %dma_start3A_763] : memref<2x128x128xf32, #tpu.memory_space<vmem>> -> memref<1x128x128xf32, #tpu.memory_space<vmem>>
    %dma_start3A_765 = tpu.memref_squeeze %dma_start3A_764 : memref<1x128x128xf32, #tpu.memory_space<vmem>> -> memref<128x128xf32, #tpu.memory_space<vmem>>
    %dma_start3A_766 = arith.constant 2048 : i32
    %dma_start3A_767 = tpu.memref_slice %arg8[%dma_start3A_766] : memref<2560xi32, #tpu.memory_space<vmem>> -> memref<128xi32, #tpu.memory_space<vmem>>
    %dma_start3A_768 = arith.constant 0 : i32
    %dma_start3A_769 = arith.constant 0 : i32
    %dma_start3A_770 = tpu.memref_slice %arg4[%dma_start3A_768, %dma_start3A_769] : memref<250000x128xf32, #tpu.memory_space<hbm>> -> memref<250000x128xf32, #tpu.memory_space<hbm>>
    tpu.enqueue_indirect_dma source(%dma_start3A_770 : memref<250000x128xf32, #tpu.memory_space<hbm>>) target(%dma_start3A_765 : memref<128x128xf32, #tpu.memory_space<vmem>>) offsets(%dma_start3A_767 : memref<128xi32, #tpu.memory_space<vmem>>) semaphore(%arg12 : memref<!tpu.dma_semaphore, #tpu.memory_space<semaphore_mem>>)
    %dma_wait3A_771 = arith.constant 0 : i32
    %dma_wait3A_772 = arith.constant 0 : i32
    %dma_wait3A_773 = arith.constant 0 : i32
    %dma_wait3A_774 = tpu.memref_slice %arg10[%dma_wait3A_771, %dma_wait3A_772, %dma_wait3A_773] : memref<2x128x128xf32, #tpu.memory_space<vmem>> -> memref<1x128x128xf32, #tpu.memory_space<vmem>>
    %dma_wait3A_775 = tpu.memref_squeeze %dma_wait3A_774 : memref<1x128x128xf32, #tpu.memory_space<vmem>> -> memref<128x128xf32, #tpu.memory_space<vmem>>
    %dma_wait3A_776 = arith.constant 2048 : i32
    %dma_wait3A_777 = tpu.memref_slice %arg8[%dma_wait3A_776] : memref<2560xi32, #tpu.memory_space<vmem>> -> memref<128xi32, #tpu.memory_space<vmem>>
    %dma_wait3A_778 = arith.constant 0 : i32
    %dma_wait3A_779 = arith.constant 0 : i32
    %dma_wait3A_780 = tpu.memref_slice %arg4[%dma_wait3A_778, %dma_wait3A_779] : memref<250000x128xf32, #tpu.memory_space<hbm>> -> memref<250000x128xf32, #tpu.memory_space<hbm>>
    tpu.wait_indirect_dma semaphore(%arg12 : memref<!tpu.dma_semaphore, #tpu.memory_space<semaphore_mem>>) src(%dma_wait3A_780 : memref<250000x128xf32, #tpu.memory_space<hbm>>) dst(%dma_wait3A_775 : memref<128x128xf32, #tpu.memory_space<vmem>>)
    %add3A_781 = arith.constant 2048 : i32
    %add3A_782 = arith.addi %mul3A_2, %add3A_781 : i32
    %dma_start3A_783 = arith.constant 0 : i32
    %dma_start3A_784 = arith.constant 0 : i32
    %dma_start3A_785 = arith.constant 0 : i32
    %dma_start3A_786 = tpu.memref_slice %arg10[%dma_start3A_783, %dma_start3A_784, %dma_start3A_785] : memref<2x128x128xf32, #tpu.memory_space<vmem>> -> memref<1x128x128xf32, #tpu.memory_space<vmem>>
    %dma_start3A_787 = tpu.memref_squeeze %dma_start3A_786 : memref<1x128x128xf32, #tpu.memory_space<vmem>> -> memref<128x128xf32, #tpu.memory_space<vmem>>
    %dma_start3A_788 = arith.constant 0 : i32
    %dma_start3A_789 = tpu.memref_slice %arg6[%add3A_782, %dma_start3A_788] : memref<81920x128xf32, #tpu.memory_space<hbm>> -> memref<128x128xf32, #tpu.memory_space<hbm>>
    %dma_start3A_790 = arith.constant 0 : i32
    %dma_start3A_791 = tpu.memref_slice %arg6[%add3A_782, %dma_start3A_790] : memref<81920x128xf32, #tpu.memory_space<hbm>> -> memref<128x128xf32, #tpu.memory_space<hbm>>
    %dma_start3A_792 = arith.constant 0 : i32
    %dma_start3A_793 = arith.constant 0 : i32
    %dma_start3A_794 = tpu.memref_slice %arg10[%dma_start3A_783, %dma_start3A_792, %dma_start3A_793] : memref<2x128x128xf32, #tpu.memory_space<vmem>> -> memref<1x128x128xf32, #tpu.memory_space<vmem>>
    %dma_start3A_795 = tpu.memref_squeeze %dma_start3A_794 : memref<1x128x128xf32, #tpu.memory_space<vmem>> -> memref<128x128xf32, #tpu.memory_space<vmem>>
    tpu.enqueue_dma source(%dma_start3A_795 : memref<128x128xf32, #tpu.memory_space<vmem>>) target(%dma_start3A_791 : memref<128x128xf32, #tpu.memory_space<hbm>>) target_semaphore(%arg12 : memref<!tpu.dma_semaphore, #tpu.memory_space<semaphore_mem>>)
    %dma_wait3A_796 = arith.constant 1 : i32
    %dma_wait3A_797 = arith.constant 0 : i32
    %dma_wait3A_798 = arith.constant 0 : i32
    %dma_wait3A_799 = tpu.memref_slice %arg10[%dma_wait3A_796, %dma_wait3A_797, %dma_wait3A_798] : memref<2x128x128xf32, #tpu.memory_space<vmem>> -> memref<1x128x128xf32, #tpu.memory_space<vmem>>
    %dma_wait3A_800 = tpu.memref_squeeze %dma_wait3A_799 : memref<1x128x128xf32, #tpu.memory_space<vmem>> -> memref<128x128xf32, #tpu.memory_space<vmem>>
    %dma_wait3A_801 = arith.constant 0 : i32
    %dma_wait3A_802 = tpu.memref_slice %arg6[%add3A_734, %dma_wait3A_801] : memref<81920x128xf32, #tpu.memory_space<hbm>> -> memref<128x128xf32, #tpu.memory_space<hbm>>
    %dma_wait3A_803 = arith.constant 0 : i32
    %dma_wait3A_804 = tpu.memref_slice %arg6[%add3A_734, %dma_wait3A_803] : memref<81920x128xf32, #tpu.memory_space<hbm>> -> memref<128x128xf32, #tpu.memory_space<hbm>>
    %dma_wait3A_805 = arith.constant 0 : i32
    %dma_wait3A_806 = arith.constant 0 : i32
    %dma_wait3A_807 = tpu.memref_slice %arg10[%dma_wait3A_796, %dma_wait3A_805, %dma_wait3A_806] : memref<2x128x128xf32, #tpu.memory_space<vmem>> -> memref<1x128x128xf32, #tpu.memory_space<vmem>>
    %dma_wait3A_808 = tpu.memref_squeeze %dma_wait3A_807 : memref<1x128x128xf32, #tpu.memory_space<vmem>> -> memref<128x128xf32, #tpu.memory_space<vmem>>
    tpu.wait_dma2 semaphore(%arg13 : memref<!tpu.dma_semaphore, #tpu.memory_space<semaphore_mem>>) src(%dma_wait3A_808 : memref<128x128xf32, #tpu.memory_space<vmem>>) dst(%dma_wait3A_804 : memref<128x128xf32, #tpu.memory_space<hbm>>)
    %dma_start3A_809 = arith.constant 1 : i32
    %dma_start3A_810 = arith.constant 0 : i32
    %dma_start3A_811 = arith.constant 0 : i32
    %dma_start3A_812 = tpu.memref_slice %arg10[%dma_start3A_809, %dma_start3A_810, %dma_start3A_811] : memref<2x128x128xf32, #tpu.memory_space<vmem>> -> memref<1x128x128xf32, #tpu.memory_space<vmem>>
    %dma_start3A_813 = tpu.memref_squeeze %dma_start3A_812 : memref<1x128x128xf32, #tpu.memory_space<vmem>> -> memref<128x128xf32, #tpu.memory_space<vmem>>
    %dma_start3A_814 = arith.constant 2176 : i32
    %dma_start3A_815 = tpu.memref_slice %arg8[%dma_start3A_814] : memref<2560xi32, #tpu.memory_space<vmem>> -> memref<128xi32, #tpu.memory_space<vmem>>
    %dma_start3A_816 = arith.constant 0 : i32
    %dma_start3A_817 = arith.constant 0 : i32
    %dma_start3A_818 = tpu.memref_slice %arg4[%dma_start3A_816, %dma_start3A_817] : memref<250000x128xf32, #tpu.memory_space<hbm>> -> memref<250000x128xf32, #tpu.memory_space<hbm>>
    tpu.enqueue_indirect_dma source(%dma_start3A_818 : memref<250000x128xf32, #tpu.memory_space<hbm>>) target(%dma_start3A_813 : memref<128x128xf32, #tpu.memory_space<vmem>>) offsets(%dma_start3A_815 : memref<128xi32, #tpu.memory_space<vmem>>) semaphore(%arg13 : memref<!tpu.dma_semaphore, #tpu.memory_space<semaphore_mem>>)
    %dma_wait3A_819 = arith.constant 1 : i32
    %dma_wait3A_820 = arith.constant 0 : i32
    %dma_wait3A_821 = arith.constant 0 : i32
    %dma_wait3A_822 = tpu.memref_slice %arg10[%dma_wait3A_819, %dma_wait3A_820, %dma_wait3A_821] : memref<2x128x128xf32, #tpu.memory_space<vmem>> -> memref<1x128x128xf32, #tpu.memory_space<vmem>>
    %dma_wait3A_823 = tpu.memref_squeeze %dma_wait3A_822 : memref<1x128x128xf32, #tpu.memory_space<vmem>> -> memref<128x128xf32, #tpu.memory_space<vmem>>
    %dma_wait3A_824 = arith.constant 2176 : i32
    %dma_wait3A_825 = tpu.memref_slice %arg8[%dma_wait3A_824] : memref<2560xi32, #tpu.memory_space<vmem>> -> memref<128xi32, #tpu.memory_space<vmem>>
    %dma_wait3A_826 = arith.constant 0 : i32
    %dma_wait3A_827 = arith.constant 0 : i32
    %dma_wait3A_828 = tpu.memref_slice %arg4[%dma_wait3A_826, %dma_wait3A_827] : memref<250000x128xf32, #tpu.memory_space<hbm>> -> memref<250000x128xf32, #tpu.memory_space<hbm>>
    tpu.wait_indirect_dma semaphore(%arg13 : memref<!tpu.dma_semaphore, #tpu.memory_space<semaphore_mem>>) src(%dma_wait3A_828 : memref<250000x128xf32, #tpu.memory_space<hbm>>) dst(%dma_wait3A_823 : memref<128x128xf32, #tpu.memory_space<vmem>>)
    %add3A_829 = arith.constant 2176 : i32
    %add3A_830 = arith.addi %mul3A_2, %add3A_829 : i32
    %dma_start3A_831 = arith.constant 1 : i32
    %dma_start3A_832 = arith.constant 0 : i32
    %dma_start3A_833 = arith.constant 0 : i32
    %dma_start3A_834 = tpu.memref_slice %arg10[%dma_start3A_831, %dma_start3A_832, %dma_start3A_833] : memref<2x128x128xf32, #tpu.memory_space<vmem>> -> memref<1x128x128xf32, #tpu.memory_space<vmem>>
    %dma_start3A_835 = tpu.memref_squeeze %dma_start3A_834 : memref<1x128x128xf32, #tpu.memory_space<vmem>> -> memref<128x128xf32, #tpu.memory_space<vmem>>
    %dma_start3A_836 = arith.constant 0 : i32
    %dma_start3A_837 = tpu.memref_slice %arg6[%add3A_830, %dma_start3A_836] : memref<81920x128xf32, #tpu.memory_space<hbm>> -> memref<128x128xf32, #tpu.memory_space<hbm>>
    %dma_start3A_838 = arith.constant 0 : i32
    %dma_start3A_839 = tpu.memref_slice %arg6[%add3A_830, %dma_start3A_838] : memref<81920x128xf32, #tpu.memory_space<hbm>> -> memref<128x128xf32, #tpu.memory_space<hbm>>
    %dma_start3A_840 = arith.constant 0 : i32
    %dma_start3A_841 = arith.constant 0 : i32
    %dma_start3A_842 = tpu.memref_slice %arg10[%dma_start3A_831, %dma_start3A_840, %dma_start3A_841] : memref<2x128x128xf32, #tpu.memory_space<vmem>> -> memref<1x128x128xf32, #tpu.memory_space<vmem>>
    %dma_start3A_843 = tpu.memref_squeeze %dma_start3A_842 : memref<1x128x128xf32, #tpu.memory_space<vmem>> -> memref<128x128xf32, #tpu.memory_space<vmem>>
    tpu.enqueue_dma source(%dma_start3A_843 : memref<128x128xf32, #tpu.memory_space<vmem>>) target(%dma_start3A_839 : memref<128x128xf32, #tpu.memory_space<hbm>>) target_semaphore(%arg13 : memref<!tpu.dma_semaphore, #tpu.memory_space<semaphore_mem>>)
    %dma_wait3A_844 = arith.constant 0 : i32
    %dma_wait3A_845 = arith.constant 0 : i32
    %dma_wait3A_846 = arith.constant 0 : i32
    %dma_wait3A_847 = tpu.memref_slice %arg10[%dma_wait3A_844, %dma_wait3A_845, %dma_wait3A_846] : memref<2x128x128xf32, #tpu.memory_space<vmem>> -> memref<1x128x128xf32, #tpu.memory_space<vmem>>
    %dma_wait3A_848 = tpu.memref_squeeze %dma_wait3A_847 : memref<1x128x128xf32, #tpu.memory_space<vmem>> -> memref<128x128xf32, #tpu.memory_space<vmem>>
    %dma_wait3A_849 = arith.constant 0 : i32
    %dma_wait3A_850 = tpu.memref_slice %arg6[%add3A_782, %dma_wait3A_849] : memref<81920x128xf32, #tpu.memory_space<hbm>> -> memref<128x128xf32, #tpu.memory_space<hbm>>
    %dma_wait3A_851 = arith.constant 0 : i32
    %dma_wait3A_852 = tpu.memref_slice %arg6[%add3A_782, %dma_wait3A_851] : memref<81920x128xf32, #tpu.memory_space<hbm>> -> memref<128x128xf32, #tpu.memory_space<hbm>>
    %dma_wait3A_853 = arith.constant 0 : i32
    %dma_wait3A_854 = arith.constant 0 : i32
    %dma_wait3A_855 = tpu.memref_slice %arg10[%dma_wait3A_844, %dma_wait3A_853, %dma_wait3A_854] : memref<2x128x128xf32, #tpu.memory_space<vmem>> -> memref<1x128x128xf32, #tpu.memory_space<vmem>>
    %dma_wait3A_856 = tpu.memref_squeeze %dma_wait3A_855 : memref<1x128x128xf32, #tpu.memory_space<vmem>> -> memref<128x128xf32, #tpu.memory_space<vmem>>
    tpu.wait_dma2 semaphore(%arg12 : memref<!tpu.dma_semaphore, #tpu.memory_space<semaphore_mem>>) src(%dma_wait3A_856 : memref<128x128xf32, #tpu.memory_space<vmem>>) dst(%dma_wait3A_852 : memref<128x128xf32, #tpu.memory_space<hbm>>)
    %dma_start3A_857 = arith.constant 0 : i32
    %dma_start3A_858 = arith.constant 0 : i32
    %dma_start3A_859 = arith.constant 0 : i32
    %dma_start3A_860 = tpu.memref_slice %arg10[%dma_start3A_857, %dma_start3A_858, %dma_start3A_859] : memref<2x128x128xf32, #tpu.memory_space<vmem>> -> memref<1x128x128xf32, #tpu.memory_space<vmem>>
    %dma_start3A_861 = tpu.memref_squeeze %dma_start3A_860 : memref<1x128x128xf32, #tpu.memory_space<vmem>> -> memref<128x128xf32, #tpu.memory_space<vmem>>
    %dma_start3A_862 = arith.constant 2304 : i32
    %dma_start3A_863 = tpu.memref_slice %arg8[%dma_start3A_862] : memref<2560xi32, #tpu.memory_space<vmem>> -> memref<128xi32, #tpu.memory_space<vmem>>
    %dma_start3A_864 = arith.constant 0 : i32
    %dma_start3A_865 = arith.constant 0 : i32
    %dma_start3A_866 = tpu.memref_slice %arg4[%dma_start3A_864, %dma_start3A_865] : memref<250000x128xf32, #tpu.memory_space<hbm>> -> memref<250000x128xf32, #tpu.memory_space<hbm>>
    tpu.enqueue_indirect_dma source(%dma_start3A_866 : memref<250000x128xf32, #tpu.memory_space<hbm>>) target(%dma_start3A_861 : memref<128x128xf32, #tpu.memory_space<vmem>>) offsets(%dma_start3A_863 : memref<128xi32, #tpu.memory_space<vmem>>) semaphore(%arg12 : memref<!tpu.dma_semaphore, #tpu.memory_space<semaphore_mem>>)
    %dma_wait3A_867 = arith.constant 0 : i32
    %dma_wait3A_868 = arith.constant 0 : i32
    %dma_wait3A_869 = arith.constant 0 : i32
    %dma_wait3A_870 = tpu.memref_slice %arg10[%dma_wait3A_867, %dma_wait3A_868, %dma_wait3A_869] : memref<2x128x128xf32, #tpu.memory_space<vmem>> -> memref<1x128x128xf32, #tpu.memory_space<vmem>>
    %dma_wait3A_871 = tpu.memref_squeeze %dma_wait3A_870 : memref<1x128x128xf32, #tpu.memory_space<vmem>> -> memref<128x128xf32, #tpu.memory_space<vmem>>
    %dma_wait3A_872 = arith.constant 2304 : i32
    %dma_wait3A_873 = tpu.memref_slice %arg8[%dma_wait3A_872] : memref<2560xi32, #tpu.memory_space<vmem>> -> memref<128xi32, #tpu.memory_space<vmem>>
    %dma_wait3A_874 = arith.constant 0 : i32
    %dma_wait3A_875 = arith.constant 0 : i32
    %dma_wait3A_876 = tpu.memref_slice %arg4[%dma_wait3A_874, %dma_wait3A_875] : memref<250000x128xf32, #tpu.memory_space<hbm>> -> memref<250000x128xf32, #tpu.memory_space<hbm>>
    tpu.wait_indirect_dma semaphore(%arg12 : memref<!tpu.dma_semaphore, #tpu.memory_space<semaphore_mem>>) src(%dma_wait3A_876 : memref<250000x128xf32, #tpu.memory_space<hbm>>) dst(%dma_wait3A_871 : memref<128x128xf32, #tpu.memory_space<vmem>>)
    %add3A_877 = arith.constant 2304 : i32
    %add3A_878 = arith.addi %mul3A_2, %add3A_877 : i32
    %dma_start3A_879 = arith.constant 0 : i32
    %dma_start3A_880 = arith.constant 0 : i32
    %dma_start3A_881 = arith.constant 0 : i32
    %dma_start3A_882 = tpu.memref_slice %arg10[%dma_start3A_879, %dma_start3A_880, %dma_start3A_881] : memref<2x128x128xf32, #tpu.memory_space<vmem>> -> memref<1x128x128xf32, #tpu.memory_space<vmem>>
    %dma_start3A_883 = tpu.memref_squeeze %dma_start3A_882 : memref<1x128x128xf32, #tpu.memory_space<vmem>> -> memref<128x128xf32, #tpu.memory_space<vmem>>
    %dma_start3A_884 = arith.constant 0 : i32
    %dma_start3A_885 = tpu.memref_slice %arg6[%add3A_878, %dma_start3A_884] : memref<81920x128xf32, #tpu.memory_space<hbm>> -> memref<128x128xf32, #tpu.memory_space<hbm>>
    %dma_start3A_886 = arith.constant 0 : i32
    %dma_start3A_887 = tpu.memref_slice %arg6[%add3A_878, %dma_start3A_886] : memref<81920x128xf32, #tpu.memory_space<hbm>> -> memref<128x128xf32, #tpu.memory_space<hbm>>
    %dma_start3A_888 = arith.constant 0 : i32
    %dma_start3A_889 = arith.constant 0 : i32
    %dma_start3A_890 = tpu.memref_slice %arg10[%dma_start3A_879, %dma_start3A_888, %dma_start3A_889] : memref<2x128x128xf32, #tpu.memory_space<vmem>> -> memref<1x128x128xf32, #tpu.memory_space<vmem>>
    %dma_start3A_891 = tpu.memref_squeeze %dma_start3A_890 : memref<1x128x128xf32, #tpu.memory_space<vmem>> -> memref<128x128xf32, #tpu.memory_space<vmem>>
    tpu.enqueue_dma source(%dma_start3A_891 : memref<128x128xf32, #tpu.memory_space<vmem>>) target(%dma_start3A_887 : memref<128x128xf32, #tpu.memory_space<hbm>>) target_semaphore(%arg12 : memref<!tpu.dma_semaphore, #tpu.memory_space<semaphore_mem>>)
    %dma_wait3A_892 = arith.constant 1 : i32
    %dma_wait3A_893 = arith.constant 0 : i32
    %dma_wait3A_894 = arith.constant 0 : i32
    %dma_wait3A_895 = tpu.memref_slice %arg10[%dma_wait3A_892, %dma_wait3A_893, %dma_wait3A_894] : memref<2x128x128xf32, #tpu.memory_space<vmem>> -> memref<1x128x128xf32, #tpu.memory_space<vmem>>
    %dma_wait3A_896 = tpu.memref_squeeze %dma_wait3A_895 : memref<1x128x128xf32, #tpu.memory_space<vmem>> -> memref<128x128xf32, #tpu.memory_space<vmem>>
    %dma_wait3A_897 = arith.constant 0 : i32
    %dma_wait3A_898 = tpu.memref_slice %arg6[%add3A_830, %dma_wait3A_897] : memref<81920x128xf32, #tpu.memory_space<hbm>> -> memref<128x128xf32, #tpu.memory_space<hbm>>
    %dma_wait3A_899 = arith.constant 0 : i32
    %dma_wait3A_900 = tpu.memref_slice %arg6[%add3A_830, %dma_wait3A_899] : memref<81920x128xf32, #tpu.memory_space<hbm>> -> memref<128x128xf32, #tpu.memory_space<hbm>>
    %dma_wait3A_901 = arith.constant 0 : i32
    %dma_wait3A_902 = arith.constant 0 : i32
    %dma_wait3A_903 = tpu.memref_slice %arg10[%dma_wait3A_892, %dma_wait3A_901, %dma_wait3A_902] : memref<2x128x128xf32, #tpu.memory_space<vmem>> -> memref<1x128x128xf32, #tpu.memory_space<vmem>>
    %dma_wait3A_904 = tpu.memref_squeeze %dma_wait3A_903 : memref<1x128x128xf32, #tpu.memory_space<vmem>> -> memref<128x128xf32, #tpu.memory_space<vmem>>
    tpu.wait_dma2 semaphore(%arg13 : memref<!tpu.dma_semaphore, #tpu.memory_space<semaphore_mem>>) src(%dma_wait3A_904 : memref<128x128xf32, #tpu.memory_space<vmem>>) dst(%dma_wait3A_900 : memref<128x128xf32, #tpu.memory_space<hbm>>)
    %dma_start3A_905 = arith.constant 1 : i32
    %dma_start3A_906 = arith.constant 0 : i32
    %dma_start3A_907 = arith.constant 0 : i32
    %dma_start3A_908 = tpu.memref_slice %arg10[%dma_start3A_905, %dma_start3A_906, %dma_start3A_907] : memref<2x128x128xf32, #tpu.memory_space<vmem>> -> memref<1x128x128xf32, #tpu.memory_space<vmem>>
    %dma_start3A_909 = tpu.memref_squeeze %dma_start3A_908 : memref<1x128x128xf32, #tpu.memory_space<vmem>> -> memref<128x128xf32, #tpu.memory_space<vmem>>
    %dma_start3A_910 = arith.constant 2432 : i32
    %dma_start3A_911 = tpu.memref_slice %arg8[%dma_start3A_910] : memref<2560xi32, #tpu.memory_space<vmem>> -> memref<128xi32, #tpu.memory_space<vmem>>
    %dma_start3A_912 = arith.constant 0 : i32
    %dma_start3A_913 = arith.constant 0 : i32
    %dma_start3A_914 = tpu.memref_slice %arg4[%dma_start3A_912, %dma_start3A_913] : memref<250000x128xf32, #tpu.memory_space<hbm>> -> memref<250000x128xf32, #tpu.memory_space<hbm>>
    tpu.enqueue_indirect_dma source(%dma_start3A_914 : memref<250000x128xf32, #tpu.memory_space<hbm>>) target(%dma_start3A_909 : memref<128x128xf32, #tpu.memory_space<vmem>>) offsets(%dma_start3A_911 : memref<128xi32, #tpu.memory_space<vmem>>) semaphore(%arg13 : memref<!tpu.dma_semaphore, #tpu.memory_space<semaphore_mem>>)
    %dma_wait3A_915 = arith.constant 1 : i32
    %dma_wait3A_916 = arith.constant 0 : i32
    %dma_wait3A_917 = arith.constant 0 : i32
    %dma_wait3A_918 = tpu.memref_slice %arg10[%dma_wait3A_915, %dma_wait3A_916, %dma_wait3A_917] : memref<2x128x128xf32, #tpu.memory_space<vmem>> -> memref<1x128x128xf32, #tpu.memory_space<vmem>>
    %dma_wait3A_919 = tpu.memref_squeeze %dma_wait3A_918 : memref<1x128x128xf32, #tpu.memory_space<vmem>> -> memref<128x128xf32, #tpu.memory_space<vmem>>
    %dma_wait3A_920 = arith.constant 2432 : i32
    %dma_wait3A_921 = tpu.memref_slice %arg8[%dma_wait3A_920] : memref<2560xi32, #tpu.memory_space<vmem>> -> memref<128xi32, #tpu.memory_space<vmem>>
    %dma_wait3A_922 = arith.constant 0 : i32
    %dma_wait3A_923 = arith.constant 0 : i32
    %dma_wait3A_924 = tpu.memref_slice %arg4[%dma_wait3A_922, %dma_wait3A_923] : memref<250000x128xf32, #tpu.memory_space<hbm>> -> memref<250000x128xf32, #tpu.memory_space<hbm>>
    tpu.wait_indirect_dma semaphore(%arg13 : memref<!tpu.dma_semaphore, #tpu.memory_space<semaphore_mem>>) src(%dma_wait3A_924 : memref<250000x128xf32, #tpu.memory_space<hbm>>) dst(%dma_wait3A_919 : memref<128x128xf32, #tpu.memory_space<vmem>>)
    %add3A_925 = arith.constant 2432 : i32
    %add3A_926 = arith.addi %mul3A_2, %add3A_925 : i32
    %dma_start3A_927 = arith.constant 1 : i32
    %dma_start3A_928 = arith.constant 0 : i32
    %dma_start3A_929 = arith.constant 0 : i32
    %dma_start3A_930 = tpu.memref_slice %arg10[%dma_start3A_927, %dma_start3A_928, %dma_start3A_929] : memref<2x128x128xf32, #tpu.memory_space<vmem>> -> memref<1x128x128xf32, #tpu.memory_space<vmem>>
    %dma_start3A_931 = tpu.memref_squeeze %dma_start3A_930 : memref<1x128x128xf32, #tpu.memory_space<vmem>> -> memref<128x128xf32, #tpu.memory_space<vmem>>
    %dma_start3A_932 = arith.constant 0 : i32
    %dma_start3A_933 = tpu.memref_slice %arg6[%add3A_926, %dma_start3A_932] : memref<81920x128xf32, #tpu.memory_space<hbm>> -> memref<128x128xf32, #tpu.memory_space<hbm>>
    %dma_start3A_934 = arith.constant 0 : i32
    %dma_start3A_935 = tpu.memref_slice %arg6[%add3A_926, %dma_start3A_934] : memref<81920x128xf32, #tpu.memory_space<hbm>> -> memref<128x128xf32, #tpu.memory_space<hbm>>
    %dma_start3A_936 = arith.constant 0 : i32
    %dma_start3A_937 = arith.constant 0 : i32
    %dma_start3A_938 = tpu.memref_slice %arg10[%dma_start3A_927, %dma_start3A_936, %dma_start3A_937] : memref<2x128x128xf32, #tpu.memory_space<vmem>> -> memref<1x128x128xf32, #tpu.memory_space<vmem>>
    %dma_start3A_939 = tpu.memref_squeeze %dma_start3A_938 : memref<1x128x128xf32, #tpu.memory_space<vmem>> -> memref<128x128xf32, #tpu.memory_space<vmem>>
    tpu.enqueue_dma source(%dma_start3A_939 : memref<128x128xf32, #tpu.memory_space<vmem>>) target(%dma_start3A_935 : memref<128x128xf32, #tpu.memory_space<hbm>>) target_semaphore(%arg13 : memref<!tpu.dma_semaphore, #tpu.memory_space<semaphore_mem>>)
    %dma_wait3A_940 = arith.constant 0 : i32
    %dma_wait3A_941 = arith.constant 0 : i32
    %dma_wait3A_942 = arith.constant 0 : i32
    %dma_wait3A_943 = tpu.memref_slice %arg10[%dma_wait3A_940, %dma_wait3A_941, %dma_wait3A_942] : memref<2x128x128xf32, #tpu.memory_space<vmem>> -> memref<1x128x128xf32, #tpu.memory_space<vmem>>
    %dma_wait3A_944 = tpu.memref_squeeze %dma_wait3A_943 : memref<1x128x128xf32, #tpu.memory_space<vmem>> -> memref<128x128xf32, #tpu.memory_space<vmem>>
    %dma_wait3A_945 = arith.constant 0 : i32
    %dma_wait3A_946 = tpu.memref_slice %arg6[%add3A_878, %dma_wait3A_945] : memref<81920x128xf32, #tpu.memory_space<hbm>> -> memref<128x128xf32, #tpu.memory_space<hbm>>
    %dma_wait3A_947 = arith.constant 0 : i32
    %dma_wait3A_948 = tpu.memref_slice %arg6[%add3A_878, %dma_wait3A_947] : memref<81920x128xf32, #tpu.memory_space<hbm>> -> memref<128x128xf32, #tpu.memory_space<hbm>>
    %dma_wait3A_949 = arith.constant 0 : i32
    %dma_wait3A_950 = arith.constant 0 : i32
    %dma_wait3A_951 = tpu.memref_slice %arg10[%dma_wait3A_940, %dma_wait3A_949, %dma_wait3A_950] : memref<2x128x128xf32, #tpu.memory_space<vmem>> -> memref<1x128x128xf32, #tpu.memory_space<vmem>>
    %dma_wait3A_952 = tpu.memref_squeeze %dma_wait3A_951 : memref<1x128x128xf32, #tpu.memory_space<vmem>> -> memref<128x128xf32, #tpu.memory_space<vmem>>
    tpu.wait_dma2 semaphore(%arg12 : memref<!tpu.dma_semaphore, #tpu.memory_space<semaphore_mem>>) src(%dma_wait3A_952 : memref<128x128xf32, #tpu.memory_space<vmem>>) dst(%dma_wait3A_948 : memref<128x128xf32, #tpu.memory_space<hbm>>)
    %dma_wait3A_953 = arith.constant 1 : i32
    %dma_wait3A_954 = arith.constant 0 : i32
    %dma_wait3A_955 = arith.constant 0 : i32
    %dma_wait3A_956 = tpu.memref_slice %arg10[%dma_wait3A_953, %dma_wait3A_954, %dma_wait3A_955] : memref<2x128x128xf32, #tpu.memory_space<vmem>> -> memref<1x128x128xf32, #tpu.memory_space<vmem>>
    %dma_wait3A_957 = tpu.memref_squeeze %dma_wait3A_956 : memref<1x128x128xf32, #tpu.memory_space<vmem>> -> memref<128x128xf32, #tpu.memory_space<vmem>>
    %dma_wait3A_958 = arith.constant 0 : i32
    %dma_wait3A_959 = tpu.memref_slice %arg6[%add3A_926, %dma_wait3A_958] : memref<81920x128xf32, #tpu.memory_space<hbm>> -> memref<128x128xf32, #tpu.memory_space<hbm>>
    %dma_wait3A_960 = arith.constant 0 : i32
    %dma_wait3A_961 = tpu.memref_slice %arg6[%add3A_926, %dma_wait3A_960] : memref<81920x128xf32, #tpu.memory_space<hbm>> -> memref<128x128xf32, #tpu.memory_space<hbm>>
    %dma_wait3A_962 = arith.constant 0 : i32
    %dma_wait3A_963 = arith.constant 0 : i32
    %dma_wait3A_964 = tpu.memref_slice %arg10[%dma_wait3A_953, %dma_wait3A_962, %dma_wait3A_963] : memref<2x128x128xf32, #tpu.memory_space<vmem>> -> memref<1x128x128xf32, #tpu.memory_space<vmem>>
    %dma_wait3A_965 = tpu.memref_squeeze %dma_wait3A_964 : memref<1x128x128xf32, #tpu.memory_space<vmem>> -> memref<128x128xf32, #tpu.memory_space<vmem>>
    tpu.wait_dma2 semaphore(%arg13 : memref<!tpu.dma_semaphore, #tpu.memory_space<semaphore_mem>>) src(%dma_wait3A_965 : memref<128x128xf32, #tpu.memory_space<vmem>>) dst(%dma_wait3A_961 : memref<128x128xf32, #tpu.memory_space<hbm>>)
    %dma_wait3A_966 = arith.constant 0 : i32
    %dma_wait3A_967 = arith.constant 0 : i32
    %dma_wait3A_968 = tpu.memref_slice %arg5[%dma_wait3A_966, %dma_wait3A_967] : memref<250000x128xf32, #tpu.memory_space<hbm>> -> memref<250000x128xf32, #tpu.memory_space<hbm>>
    tpu.wait_indirect_dma semaphore(%arg14 : memref<!tpu.dma_semaphore, #tpu.memory_space<semaphore_mem>>) src(%dma_wait3A_968 : memref<250000x128xf32, #tpu.memory_space<hbm>>) dst(%arg11 : memref<128x128xf32, #tpu.memory_space<vmem>>)
    "tpu.region"() ({
      %run_scoped3A = tpu.sem_alloc : memref<!tpu.dma_semaphore, #tpu.memory_space<semaphore_mem>>
      %dma_start3A_969 = arith.constant 0 : i32
      %dma_start3A_970 = tpu.memref_slice %arg7[%mul3A_4, %dma_start3A_969] : memref<4096x128xf32, #tpu.memory_space<hbm>> -> memref<128x128xf32, #tpu.memory_space<hbm>>
      %dma_start3A_971 = arith.constant 0 : i32
      %dma_start3A_972 = tpu.memref_slice %arg7[%mul3A_4, %dma_start3A_971] : memref<4096x128xf32, #tpu.memory_space<hbm>> -> memref<128x128xf32, #tpu.memory_space<hbm>>
      tpu.enqueue_dma source(%arg11 : memref<128x128xf32, #tpu.memory_space<vmem>>) target(%dma_start3A_972 : memref<128x128xf32, #tpu.memory_space<hbm>>) target_semaphore(%run_scoped3A : memref<!tpu.dma_semaphore, #tpu.memory_space<semaphore_mem>>)
      %dma_wait3A_973 = arith.constant 0 : i32
      %dma_wait3A_974 = tpu.memref_slice %arg7[%mul3A_4, %dma_wait3A_973] : memref<4096x128xf32, #tpu.memory_space<hbm>> -> memref<128x128xf32, #tpu.memory_space<hbm>>
      %dma_wait3A_975 = arith.constant 0 : i32
      %dma_wait3A_976 = tpu.memref_slice %arg7[%mul3A_4, %dma_wait3A_975] : memref<4096x128xf32, #tpu.memory_space<hbm>> -> memref<128x128xf32, #tpu.memory_space<hbm>>
      tpu.wait_dma2 semaphore(%run_scoped3A : memref<!tpu.dma_semaphore, #tpu.memory_space<semaphore_mem>>) src(%arg11 : memref<128x128xf32, #tpu.memory_space<vmem>>) dst(%dma_wait3A_976 : memref<128x128xf32, #tpu.memory_space<hbm>>)
      tpu.yield
    }) : () -> ()
    return
  }
}

module attributes {stable_mosaic.version = 14 : i64} {
  func.func @_expand_body(%arg0: i32, %arg1: memref<128x128xf32, #tpu.memory_space<vmem>>, %arg2: memref<128x2560xf32, #tpu.memory_space<vmem>>, %arg3: memref<128x32xi32, #tpu.memory_space<vmem>>, %arg4: memref<128x640xi32, #tpu.memory_space<vmem>>, %arg5: memref<1x640xf32, #tpu.memory_space<vmem>>, %arg6: memref<128x6720xf32, #tpu.memory_space<vmem>>) attributes {dimension_semantics = [#tpu.dimension_semantics<arbitrary>], iteration_bounds = array<i64: 32>, scalar_prefetch = 0 : i64, scratch_operands = 0 : i64, tpu.core_type = #tpu.core_type<tc>, window_params = [{transform_indices = @transform_0, window_bounds = array<i64: 128, 128>}, {transform_indices = @transform_1, window_bounds = array<i64: 128, 2560>}, {transform_indices = @transform_2, window_bounds = array<i64: 128, 32>}, {transform_indices = @transform_3, window_bounds = array<i64: 128, 640>}, {pipeline_mode = #tpu.pipeline_mode<synchronous>, transform_indices = @transform_4, window_bounds = array<i64: 1, 640>}, {transform_indices = @transform_5, window_bounds = array<i64: 128, 6720>}]} {
    %get3A = arith.constant 0 : index
    %get3A_0 = arith.constant 0 : index
    %get3A_1 = vector.load %arg1[%get3A, %get3A_0] : memref<128x128xf32, #tpu.memory_space<vmem>>, vector<128x128xf32>
    %get3A_2 = arith.constant 0 : index
    %get3A_3 = arith.constant 0 : index
    %get3A_4 = vector.load %arg3[%get3A_2, %get3A_3] : memref<128x32xi32, #tpu.memory_space<vmem>>, vector<128x32xi32>
    %slice3A = vector.extract_strided_slice %get3A_1 {offsets = [0, 0], sizes = [128, 32], strides = [1, 1]} : vector<128x128xf32> to vector<128x32xf32>
    %eq3A = arith.constant 0 : i32
    %eq3A_5 = vector.broadcast %eq3A : i32 to vector<128x32xi32>
    %eq3A_6 = arith.cmpi eq, %get3A_4, %eq3A_5 : vector<128x32xi32>
    %jit3A = arith.constant 0.000000e+00 : f32
    %broadcast_in_dim3A = vector.broadcast %jit3A : f32 to vector<128x32xf32>
    %select_n3A = arith.select %eq3A_6, %slice3A, %broadcast_in_dim3A : vector<128x32xi1>, vector<128x32xf32>
    %slice3A_7 = vector.extract_strided_slice %get3A_1 {offsets = [0, 32], sizes = [128, 32], strides = [1, 1]} : vector<128x128xf32> to vector<128x32xf32>
    %eq3A_8 = arith.constant 1 : i32
    %eq3A_9 = vector.broadcast %eq3A_8 : i32 to vector<128x32xi32>
    %eq3A_10 = arith.cmpi eq, %get3A_4, %eq3A_9 : vector<128x32xi32>
    %jit3A_11 = arith.constant 0.000000e+00 : f32
    %broadcast_in_dim3A_12 = vector.broadcast %jit3A_11 : f32 to vector<128x32xf32>
    %select_n3A_13 = arith.select %eq3A_10, %slice3A_7, %broadcast_in_dim3A_12 : vector<128x32xi1>, vector<128x32xf32>
    %add3A = arith.addf %select_n3A, %select_n3A_13 : vector<128x32xf32>
    %slice3A_14 = vector.extract_strided_slice %get3A_1 {offsets = [0, 64], sizes = [128, 32], strides = [1, 1]} : vector<128x128xf32> to vector<128x32xf32>
    %eq3A_15 = arith.constant 2 : i32
    %eq3A_16 = vector.broadcast %eq3A_15 : i32 to vector<128x32xi32>
    %eq3A_17 = arith.cmpi eq, %get3A_4, %eq3A_16 : vector<128x32xi32>
    %jit3A_18 = arith.constant 0.000000e+00 : f32
    %broadcast_in_dim3A_19 = vector.broadcast %jit3A_18 : f32 to vector<128x32xf32>
    %select_n3A_20 = arith.select %eq3A_17, %slice3A_14, %broadcast_in_dim3A_19 : vector<128x32xi1>, vector<128x32xf32>
    %add3A_21 = arith.addf %add3A, %select_n3A_20 : vector<128x32xf32>
    %slice3A_22 = vector.extract_strided_slice %get3A_1 {offsets = [0, 96], sizes = [128, 32], strides = [1, 1]} : vector<128x128xf32> to vector<128x32xf32>
    %eq3A_23 = arith.constant 3 : i32
    %eq3A_24 = vector.broadcast %eq3A_23 : i32 to vector<128x32xi32>
    %eq3A_25 = arith.cmpi eq, %get3A_4, %eq3A_24 : vector<128x32xi32>
    %jit3A_26 = arith.constant 0.000000e+00 : f32
    %broadcast_in_dim3A_27 = vector.broadcast %jit3A_26 : f32 to vector<128x32xf32>
    %select_n3A_28 = arith.select %eq3A_25, %slice3A_22, %broadcast_in_dim3A_27 : vector<128x32xi1>, vector<128x32xf32>
    %add3A_29 = arith.addf %add3A_21, %select_n3A_28 : vector<128x32xf32>
    %get3A_30 = arith.constant 0 : index
    %get3A_31 = arith.constant 0 : index
    %get3A_32 = vector.load %arg2[%get3A_30, %get3A_31] : memref<128x2560xf32, #tpu.memory_space<vmem>>, vector<128x2560xf32>
    %get3A_33 = arith.constant 0 : index
    %get3A_34 = arith.constant 0 : index
    %get3A_35 = vector.load %arg4[%get3A_33, %get3A_34] : memref<128x640xi32, #tpu.memory_space<vmem>>, vector<128x640xi32>
    %slice3A_36 = vector.extract_strided_slice %get3A_32 {offsets = [0, 0], sizes = [128, 32], strides = [1, 1]} : vector<128x2560xf32> to vector<128x32xf32>
    %slice3A_37 = vector.extract_strided_slice %get3A_32 {offsets = [0, 128], sizes = [128, 32], strides = [1, 1]} : vector<128x2560xf32> to vector<128x32xf32>
    %slice3A_38 = vector.extract_strided_slice %get3A_32 {offsets = [0, 256], sizes = [128, 32], strides = [1, 1]} : vector<128x2560xf32> to vector<128x32xf32>
    %slice3A_39 = vector.extract_strided_slice %get3A_32 {offsets = [0, 384], sizes = [128, 32], strides = [1, 1]} : vector<128x2560xf32> to vector<128x32xf32>
    %slice3A_40 = vector.extract_strided_slice %get3A_32 {offsets = [0, 512], sizes = [128, 32], strides = [1, 1]} : vector<128x2560xf32> to vector<128x32xf32>
    %slice3A_41 = vector.extract_strided_slice %get3A_32 {offsets = [0, 640], sizes = [128, 32], strides = [1, 1]} : vector<128x2560xf32> to vector<128x32xf32>
    %slice3A_42 = vector.extract_strided_slice %get3A_32 {offsets = [0, 768], sizes = [128, 32], strides = [1, 1]} : vector<128x2560xf32> to vector<128x32xf32>
    %slice3A_43 = vector.extract_strided_slice %get3A_32 {offsets = [0, 896], sizes = [128, 32], strides = [1, 1]} : vector<128x2560xf32> to vector<128x32xf32>
    %slice3A_44 = vector.extract_strided_slice %get3A_32 {offsets = [0, 1024], sizes = [128, 32], strides = [1, 1]} : vector<128x2560xf32> to vector<128x32xf32>
    %slice3A_45 = vector.extract_strided_slice %get3A_32 {offsets = [0, 1152], sizes = [128, 32], strides = [1, 1]} : vector<128x2560xf32> to vector<128x32xf32>
    %slice3A_46 = vector.extract_strided_slice %get3A_32 {offsets = [0, 1280], sizes = [128, 32], strides = [1, 1]} : vector<128x2560xf32> to vector<128x32xf32>
    %slice3A_47 = vector.extract_strided_slice %get3A_32 {offsets = [0, 1408], sizes = [128, 32], strides = [1, 1]} : vector<128x2560xf32> to vector<128x32xf32>
    %slice3A_48 = vector.extract_strided_slice %get3A_32 {offsets = [0, 1536], sizes = [128, 32], strides = [1, 1]} : vector<128x2560xf32> to vector<128x32xf32>
    %slice3A_49 = vector.extract_strided_slice %get3A_32 {offsets = [0, 1664], sizes = [128, 32], strides = [1, 1]} : vector<128x2560xf32> to vector<128x32xf32>
    %slice3A_50 = vector.extract_strided_slice %get3A_32 {offsets = [0, 1792], sizes = [128, 32], strides = [1, 1]} : vector<128x2560xf32> to vector<128x32xf32>
    %slice3A_51 = vector.extract_strided_slice %get3A_32 {offsets = [0, 1920], sizes = [128, 32], strides = [1, 1]} : vector<128x2560xf32> to vector<128x32xf32>
    %slice3A_52 = vector.extract_strided_slice %get3A_32 {offsets = [0, 2048], sizes = [128, 32], strides = [1, 1]} : vector<128x2560xf32> to vector<128x32xf32>
    %slice3A_53 = vector.extract_strided_slice %get3A_32 {offsets = [0, 2176], sizes = [128, 32], strides = [1, 1]} : vector<128x2560xf32> to vector<128x32xf32>
    %slice3A_54 = vector.extract_strided_slice %get3A_32 {offsets = [0, 2304], sizes = [128, 32], strides = [1, 1]} : vector<128x2560xf32> to vector<128x32xf32>
    %slice3A_55 = vector.extract_strided_slice %get3A_32 {offsets = [0, 2432], sizes = [128, 32], strides = [1, 1]} : vector<128x2560xf32> to vector<128x32xf32>
    %concatenate3A = tpu.concatenate %slice3A_36, %slice3A_37, %slice3A_38, %slice3A_39, %slice3A_40, %slice3A_41, %slice3A_42, %slice3A_43, %slice3A_44, %slice3A_45, %slice3A_46, %slice3A_47, %slice3A_48, %slice3A_49, %slice3A_50, %slice3A_51, %slice3A_52, %slice3A_53, %slice3A_54, %slice3A_55 in 1 : vector<128x32xf32>, vector<128x32xf32>, vector<128x32xf32>, vector<128x32xf32>, vector<128x32xf32>, vector<128x32xf32>, vector<128x32xf32>, vector<128x32xf32>, vector<128x32xf32>, vector<128x32xf32>, vector<128x32xf32>, vector<128x32xf32>, vector<128x32xf32>, vector<128x32xf32>, vector<128x32xf32>, vector<128x32xf32>, vector<128x32xf32>, vector<128x32xf32>, vector<128x32xf32>, vector<128x32xf32> -> vector<128x640xf32>
    %eq3A_56 = arith.constant 0 : i32
    %eq3A_57 = vector.broadcast %eq3A_56 : i32 to vector<128x640xi32>
    %eq3A_58 = arith.cmpi eq, %get3A_35, %eq3A_57 : vector<128x640xi32>
    %jit3A_59 = arith.constant 0.000000e+00 : f32
    %broadcast_in_dim3A_60 = vector.broadcast %jit3A_59 : f32 to vector<128x640xf32>
    %select_n3A_61 = arith.select %eq3A_58, %concatenate3A, %broadcast_in_dim3A_60 : vector<128x640xi1>, vector<128x640xf32>
    %slice3A_62 = vector.extract_strided_slice %get3A_32 {offsets = [0, 32], sizes = [128, 32], strides = [1, 1]} : vector<128x2560xf32> to vector<128x32xf32>
    %slice3A_63 = vector.extract_strided_slice %get3A_32 {offsets = [0, 160], sizes = [128, 32], strides = [1, 1]} : vector<128x2560xf32> to vector<128x32xf32>
    %slice3A_64 = vector.extract_strided_slice %get3A_32 {offsets = [0, 288], sizes = [128, 32], strides = [1, 1]} : vector<128x2560xf32> to vector<128x32xf32>
    %slice3A_65 = vector.extract_strided_slice %get3A_32 {offsets = [0, 416], sizes = [128, 32], strides = [1, 1]} : vector<128x2560xf32> to vector<128x32xf32>
    %slice3A_66 = vector.extract_strided_slice %get3A_32 {offsets = [0, 544], sizes = [128, 32], strides = [1, 1]} : vector<128x2560xf32> to vector<128x32xf32>
    %slice3A_67 = vector.extract_strided_slice %get3A_32 {offsets = [0, 672], sizes = [128, 32], strides = [1, 1]} : vector<128x2560xf32> to vector<128x32xf32>
    %slice3A_68 = vector.extract_strided_slice %get3A_32 {offsets = [0, 800], sizes = [128, 32], strides = [1, 1]} : vector<128x2560xf32> to vector<128x32xf32>
    %slice3A_69 = vector.extract_strided_slice %get3A_32 {offsets = [0, 928], sizes = [128, 32], strides = [1, 1]} : vector<128x2560xf32> to vector<128x32xf32>
    %slice3A_70 = vector.extract_strided_slice %get3A_32 {offsets = [0, 1056], sizes = [128, 32], strides = [1, 1]} : vector<128x2560xf32> to vector<128x32xf32>
    %slice3A_71 = vector.extract_strided_slice %get3A_32 {offsets = [0, 1184], sizes = [128, 32], strides = [1, 1]} : vector<128x2560xf32> to vector<128x32xf32>
    %slice3A_72 = vector.extract_strided_slice %get3A_32 {offsets = [0, 1312], sizes = [128, 32], strides = [1, 1]} : vector<128x2560xf32> to vector<128x32xf32>
    %slice3A_73 = vector.extract_strided_slice %get3A_32 {offsets = [0, 1440], sizes = [128, 32], strides = [1, 1]} : vector<128x2560xf32> to vector<128x32xf32>
    %slice3A_74 = vector.extract_strided_slice %get3A_32 {offsets = [0, 1568], sizes = [128, 32], strides = [1, 1]} : vector<128x2560xf32> to vector<128x32xf32>
    %slice3A_75 = vector.extract_strided_slice %get3A_32 {offsets = [0, 1696], sizes = [128, 32], strides = [1, 1]} : vector<128x2560xf32> to vector<128x32xf32>
    %slice3A_76 = vector.extract_strided_slice %get3A_32 {offsets = [0, 1824], sizes = [128, 32], strides = [1, 1]} : vector<128x2560xf32> to vector<128x32xf32>
    %slice3A_77 = vector.extract_strided_slice %get3A_32 {offsets = [0, 1952], sizes = [128, 32], strides = [1, 1]} : vector<128x2560xf32> to vector<128x32xf32>
    %slice3A_78 = vector.extract_strided_slice %get3A_32 {offsets = [0, 2080], sizes = [128, 32], strides = [1, 1]} : vector<128x2560xf32> to vector<128x32xf32>
    %slice3A_79 = vector.extract_strided_slice %get3A_32 {offsets = [0, 2208], sizes = [128, 32], strides = [1, 1]} : vector<128x2560xf32> to vector<128x32xf32>
    %slice3A_80 = vector.extract_strided_slice %get3A_32 {offsets = [0, 2336], sizes = [128, 32], strides = [1, 1]} : vector<128x2560xf32> to vector<128x32xf32>
    %slice3A_81 = vector.extract_strided_slice %get3A_32 {offsets = [0, 2464], sizes = [128, 32], strides = [1, 1]} : vector<128x2560xf32> to vector<128x32xf32>
    %concatenate3A_82 = tpu.concatenate %slice3A_62, %slice3A_63, %slice3A_64, %slice3A_65, %slice3A_66, %slice3A_67, %slice3A_68, %slice3A_69, %slice3A_70, %slice3A_71, %slice3A_72, %slice3A_73, %slice3A_74, %slice3A_75, %slice3A_76, %slice3A_77, %slice3A_78, %slice3A_79, %slice3A_80, %slice3A_81 in 1 : vector<128x32xf32>, vector<128x32xf32>, vector<128x32xf32>, vector<128x32xf32>, vector<128x32xf32>, vector<128x32xf32>, vector<128x32xf32>, vector<128x32xf32>, vector<128x32xf32>, vector<128x32xf32>, vector<128x32xf32>, vector<128x32xf32>, vector<128x32xf32>, vector<128x32xf32>, vector<128x32xf32>, vector<128x32xf32>, vector<128x32xf32>, vector<128x32xf32>, vector<128x32xf32>, vector<128x32xf32> -> vector<128x640xf32>
    %eq3A_83 = arith.constant 1 : i32
    %eq3A_84 = vector.broadcast %eq3A_83 : i32 to vector<128x640xi32>
    %eq3A_85 = arith.cmpi eq, %get3A_35, %eq3A_84 : vector<128x640xi32>
    %jit3A_86 = arith.constant 0.000000e+00 : f32
    %broadcast_in_dim3A_87 = vector.broadcast %jit3A_86 : f32 to vector<128x640xf32>
    %select_n3A_88 = arith.select %eq3A_85, %concatenate3A_82, %broadcast_in_dim3A_87 : vector<128x640xi1>, vector<128x640xf32>
    %add3A_89 = arith.addf %select_n3A_61, %select_n3A_88 : vector<128x640xf32>
    %slice3A_90 = vector.extract_strided_slice %get3A_32 {offsets = [0, 64], sizes = [128, 32], strides = [1, 1]} : vector<128x2560xf32> to vector<128x32xf32>
    %slice3A_91 = vector.extract_strided_slice %get3A_32 {offsets = [0, 192], sizes = [128, 32], strides = [1, 1]} : vector<128x2560xf32> to vector<128x32xf32>
    %slice3A_92 = vector.extract_strided_slice %get3A_32 {offsets = [0, 320], sizes = [128, 32], strides = [1, 1]} : vector<128x2560xf32> to vector<128x32xf32>
    %slice3A_93 = vector.extract_strided_slice %get3A_32 {offsets = [0, 448], sizes = [128, 32], strides = [1, 1]} : vector<128x2560xf32> to vector<128x32xf32>
    %slice3A_94 = vector.extract_strided_slice %get3A_32 {offsets = [0, 576], sizes = [128, 32], strides = [1, 1]} : vector<128x2560xf32> to vector<128x32xf32>
    %slice3A_95 = vector.extract_strided_slice %get3A_32 {offsets = [0, 704], sizes = [128, 32], strides = [1, 1]} : vector<128x2560xf32> to vector<128x32xf32>
    %slice3A_96 = vector.extract_strided_slice %get3A_32 {offsets = [0, 832], sizes = [128, 32], strides = [1, 1]} : vector<128x2560xf32> to vector<128x32xf32>
    %slice3A_97 = vector.extract_strided_slice %get3A_32 {offsets = [0, 960], sizes = [128, 32], strides = [1, 1]} : vector<128x2560xf32> to vector<128x32xf32>
    %slice3A_98 = vector.extract_strided_slice %get3A_32 {offsets = [0, 1088], sizes = [128, 32], strides = [1, 1]} : vector<128x2560xf32> to vector<128x32xf32>
    %slice3A_99 = vector.extract_strided_slice %get3A_32 {offsets = [0, 1216], sizes = [128, 32], strides = [1, 1]} : vector<128x2560xf32> to vector<128x32xf32>
    %slice3A_100 = vector.extract_strided_slice %get3A_32 {offsets = [0, 1344], sizes = [128, 32], strides = [1, 1]} : vector<128x2560xf32> to vector<128x32xf32>
    %slice3A_101 = vector.extract_strided_slice %get3A_32 {offsets = [0, 1472], sizes = [128, 32], strides = [1, 1]} : vector<128x2560xf32> to vector<128x32xf32>
    %slice3A_102 = vector.extract_strided_slice %get3A_32 {offsets = [0, 1600], sizes = [128, 32], strides = [1, 1]} : vector<128x2560xf32> to vector<128x32xf32>
    %slice3A_103 = vector.extract_strided_slice %get3A_32 {offsets = [0, 1728], sizes = [128, 32], strides = [1, 1]} : vector<128x2560xf32> to vector<128x32xf32>
    %slice3A_104 = vector.extract_strided_slice %get3A_32 {offsets = [0, 1856], sizes = [128, 32], strides = [1, 1]} : vector<128x2560xf32> to vector<128x32xf32>
    %slice3A_105 = vector.extract_strided_slice %get3A_32 {offsets = [0, 1984], sizes = [128, 32], strides = [1, 1]} : vector<128x2560xf32> to vector<128x32xf32>
    %slice3A_106 = vector.extract_strided_slice %get3A_32 {offsets = [0, 2112], sizes = [128, 32], strides = [1, 1]} : vector<128x2560xf32> to vector<128x32xf32>
    %slice3A_107 = vector.extract_strided_slice %get3A_32 {offsets = [0, 2240], sizes = [128, 32], strides = [1, 1]} : vector<128x2560xf32> to vector<128x32xf32>
    %slice3A_108 = vector.extract_strided_slice %get3A_32 {offsets = [0, 2368], sizes = [128, 32], strides = [1, 1]} : vector<128x2560xf32> to vector<128x32xf32>
    %slice3A_109 = vector.extract_strided_slice %get3A_32 {offsets = [0, 2496], sizes = [128, 32], strides = [1, 1]} : vector<128x2560xf32> to vector<128x32xf32>
    %concatenate3A_110 = tpu.concatenate %slice3A_90, %slice3A_91, %slice3A_92, %slice3A_93, %slice3A_94, %slice3A_95, %slice3A_96, %slice3A_97, %slice3A_98, %slice3A_99, %slice3A_100, %slice3A_101, %slice3A_102, %slice3A_103, %slice3A_104, %slice3A_105, %slice3A_106, %slice3A_107, %slice3A_108, %slice3A_109 in 1 : vector<128x32xf32>, vector<128x32xf32>, vector<128x32xf32>, vector<128x32xf32>, vector<128x32xf32>, vector<128x32xf32>, vector<128x32xf32>, vector<128x32xf32>, vector<128x32xf32>, vector<128x32xf32>, vector<128x32xf32>, vector<128x32xf32>, vector<128x32xf32>, vector<128x32xf32>, vector<128x32xf32>, vector<128x32xf32>, vector<128x32xf32>, vector<128x32xf32>, vector<128x32xf32>, vector<128x32xf32> -> vector<128x640xf32>
    %eq3A_111 = arith.constant 2 : i32
    %eq3A_112 = vector.broadcast %eq3A_111 : i32 to vector<128x640xi32>
    %eq3A_113 = arith.cmpi eq, %get3A_35, %eq3A_112 : vector<128x640xi32>
    %jit3A_114 = arith.constant 0.000000e+00 : f32
    %broadcast_in_dim3A_115 = vector.broadcast %jit3A_114 : f32 to vector<128x640xf32>
    %select_n3A_116 = arith.select %eq3A_113, %concatenate3A_110, %broadcast_in_dim3A_115 : vector<128x640xi1>, vector<128x640xf32>
    %add3A_117 = arith.addf %add3A_89, %select_n3A_116 : vector<128x640xf32>
    %slice3A_118 = vector.extract_strided_slice %get3A_32 {offsets = [0, 96], sizes = [128, 32], strides = [1, 1]} : vector<128x2560xf32> to vector<128x32xf32>
    %slice3A_119 = vector.extract_strided_slice %get3A_32 {offsets = [0, 224], sizes = [128, 32], strides = [1, 1]} : vector<128x2560xf32> to vector<128x32xf32>
    %slice3A_120 = vector.extract_strided_slice %get3A_32 {offsets = [0, 352], sizes = [128, 32], strides = [1, 1]} : vector<128x2560xf32> to vector<128x32xf32>
    %slice3A_121 = vector.extract_strided_slice %get3A_32 {offsets = [0, 480], sizes = [128, 32], strides = [1, 1]} : vector<128x2560xf32> to vector<128x32xf32>
    %slice3A_122 = vector.extract_strided_slice %get3A_32 {offsets = [0, 608], sizes = [128, 32], strides = [1, 1]} : vector<128x2560xf32> to vector<128x32xf32>
    %slice3A_123 = vector.extract_strided_slice %get3A_32 {offsets = [0, 736], sizes = [128, 32], strides = [1, 1]} : vector<128x2560xf32> to vector<128x32xf32>
    %slice3A_124 = vector.extract_strided_slice %get3A_32 {offsets = [0, 864], sizes = [128, 32], strides = [1, 1]} : vector<128x2560xf32> to vector<128x32xf32>
    %slice3A_125 = vector.extract_strided_slice %get3A_32 {offsets = [0, 992], sizes = [128, 32], strides = [1, 1]} : vector<128x2560xf32> to vector<128x32xf32>
    %slice3A_126 = vector.extract_strided_slice %get3A_32 {offsets = [0, 1120], sizes = [128, 32], strides = [1, 1]} : vector<128x2560xf32> to vector<128x32xf32>
    %slice3A_127 = vector.extract_strided_slice %get3A_32 {offsets = [0, 1248], sizes = [128, 32], strides = [1, 1]} : vector<128x2560xf32> to vector<128x32xf32>
    %slice3A_128 = vector.extract_strided_slice %get3A_32 {offsets = [0, 1376], sizes = [128, 32], strides = [1, 1]} : vector<128x2560xf32> to vector<128x32xf32>
    %slice3A_129 = vector.extract_strided_slice %get3A_32 {offsets = [0, 1504], sizes = [128, 32], strides = [1, 1]} : vector<128x2560xf32> to vector<128x32xf32>
    %slice3A_130 = vector.extract_strided_slice %get3A_32 {offsets = [0, 1632], sizes = [128, 32], strides = [1, 1]} : vector<128x2560xf32> to vector<128x32xf32>
    %slice3A_131 = vector.extract_strided_slice %get3A_32 {offsets = [0, 1760], sizes = [128, 32], strides = [1, 1]} : vector<128x2560xf32> to vector<128x32xf32>
    %slice3A_132 = vector.extract_strided_slice %get3A_32 {offsets = [0, 1888], sizes = [128, 32], strides = [1, 1]} : vector<128x2560xf32> to vector<128x32xf32>
    %slice3A_133 = vector.extract_strided_slice %get3A_32 {offsets = [0, 2016], sizes = [128, 32], strides = [1, 1]} : vector<128x2560xf32> to vector<128x32xf32>
    %slice3A_134 = vector.extract_strided_slice %get3A_32 {offsets = [0, 2144], sizes = [128, 32], strides = [1, 1]} : vector<128x2560xf32> to vector<128x32xf32>
    %slice3A_135 = vector.extract_strided_slice %get3A_32 {offsets = [0, 2272], sizes = [128, 32], strides = [1, 1]} : vector<128x2560xf32> to vector<128x32xf32>
    %slice3A_136 = vector.extract_strided_slice %get3A_32 {offsets = [0, 2400], sizes = [128, 32], strides = [1, 1]} : vector<128x2560xf32> to vector<128x32xf32>
    %slice3A_137 = vector.extract_strided_slice %get3A_32 {offsets = [0, 2528], sizes = [128, 32], strides = [1, 1]} : vector<128x2560xf32> to vector<128x32xf32>
    %concatenate3A_138 = tpu.concatenate %slice3A_118, %slice3A_119, %slice3A_120, %slice3A_121, %slice3A_122, %slice3A_123, %slice3A_124, %slice3A_125, %slice3A_126, %slice3A_127, %slice3A_128, %slice3A_129, %slice3A_130, %slice3A_131, %slice3A_132, %slice3A_133, %slice3A_134, %slice3A_135, %slice3A_136, %slice3A_137 in 1 : vector<128x32xf32>, vector<128x32xf32>, vector<128x32xf32>, vector<128x32xf32>, vector<128x32xf32>, vector<128x32xf32>, vector<128x32xf32>, vector<128x32xf32>, vector<128x32xf32>, vector<128x32xf32>, vector<128x32xf32>, vector<128x32xf32>, vector<128x32xf32>, vector<128x32xf32>, vector<128x32xf32>, vector<128x32xf32>, vector<128x32xf32>, vector<128x32xf32>, vector<128x32xf32>, vector<128x32xf32> -> vector<128x640xf32>
    %eq3A_139 = arith.constant 3 : i32
    %eq3A_140 = vector.broadcast %eq3A_139 : i32 to vector<128x640xi32>
    %eq3A_141 = arith.cmpi eq, %get3A_35, %eq3A_140 : vector<128x640xi32>
    %jit3A_142 = arith.constant 0.000000e+00 : f32
    %broadcast_in_dim3A_143 = vector.broadcast %jit3A_142 : f32 to vector<128x640xf32>
    %select_n3A_144 = arith.select %eq3A_141, %concatenate3A_138, %broadcast_in_dim3A_143 : vector<128x640xi1>, vector<128x640xf32>
    %add3A_145 = arith.addf %add3A_117, %select_n3A_144 : vector<128x640xf32>
    %get3A_146 = arith.constant 0 : index
    %get3A_147 = arith.constant 0 : index
    %get3A_148 = vector.load %arg5[%get3A_146, %get3A_147] : memref<1x640xf32, #tpu.memory_space<vmem>>, vector<1x640xf32>
    %mul3A = vector.broadcast %get3A_148 : vector<1x640xf32> to vector<128x640xf32>
    %mul3A_149 = arith.mulf %add3A_145, %mul3A : vector<128x640xf32>
    %concatenate3A_150 = tpu.concatenate %add3A_29, %add3A_29, %add3A_29, %add3A_29, %add3A_29, %add3A_29, %add3A_29, %add3A_29, %add3A_29, %add3A_29, %add3A_29, %add3A_29, %add3A_29, %add3A_29, %add3A_29, %add3A_29, %add3A_29, %add3A_29, %add3A_29, %add3A_29 in 1 : vector<128x32xf32>, vector<128x32xf32>, vector<128x32xf32>, vector<128x32xf32>, vector<128x32xf32>, vector<128x32xf32>, vector<128x32xf32>, vector<128x32xf32>, vector<128x32xf32>, vector<128x32xf32>, vector<128x32xf32>, vector<128x32xf32>, vector<128x32xf32>, vector<128x32xf32>, vector<128x32xf32>, vector<128x32xf32>, vector<128x32xf32>, vector<128x32xf32>, vector<128x32xf32>, vector<128x32xf32> -> vector<128x640xf32>
    %mul3A_151 = arith.mulf %concatenate3A_150, %mul3A_149 : vector<128x640xf32>
    %slice3A_152 = vector.extract_strided_slice %mul3A_149 {offsets = [0, 0], sizes = [128, 32], strides = [1, 1]} : vector<128x640xf32> to vector<128x32xf32>
    %concatenate3A_153 = tpu.concatenate %slice3A_152, %slice3A_152, %slice3A_152, %slice3A_152, %slice3A_152, %slice3A_152, %slice3A_152, %slice3A_152, %slice3A_152, %slice3A_152, %slice3A_152, %slice3A_152, %slice3A_152, %slice3A_152, %slice3A_152, %slice3A_152, %slice3A_152, %slice3A_152, %slice3A_152 in 1 : vector<128x32xf32>, vector<128x32xf32>, vector<128x32xf32>, vector<128x32xf32>, vector<128x32xf32>, vector<128x32xf32>, vector<128x32xf32>, vector<128x32xf32>, vector<128x32xf32>, vector<128x32xf32>, vector<128x32xf32>, vector<128x32xf32>, vector<128x32xf32>, vector<128x32xf32>, vector<128x32xf32>, vector<128x32xf32>, vector<128x32xf32>, vector<128x32xf32>, vector<128x32xf32> -> vector<128x608xf32>
    %slice3A_154 = vector.extract_strided_slice %mul3A_149 {offsets = [0, 32], sizes = [128, 608], strides = [1, 1]} : vector<128x640xf32> to vector<128x608xf32>
    %mul3A_155 = arith.mulf %concatenate3A_153, %slice3A_154 : vector<128x608xf32>
    %slice3A_156 = vector.extract_strided_slice %mul3A_149 {offsets = [0, 32], sizes = [128, 32], strides = [1, 1]} : vector<128x640xf32> to vector<128x32xf32>
    %concatenate3A_157 = tpu.concatenate %slice3A_156, %slice3A_156, %slice3A_156, %slice3A_156, %slice3A_156, %slice3A_156, %slice3A_156, %slice3A_156, %slice3A_156, %slice3A_156, %slice3A_156, %slice3A_156, %slice3A_156, %slice3A_156, %slice3A_156, %slice3A_156, %slice3A_156, %slice3A_156 in 1 : vector<128x32xf32>, vector<128x32xf32>, vector<128x32xf32>, vector<128x32xf32>, vector<128x32xf32>, vector<128x32xf32>, vector<128x32xf32>, vector<128x32xf32>, vector<128x32xf32>, vector<128x32xf32>, vector<128x32xf32>, vector<128x32xf32>, vector<128x32xf32>, vector<128x32xf32>, vector<128x32xf32>, vector<128x32xf32>, vector<128x32xf32>, vector<128x32xf32> -> vector<128x576xf32>
    %slice3A_158 = vector.extract_strided_slice %mul3A_149 {offsets = [0, 64], sizes = [128, 576], strides = [1, 1]} : vector<128x640xf32> to vector<128x576xf32>
    %mul3A_159 = arith.mulf %concatenate3A_157, %slice3A_158 : vector<128x576xf32>
    %slice3A_160 = vector.extract_strided_slice %mul3A_149 {offsets = [0, 64], sizes = [128, 32], strides = [1, 1]} : vector<128x640xf32> to vector<128x32xf32>
    %concatenate3A_161 = tpu.concatenate %slice3A_160, %slice3A_160, %slice3A_160, %slice3A_160, %slice3A_160, %slice3A_160, %slice3A_160, %slice3A_160, %slice3A_160, %slice3A_160, %slice3A_160, %slice3A_160, %slice3A_160, %slice3A_160, %slice3A_160, %slice3A_160, %slice3A_160 in 1 : vector<128x32xf32>, vector<128x32xf32>, vector<128x32xf32>, vector<128x32xf32>, vector<128x32xf32>, vector<128x32xf32>, vector<128x32xf32>, vector<128x32xf32>, vector<128x32xf32>, vector<128x32xf32>, vector<128x32xf32>, vector<128x32xf32>, vector<128x32xf32>, vector<128x32xf32>, vector<128x32xf32>, vector<128x32xf32>, vector<128x32xf32> -> vector<128x544xf32>
    %slice3A_162 = vector.extract_strided_slice %mul3A_149 {offsets = [0, 96], sizes = [128, 544], strides = [1, 1]} : vector<128x640xf32> to vector<128x544xf32>
    %mul3A_163 = arith.mulf %concatenate3A_161, %slice3A_162 : vector<128x544xf32>
    %slice3A_164 = vector.extract_strided_slice %mul3A_149 {offsets = [0, 96], sizes = [128, 32], strides = [1, 1]} : vector<128x640xf32> to vector<128x32xf32>
    %concatenate3A_165 = tpu.concatenate %slice3A_164, %slice3A_164, %slice3A_164, %slice3A_164, %slice3A_164, %slice3A_164, %slice3A_164, %slice3A_164, %slice3A_164, %slice3A_164, %slice3A_164, %slice3A_164, %slice3A_164, %slice3A_164, %slice3A_164, %slice3A_164 in 1 : vector<128x32xf32>, vector<128x32xf32>, vector<128x32xf32>, vector<128x32xf32>, vector<128x32xf32>, vector<128x32xf32>, vector<128x32xf32>, vector<128x32xf32>, vector<128x32xf32>, vector<128x32xf32>, vector<128x32xf32>, vector<128x32xf32>, vector<128x32xf32>, vector<128x32xf32>, vector<128x32xf32>, vector<128x32xf32> -> vector<128x512xf32>
    %slice3A_166 = vector.extract_strided_slice %mul3A_149 {offsets = [0, 128], sizes = [128, 512], strides = [1, 1]} : vector<128x640xf32> to vector<128x512xf32>
    %mul3A_167 = arith.mulf %concatenate3A_165, %slice3A_166 : vector<128x512xf32>
    %slice3A_168 = vector.extract_strided_slice %mul3A_149 {offsets = [0, 128], sizes = [128, 32], strides = [1, 1]} : vector<128x640xf32> to vector<128x32xf32>
    %concatenate3A_169 = tpu.concatenate %slice3A_168, %slice3A_168, %slice3A_168, %slice3A_168, %slice3A_168, %slice3A_168, %slice3A_168, %slice3A_168, %slice3A_168, %slice3A_168, %slice3A_168, %slice3A_168, %slice3A_168, %slice3A_168, %slice3A_168 in 1 : vector<128x32xf32>, vector<128x32xf32>, vector<128x32xf32>, vector<128x32xf32>, vector<128x32xf32>, vector<128x32xf32>, vector<128x32xf32>, vector<128x32xf32>, vector<128x32xf32>, vector<128x32xf32>, vector<128x32xf32>, vector<128x32xf32>, vector<128x32xf32>, vector<128x32xf32>, vector<128x32xf32> -> vector<128x480xf32>
    %slice3A_170 = vector.extract_strided_slice %mul3A_149 {offsets = [0, 160], sizes = [128, 480], strides = [1, 1]} : vector<128x640xf32> to vector<128x480xf32>
    %mul3A_171 = arith.mulf %concatenate3A_169, %slice3A_170 : vector<128x480xf32>
    %slice3A_172 = vector.extract_strided_slice %mul3A_149 {offsets = [0, 160], sizes = [128, 32], strides = [1, 1]} : vector<128x640xf32> to vector<128x32xf32>
    %concatenate3A_173 = tpu.concatenate %slice3A_172, %slice3A_172, %slice3A_172, %slice3A_172, %slice3A_172, %slice3A_172, %slice3A_172, %slice3A_172, %slice3A_172, %slice3A_172, %slice3A_172, %slice3A_172, %slice3A_172, %slice3A_172 in 1 : vector<128x32xf32>, vector<128x32xf32>, vector<128x32xf32>, vector<128x32xf32>, vector<128x32xf32>, vector<128x32xf32>, vector<128x32xf32>, vector<128x32xf32>, vector<128x32xf32>, vector<128x32xf32>, vector<128x32xf32>, vector<128x32xf32>, vector<128x32xf32>, vector<128x32xf32> -> vector<128x448xf32>
    %slice3A_174 = vector.extract_strided_slice %mul3A_149 {offsets = [0, 192], sizes = [128, 448], strides = [1, 1]} : vector<128x640xf32> to vector<128x448xf32>
    %mul3A_175 = arith.mulf %concatenate3A_173, %slice3A_174 : vector<128x448xf32>
    %slice3A_176 = vector.extract_strided_slice %mul3A_149 {offsets = [0, 192], sizes = [128, 32], strides = [1, 1]} : vector<128x640xf32> to vector<128x32xf32>
    %concatenate3A_177 = tpu.concatenate %slice3A_176, %slice3A_176, %slice3A_176, %slice3A_176, %slice3A_176, %slice3A_176, %slice3A_176, %slice3A_176, %slice3A_176, %slice3A_176, %slice3A_176, %slice3A_176, %slice3A_176 in 1 : vector<128x32xf32>, vector<128x32xf32>, vector<128x32xf32>, vector<128x32xf32>, vector<128x32xf32>, vector<128x32xf32>, vector<128x32xf32>, vector<128x32xf32>, vector<128x32xf32>, vector<128x32xf32>, vector<128x32xf32>, vector<128x32xf32>, vector<128x32xf32> -> vector<128x416xf32>
    %slice3A_178 = vector.extract_strided_slice %mul3A_149 {offsets = [0, 224], sizes = [128, 416], strides = [1, 1]} : vector<128x640xf32> to vector<128x416xf32>
    %mul3A_179 = arith.mulf %concatenate3A_177, %slice3A_178 : vector<128x416xf32>
    %slice3A_180 = vector.extract_strided_slice %mul3A_149 {offsets = [0, 224], sizes = [128, 32], strides = [1, 1]} : vector<128x640xf32> to vector<128x32xf32>
    %concatenate3A_181 = tpu.concatenate %slice3A_180, %slice3A_180, %slice3A_180, %slice3A_180, %slice3A_180, %slice3A_180, %slice3A_180, %slice3A_180, %slice3A_180, %slice3A_180, %slice3A_180, %slice3A_180 in 1 : vector<128x32xf32>, vector<128x32xf32>, vector<128x32xf32>, vector<128x32xf32>, vector<128x32xf32>, vector<128x32xf32>, vector<128x32xf32>, vector<128x32xf32>, vector<128x32xf32>, vector<128x32xf32>, vector<128x32xf32>, vector<128x32xf32> -> vector<128x384xf32>
    %slice3A_182 = vector.extract_strided_slice %mul3A_149 {offsets = [0, 256], sizes = [128, 384], strides = [1, 1]} : vector<128x640xf32> to vector<128x384xf32>
    %mul3A_183 = arith.mulf %concatenate3A_181, %slice3A_182 : vector<128x384xf32>
    %slice3A_184 = vector.extract_strided_slice %mul3A_149 {offsets = [0, 256], sizes = [128, 32], strides = [1, 1]} : vector<128x640xf32> to vector<128x32xf32>
    %concatenate3A_185 = tpu.concatenate %slice3A_184, %slice3A_184, %slice3A_184, %slice3A_184, %slice3A_184, %slice3A_184, %slice3A_184, %slice3A_184, %slice3A_184, %slice3A_184, %slice3A_184 in 1 : vector<128x32xf32>, vector<128x32xf32>, vector<128x32xf32>, vector<128x32xf32>, vector<128x32xf32>, vector<128x32xf32>, vector<128x32xf32>, vector<128x32xf32>, vector<128x32xf32>, vector<128x32xf32>, vector<128x32xf32> -> vector<128x352xf32>
    %slice3A_186 = vector.extract_strided_slice %mul3A_149 {offsets = [0, 288], sizes = [128, 352], strides = [1, 1]} : vector<128x640xf32> to vector<128x352xf32>
    %mul3A_187 = arith.mulf %concatenate3A_185, %slice3A_186 : vector<128x352xf32>
    %slice3A_188 = vector.extract_strided_slice %mul3A_149 {offsets = [0, 288], sizes = [128, 32], strides = [1, 1]} : vector<128x640xf32> to vector<128x32xf32>
    %concatenate3A_189 = tpu.concatenate %slice3A_188, %slice3A_188, %slice3A_188, %slice3A_188, %slice3A_188, %slice3A_188, %slice3A_188, %slice3A_188, %slice3A_188, %slice3A_188 in 1 : vector<128x32xf32>, vector<128x32xf32>, vector<128x32xf32>, vector<128x32xf32>, vector<128x32xf32>, vector<128x32xf32>, vector<128x32xf32>, vector<128x32xf32>, vector<128x32xf32>, vector<128x32xf32> -> vector<128x320xf32>
    %slice3A_190 = vector.extract_strided_slice %mul3A_149 {offsets = [0, 320], sizes = [128, 320], strides = [1, 1]} : vector<128x640xf32> to vector<128x320xf32>
    %mul3A_191 = arith.mulf %concatenate3A_189, %slice3A_190 : vector<128x320xf32>
    %slice3A_192 = vector.extract_strided_slice %mul3A_149 {offsets = [0, 320], sizes = [128, 32], strides = [1, 1]} : vector<128x640xf32> to vector<128x32xf32>
    %concatenate3A_193 = tpu.concatenate %slice3A_192, %slice3A_192, %slice3A_192, %slice3A_192, %slice3A_192, %slice3A_192, %slice3A_192, %slice3A_192, %slice3A_192 in 1 : vector<128x32xf32>, vector<128x32xf32>, vector<128x32xf32>, vector<128x32xf32>, vector<128x32xf32>, vector<128x32xf32>, vector<128x32xf32>, vector<128x32xf32>, vector<128x32xf32> -> vector<128x288xf32>
    %slice3A_194 = vector.extract_strided_slice %mul3A_149 {offsets = [0, 352], sizes = [128, 288], strides = [1, 1]} : vector<128x640xf32> to vector<128x288xf32>
    %mul3A_195 = arith.mulf %concatenate3A_193, %slice3A_194 : vector<128x288xf32>
    %slice3A_196 = vector.extract_strided_slice %mul3A_149 {offsets = [0, 352], sizes = [128, 32], strides = [1, 1]} : vector<128x640xf32> to vector<128x32xf32>
    %concatenate3A_197 = tpu.concatenate %slice3A_196, %slice3A_196, %slice3A_196, %slice3A_196, %slice3A_196, %slice3A_196, %slice3A_196, %slice3A_196 in 1 : vector<128x32xf32>, vector<128x32xf32>, vector<128x32xf32>, vector<128x32xf32>, vector<128x32xf32>, vector<128x32xf32>, vector<128x32xf32>, vector<128x32xf32> -> vector<128x256xf32>
    %slice3A_198 = vector.extract_strided_slice %mul3A_149 {offsets = [0, 384], sizes = [128, 256], strides = [1, 1]} : vector<128x640xf32> to vector<128x256xf32>
    %mul3A_199 = arith.mulf %concatenate3A_197, %slice3A_198 : vector<128x256xf32>
    %slice3A_200 = vector.extract_strided_slice %mul3A_149 {offsets = [0, 384], sizes = [128, 32], strides = [1, 1]} : vector<128x640xf32> to vector<128x32xf32>
    %concatenate3A_201 = tpu.concatenate %slice3A_200, %slice3A_200, %slice3A_200, %slice3A_200, %slice3A_200, %slice3A_200, %slice3A_200 in 1 : vector<128x32xf32>, vector<128x32xf32>, vector<128x32xf32>, vector<128x32xf32>, vector<128x32xf32>, vector<128x32xf32>, vector<128x32xf32> -> vector<128x224xf32>
    %slice3A_202 = vector.extract_strided_slice %mul3A_149 {offsets = [0, 416], sizes = [128, 224], strides = [1, 1]} : vector<128x640xf32> to vector<128x224xf32>
    %mul3A_203 = arith.mulf %concatenate3A_201, %slice3A_202 : vector<128x224xf32>
    %slice3A_204 = vector.extract_strided_slice %mul3A_149 {offsets = [0, 416], sizes = [128, 32], strides = [1, 1]} : vector<128x640xf32> to vector<128x32xf32>
    %concatenate3A_205 = tpu.concatenate %slice3A_204, %slice3A_204, %slice3A_204, %slice3A_204, %slice3A_204, %slice3A_204 in 1 : vector<128x32xf32>, vector<128x32xf32>, vector<128x32xf32>, vector<128x32xf32>, vector<128x32xf32>, vector<128x32xf32> -> vector<128x192xf32>
    %slice3A_206 = vector.extract_strided_slice %mul3A_149 {offsets = [0, 448], sizes = [128, 192], strides = [1, 1]} : vector<128x640xf32> to vector<128x192xf32>
    %mul3A_207 = arith.mulf %concatenate3A_205, %slice3A_206 : vector<128x192xf32>
    %slice3A_208 = vector.extract_strided_slice %mul3A_149 {offsets = [0, 448], sizes = [128, 32], strides = [1, 1]} : vector<128x640xf32> to vector<128x32xf32>
    %concatenate3A_209 = tpu.concatenate %slice3A_208, %slice3A_208, %slice3A_208, %slice3A_208, %slice3A_208 in 1 : vector<128x32xf32>, vector<128x32xf32>, vector<128x32xf32>, vector<128x32xf32>, vector<128x32xf32> -> vector<128x160xf32>
    %slice3A_210 = vector.extract_strided_slice %mul3A_149 {offsets = [0, 480], sizes = [128, 160], strides = [1, 1]} : vector<128x640xf32> to vector<128x160xf32>
    %mul3A_211 = arith.mulf %concatenate3A_209, %slice3A_210 : vector<128x160xf32>
    %slice3A_212 = vector.extract_strided_slice %mul3A_149 {offsets = [0, 480], sizes = [128, 32], strides = [1, 1]} : vector<128x640xf32> to vector<128x32xf32>
    %concatenate3A_213 = tpu.concatenate %slice3A_212, %slice3A_212, %slice3A_212, %slice3A_212 in 1 : vector<128x32xf32>, vector<128x32xf32>, vector<128x32xf32>, vector<128x32xf32> -> vector<128x128xf32>
    %slice3A_214 = vector.extract_strided_slice %mul3A_149 {offsets = [0, 512], sizes = [128, 128], strides = [1, 1]} : vector<128x640xf32> to vector<128x128xf32>
    %mul3A_215 = arith.mulf %concatenate3A_213, %slice3A_214 : vector<128x128xf32>
    %slice3A_216 = vector.extract_strided_slice %mul3A_149 {offsets = [0, 512], sizes = [128, 32], strides = [1, 1]} : vector<128x640xf32> to vector<128x32xf32>
    %concatenate3A_217 = tpu.concatenate %slice3A_216, %slice3A_216, %slice3A_216 in 1 : vector<128x32xf32>, vector<128x32xf32>, vector<128x32xf32> -> vector<128x96xf32>
    %slice3A_218 = vector.extract_strided_slice %mul3A_149 {offsets = [0, 544], sizes = [128, 96], strides = [1, 1]} : vector<128x640xf32> to vector<128x96xf32>
    %mul3A_219 = arith.mulf %concatenate3A_217, %slice3A_218 : vector<128x96xf32>
    %slice3A_220 = vector.extract_strided_slice %mul3A_149 {offsets = [0, 544], sizes = [128, 32], strides = [1, 1]} : vector<128x640xf32> to vector<128x32xf32>
    %concatenate3A_221 = tpu.concatenate %slice3A_220, %slice3A_220 in 1 : vector<128x32xf32>, vector<128x32xf32> -> vector<128x64xf32>
    %slice3A_222 = vector.extract_strided_slice %mul3A_149 {offsets = [0, 576], sizes = [128, 64], strides = [1, 1]} : vector<128x640xf32> to vector<128x64xf32>
    %mul3A_223 = arith.mulf %concatenate3A_221, %slice3A_222 : vector<128x64xf32>
    %slice3A_224 = vector.extract_strided_slice %mul3A_149 {offsets = [0, 576], sizes = [128, 32], strides = [1, 1]} : vector<128x640xf32> to vector<128x32xf32>
    %slice3A_225 = vector.extract_strided_slice %mul3A_149 {offsets = [0, 608], sizes = [128, 32], strides = [1, 1]} : vector<128x640xf32> to vector<128x32xf32>
    %mul3A_226 = arith.mulf %slice3A_224, %slice3A_225 : vector<128x32xf32>
    %concatenate3A_227 = tpu.concatenate %mul3A_151, %mul3A_155, %mul3A_159, %mul3A_163, %mul3A_167, %mul3A_171, %mul3A_175, %mul3A_179, %mul3A_183, %mul3A_187, %mul3A_191, %mul3A_195, %mul3A_199, %mul3A_203, %mul3A_207, %mul3A_211, %mul3A_215, %mul3A_219, %mul3A_223, %mul3A_226 in 1 : vector<128x640xf32>, vector<128x608xf32>, vector<128x576xf32>, vector<128x544xf32>, vector<128x512xf32>, vector<128x480xf32>, vector<128x448xf32>, vector<128x416xf32>, vector<128x384xf32>, vector<128x352xf32>, vector<128x320xf32>, vector<128x288xf32>, vector<128x256xf32>, vector<128x224xf32>, vector<128x192xf32>, vector<128x160xf32>, vector<128x128xf32>, vector<128x96xf32>, vector<128x64xf32>, vector<128x32xf32> -> vector<128x6720xf32>
    %swap3A = arith.constant 0 : index
    %swap3A_228 = arith.constant 0 : index
    %swap3A_229 = vector.load %arg6[%swap3A, %swap3A_228] : memref<128x6720xf32, #tpu.memory_space<vmem>>, vector<128x6720xf32>
    tpu.vector_store %arg6[%swap3A, %swap3A_228], %concatenate3A_227 {strides = array<i32>} : memref<128x6720xf32, #tpu.memory_space<vmem>>, vector<128x6720xf32>,
    return
  }
  func.func @transform_0(%arg0: i32) -> (i32, i32) {
    %c0_i32 = arith.constant 0 : i32
    %c0_i32_0 = arith.constant 0 : i32
    return %arg0, %c0_i32 : i32, i32
  }
  func.func @transform_1(%arg0: i32) -> (i32, i32) {
    %c0_i32 = arith.constant 0 : i32
    %c0_i32_0 = arith.constant 0 : i32
    return %arg0, %c0_i32 : i32, i32
  }
  func.func @transform_2(%arg0: i32) -> (i32, i32) {
    %c0_i32 = arith.constant 0 : i32
    %c0_i32_0 = arith.constant 0 : i32
    return %arg0, %c0_i32 : i32, i32
  }
  func.func @transform_3(%arg0: i32) -> (i32, i32) {
    %c0_i32 = arith.constant 0 : i32
    %c0_i32_0 = arith.constant 0 : i32
    return %arg0, %c0_i32 : i32, i32
  }
  func.func @transform_4(%arg0: i32) -> (i32, i32) {
    %c0_i32 = arith.constant 0 : i32
    %c0_i32_0 = arith.constant 0 : i32
    %c0_i32_1 = arith.constant 0 : i32
    return %c0_i32, %c0_i32_0 : i32, i32
  }
  func.func @transform_5(%arg0: i32) -> (i32, i32) {
    %c0_i32 = arith.constant 0 : i32
    %c0_i32_0 = arith.constant 0 : i32
    return %arg0, %c0_i32 : i32, i32
  }
}

</mosaic_0001>

<sc_bundles>
// kernel: kernel.4.cloned.1.call-start
scs
__scs_entry_jumppad:
0x0: {  	(pc) =	sbr.rel $0x88, $3  }
0x1: {  	(tag) =	ssettag $0x0;
	lr =	simm.s32 $0x1  }
0x2: {  	[smem:$0x3F9C] =	sst lr;
	_ =	strace $0xD0000000  }
0x3: {  	_ = 	snop  }
0x4: {  	_ = 	snop  }
0x5: {  	_ = 	snop  }
0x6: {  	_ = 	snop  }
0x7: {  	_ = 	snop  }
__scs_overlays_trampoline_lowered:
0x8: {  	[smem:$0x3FAB] =	sst s0  }
0x9: {  	[smem:$0x3FAC] =	sst s1  }
0xa: {  	[smem:$0x3FAD] =	sst s2  }
0xb: {  	[smem:$0x3FAE] =	sst s3  }
0xc: {  	[smem:$0x3FAF] =	sst s4  }
0xd: {  	[smem:$0x3FB0] =	sst s5  }
0xe: {  	[smem:$0x3FB1] =	sst s6  }
0xf: {  	[smem:$0x3FB2] =	sst s7  }
0x10: {  	[smem:$0x3FB3] =	sst s8  }
0x11: {  	[smem:$0x3FB4] =	sst s9;
	s0 =	simm.s32 @!p0 $0x0  }
0x12: {  	s1 =	sld [smem:$0x3F9A];
	s0 =	simm.s32 @p0 $0x1  }
0x13: {  	[smem:$0x3FB5] =	sst s0;
	s0 =	simm.s32 @!p1 $0x0  }
0x14: {  	s2 =	sld [smem:$0x3F99];
	s0 =	simm.s32 @p1 $0x1  }
0x15: {  	[smem:$0x3FB6] =	sst s0;
	s0 =	simm.s32 @!p2 $0x0  }
0x16: {  	s3 =	sld [smem:$0x3FDB];
	s0 =	simm.s32 @p2 $0x1  }
0x17: {  	s4 =	simm.s32 $0x1BF5;
	[smem:$0x3FB8] =	sst s0  }
0x18: {  	s0 =	sld [smem:$0x3F9B];
	_ =	swait.ge [sflag:s4], $0x0  }
0x19: {  	s7 =	sld [smem:$0x3F9C]  }
0x1a: {  	s8 =	sadd.s32 $0xFFFFE003, lr  }
0x1b: {  	s9 =	sadd.s32 $0xFFFFFEF7, lr;
	s5 =	simm.s32 $0xFFFFFFFF;
	p2 =	slt.u32 s8, $0xFFFFF086  }
0x1c: {  	p1 =	slt.u32 s9, $0xF7A;
	s5 =	simm.s32 @!p2 $0x0  }
0x1d: {  	s5 =	simm.s32 @p1 $0x1;
	p0 =	seq.s32 s7, s2  }
0x1e: {  	s7 =	smul.u32 @!p0 $0xF7A, s2;
	p2 =	seq.s32 @!p0 s5, $0x0  }
0x1f: {  	s9 =	smul.u32 $0xF7A, s1;
	s8 =	simm.s32 @!p0 $0x1BF5;
	p2 =	por !p2, p0  }
0x20: {  	[sflag:s8] =	ssyncset.s32 @!p0 $0xFFFFF086;
	s6 =	sadd.s32 @!p0 s3, s7;
	s7 =	simm.s32 @!p0 $0x108  }
0x21: {  	s3 =	sadd.s32 s3, s9;
	s6 =	sadd.s32 @!p0 $0x88, s6;
	s7 =	simm.s32 @p2 $0x1082  }
0x22: {  	[simem:s7], [sflag:s8] =	dma.local @!p0 [hbm:s6], $0xF7A  }
0x23: {  	s9 =	sor.u32 $0xD0000000, s2;
	s6 =	simm.s32 $0x108;
	_ =	swait.ge @!p0 [sflag:s8], $0x0  }
0x24: {  	s3 =	sadd.s32 $0x88, s3;
	s6 =	simm.s32 @!p1 $0x1082;
	[sflag:s4] =	ssyncset.s32 $0xFFFFF086  }
0x25: {  	[simem:s6], [sflag:s4] =	dma.local [hbm:s3], $0xF7A  }
0x26: {  	[smem:$0x3F9C] =	sst s1;
	(tag) =	ssettag s2;
	_ =	strace s9  }
0x27: {  	s1 =	sld [smem:$0x3FAC]  }
0x28: {  	s2 =	sld [smem:$0x3FAD]  }
0x29: {  	s4 =	sld [smem:$0x3FAF]  }
0x2a: {  	p0 =	seq.s32 s5, $0x0;
	s5 =	sld [smem:$0x3FB0]  }
0x2b: {  	s6 =	sld [smem:$0x3FB1]  }
0x2c: {  	s7 =	sld [smem:$0x3FB2]  }
0x2d: {  	s3 =	simm.s32 $0x108;
	s8 =	sld [smem:$0x3FB3]  }
0x2e: {  	s3 =	simm.s32 @!p0 $0x1082;
	s9 =	sld [smem:$0x3FB4]  }
0x2f: {  	lr =	sadd.s32 s0, s3;
	s0 =	sld [smem:$0x3FAB]  }
0x30: {  	s3 =	sld [smem:$0x3FAE]  }
0x31: {  	[smem:$0x3FB7] =	sst s10  }
0x32: {  	s10 =	sld [smem:$0x3FB5];
	_ =	sdelay $0x3  }
0x33: {  	p0 =	seq.s32 s10, $0x1;
	s10 =	sld [smem:$0x3FB7];
	_ =	sdelay $0x3  }
0x34: {  	[smem:$0x3FB7] =	sst s10  }
0x35: {  	s10 =	sld [smem:$0x3FB6];
	_ =	sdelay $0x3  }
0x36: {  	p1 =	seq.s32 s10, $0x1;
	s10 =	sld [smem:$0x3FB7];
	_ =	sdelay $0x3  }
0x37: {  	[smem:$0x3FB7] =	sst s10  }
0x38: {  	s10 =	sld [smem:$0x3FB8]  }
0x39: {  	_ = 	snop;
	(pc) =	sbr.ind lr, $3  }
0x3a: {  	_ = 	snop  }
0x3b: {  	_ = 	snop  }
0x3c: {  	p2 =	seq.s32 s10, $0x1;
	s10 =	sld [smem:$0x3FB7]  }
0x3d: {  	_ =	shalt  }
0x3e: {  	_ =	shalt  }
0x3f: {  	_ =	shalt  }
0x40: {  	_ =	shalt  }
0x41: {  	_ =	shalt  }
0x42: {  	_ =	shalt  }
0x43: {  	_ =	shalt  }
0x44: {  	_ =	shalt  }
0x45: {  	_ =	shalt  }
0x46: {  	_ =	shalt  }
0x47: {  	_ =	shalt  }
0x48: {  	_ =	shalt  }
0x49: {  	_ =	shalt  }
0x4a: {  	_ =	shalt  }
0x4b: {  	_ =	shalt  }
0x4c: {  	_ =	shalt  }
0x4d: {  	_ =	shalt  }
0x4e: {  	_ =	shalt  }
0x4f: {  	_ =	shalt  }
0x50: {  	_ =	shalt  }
0x51: {  	_ =	shalt  }
0x52: {  	_ =	shalt  }
0x53: {  	_ =	shalt  }
0x54: {  	_ =	shalt  }
0x55: {  	_ =	shalt  }
0x56: {  	_ =	shalt  }
0x57: {  	_ =	shalt  }
0x58: {  	_ =	shalt  }
0x59: {  	_ =	shalt  }
0x5a: {  	_ =	shalt  }
0x5b: {  	_ =	shalt  }
0x5c: {  	_ =	shalt  }
0x5d: {  	_ =	shalt  }
0x5e: {  	_ =	shalt  }
0x5f: {  	_ =	shalt  }
0x60: {  	_ =	shalt  }
0x61: {  	_ =	shalt  }
0x62: {  	_ =	shalt  }
0x63: {  	_ =	shalt  }
0x64: {  	_ =	shalt  }
0x65: {  	_ =	shalt  }
0x66: {  	_ =	shalt  }
0x67: {  	_ =	shalt  }
0x68: {  	_ =	shalt  }
0x69: {  	_ =	shalt  }
0x6a: {  	_ =	shalt  }
0x6b: {  	_ =	shalt  }
0x6c: {  	_ =	shalt  }
0x6d: {  	_ =	shalt  }
0x6e: {  	_ =	shalt  }
0x6f: {  	_ =	shalt  }
0x70: {  	_ =	shalt  }
0x71: {  	_ =	shalt  }
0x72: {  	_ =	shalt  }
0x73: {  	_ =	shalt  }
0x74: {  	_ =	shalt  }
0x75: {  	_ =	shalt  }
0x76: {  	_ =	shalt  }
0x77: {  	_ =	shalt  }
0x78: {  	_ =	shalt  }
0x79: {  	_ =	shalt  }
0x7a: {  	_ =	shalt  }
0x7b: {  	_ =	shalt  }
0x7c: {  	_ =	shalt  }
0x7d: {  	_ =	shalt  }
0x7e: {  	_ =	shalt  }
0x7f: {  	_ =	shalt  }
0x80: {  	_ =	shalt  }
0x81: {  	_ =	shalt  }
0x82: {  	_ =	shalt  }
0x83: {  	_ =	shalt  }
0x84: {  	_ =	shalt  }
0x85: {  	_ =	shalt  }
0x86: {  	_ =	shalt  }
0x87: {  	_ =	shalt  }
.Lfunc_end0:
.L_simem_size_0:
called_computation.1_lowered:
.L_overlay_start_0:
0x88: {  	s2 =	sld [smem:$0x3FD9]  }
0x89: {  	s3 =	sld [smem:$0x3FFE];
	_ =	sdelay $0x1  }
0x8a: {  	s1 =	srdreg.scid  }
0x8b: {  	s0 =	sand.u32 $0x1, s1  }
0x8c: {  	s17 =	sshll.u32 s0, $0xA;
	s2 =	sadd.s32 s3, s2  }
0x8d: {  	s2 =	sadd.s32 s2, s17  }
0x8e: {  	[smem:$0x3FC3] =	sst s2  }
0x8f: {  	_ = 	snop  }
0x90: {  	s2 =	sld [smem:$0x3FD0];
	(tm) =	ssettm $0x1  }
0x91: {  	s18 =	sld [smem:$0x3FFB];
	_ =	sdelay $0x3  }
0x92: {  	_ =	strace s18  }
0x93: {  	s3 =	sld [smem:$0x3FFC];
	_ =	sdelay $0x3  }
0x94: {  	_ =	strace s3  }
0x95: {  	s3 =	sld [smem:$0x3FFD];
	_ =	sdelay $0x3  }
0x96: {  	_ =	strace s3  }
0x97: {  	_ =	strace $0x8FFFFFFF  }
0x98: {  	s19 =	sld [smem:$0x3FDB];
	_ =	sdelay $0x1  }
0x99: {  	s4 =	simm.s32 $_scs_section_size  }
0x9a: {  	s5 =	simm.s32 $_size__tile_overlayer_lowered;
	s6 =	simm.s32 $_tile_overlayer_lowered  }
0x9b: {  	s22 =	simm.s32 $0x1BFF;
	s21 =	sshll.u32 s6, $0x1;
	s3 =	sadd.s32 s4, s19  }
0x9c: {  	s7 =	simm.s32 $0x0;
	s20 =	sshll.u32 s5, $0x1;
	s5 =	sadd.s32 s21, s3  }
0x9d: {  	[timem:s7], [sflag:s22] =	dma.local [hbm:s5], s20  }
0x9e: {  	_ =	swait.ge [sflag:s22], s20  }
0x9f: {  	s4 =	ssub.s32 $0x0, s20;
	[sflag:s22] =	ssyncset.done $0x0  }
0xa0: {  	[sflag:s22] =	ssyncadd.s32 s4;
	_ =	sdelay $0x1  }
0xa1: {  	s23 =	simm.s32 $0x1B8B  }
0xa2: {  	_ =	swait.ge [sflag:s23], $0x1  }
0xa3: {  	[sflag:s23] =	ssyncset.done $0x0  }
0xa4: {  	s25 =	simm.s32 $0x1B8E;
	s24 =	sld [smem:$0x3FFE];
	[sflag:s23] =	ssyncadd.s32 $0xFFFFFFFF  }
0xa5: {  	s26 =	simm.s32 $execute0_lowered;
	[smem:$0x3FD2] =	sst s25  }
0xa6: {  	s5 =	sshll.u32 s26, $0x1;
	_ =	strace $0x80000049;
	[dreg:$0x1] =	wrdreg $0xFFFFFFFF  }
0xa7: {  	s28 =	simm.s32 $_size_execute0_lowered;
	s3 =	sadd.s32 s3, s5;
	[dreg:$0x0] =	wrdreg $0x0  }
0xa8: {  	s5 =	sshll.u32 s28, $0x1;
	[dreg:$0x2] =	wrdreg s3  }
0xa9: {  	[dreg:$0x3] =	wrdreg s5  }
0xaa: {  	[dreg:$0x4] =	wrdreg $0xC0  }
0xab: {  	_ =	task [dreg:s7], $0x5FFFF  }
0xac: {  	[dreg:$0x1] =	wrdreg $0xFFFFFFFF  }
0xad: {  	[dreg:$0x0] =	wrdreg $0x60  }
0xae: {  	[dreg:$0x2] =	wrdreg s2  }
0xaf: {  	[dreg:$0x3] =	wrdreg s24  }
0xb0: {  	[dreg:$0x4] =	wrdreg $0x9  }
0xb1: {  	_ =	task.clear_ibuf [dreg:s7], $0x5FFFF;
	_ =	strace $0x90000049  }
0xb2: {  	s29 =	simm.s32 $0x9;
	_ =	strace $0x8000004B  }
0xb3: {  	_ =	swait.ge [sflag:s29], $0x1  }
0xb4: {  	[sflag:s29] =	ssyncadd.s32 $0xFFFFFFFF  }
0xb5: {  	_ =	strace $0x9000004B  }
0xb6: {  	_ =	sfence  }
0xb7: {  	s30 =	sld [smem:$0x0];
	_ =	sdelay $0x2  }
0xb8: {  	s31 =	sshll.u32 s1, $0xD;
	s1 =	sshrl.u32 s1, $0x2  }
0xb9: {  	s3 =	sand.u32 $0x4000, s31;
	s1 =	sadd.s32 s1, s30  }
0xba: {  	s0 =	sor.u32 s3, s0;
	s1 =	sshll.u32 s1, $0x11  }
0xbb: {  	s0 =	sor.u32 s1, s0  }
0xbc: {  	s0 =	sadd.s32 $0x8F2B, s0  }
0xbd: {  	[sflag:s0] =	ssyncadd.remote.s32 $0x1  }
0xbe: {  	_ =	sfence.sel $0xFFFF  }
0xbf: {  	[dreg:$0x0] =	wrdreg $0xFFFFFFFF;
	(pc) =	sbr.abs _section_cstart, $3  }
0xc0: {  	[dreg:$0x1] =	wrdreg $0xFFFFFFFF  }
0xc1: {  	_ =	task.clear_ibuf [dreg:s7], $0x2FFFF;
	_ =	strace $0x9FFFFFFF  }
0xc2: {  	(tm) =	ssettm $0x7FFFFFFF  }
0xc3: {  	_ =	shalt  }
tec
execute0_lowered:
.L_overlay_start_1:
0x0: {  	(tag) =	ssettag $0x1  }
0x1: {  	s0 =	rddreg [dreg:$0x0]  }
0x2: {  	s2 =	srdreg.scid;
	s4 =	stileid.u32  }
0x3: {  	s1 =	rddreg [dreg:$0x1];
	s3 =	sand.u32 $0x1, s2;
	s4 =	sshll.u32 s4, $0x1  }
0x4: {  	s2 =	simm.s32 $0x0;
	s7 =	sadd.s32 $0x1E86000, s1;
	s4 =	sor.u32 s3, s4  }
0x5: {  	s11 =	sadd.s32 $0x1314800, s1;
	[smem:$0x7FF] =	sst s2;
	s5 =	smul.u32 $0x140, s4  }
0x6: {  	_ =	strace $0x8000004A;
	s6 =	sshll.u32 s4, $0x4;
	s10 =	smul.u32 $0xA000, s4  }
0x7: {  	[dreg:$0x3] =	wrdreg s7;
	s6 =	sadd.s32 s6, s1;
	s0 =	sadd.s32 s0, s5  }
0x8: {  	s12 =	sadd.s32 $0xF43C00, s6;
	s23 =	sadd.s32 s11, s10;
	[dreg:$0x4] =	wrdreg s0  }
0x9: {  	s13 =	smul.u32 $0x50000, s4;
	[dreg:$0x5] =	wrdreg s12;
	s14 =	sadd.s32 $0x800, s23  }
0xa: {  	s15 =	sadd.s32 $0x1000, s23;
	[dreg:$0x6] =	wrdreg s14  }
0xb: {  	s5 =	sshrl.u32 s13, $0x3;
	s16 =	sadd.s32 $0x1800, s23;
	[dreg:$0x7] =	wrdreg s15  }
0xc: {  	s5 =	sadd.s32 s11, s5;
	[dreg:$0x8] =	wrdreg s16  }
0xd: {  	s17 =	sadd.s32 $0x2000, s5;
	s0 =	rddreg [dreg:$0x4]  }
0xe: {  	s18 =	sadd.s32 $0x2800, s5;
	[dreg:$0x9] =	wrdreg s17  }
0xf: {  	s19 =	sadd.s32 $0x3000, s5;
	[dreg:$0xa] =	wrdreg s18  }
0x10: {  	s20 =	sadd.s32 $0x3800, s5;
	[dreg:$0xb] =	wrdreg s19  }
0x11: {  	s31 =	simm.s32 $0xA00;
	s21 =	sadd.s32 $0x4000, s5;
	[dreg:$0xc] =	wrdreg s20  }
0x12: {  	s30 =	simm.s32 $0x180;
	s22 =	sadd.s32 $0x4800, s5;
	[dreg:$0xd] =	wrdreg s21  }
0x13: {  	s29 =	simm.s32 $0x200;
	s24 =	sadd.s32 $0x5000, s5;
	[dreg:$0xe] =	wrdreg s22  }
0x14: {  	s28 =	simm.s32 $0x280;
	s25 =	sadd.s32 $0x5800, s5;
	[dreg:$0xf] =	wrdreg s24  }
0x15: {  	p0 =	por $0x0, $0x0;
	s26 =	sadd.s32 $0x6000, s5;
	[dreg:$0x10] =	wrdreg s25  }
0x16: {  	s3 =	ssub.s32 $0x2, s3;
	s6 =	sadd.s32 $0x6800, s5;
	[dreg:$0x11] =	wrdreg s26  }
0x17: {  	s4 =	sshll.u32 s4, $0xB;
	s7 =	sadd.s32 $0x7000, s5;
	[dreg:$0x12] =	wrdreg s6  }
0x18: {  	s4 =	sadd.s32 s4, s1;
	s8 =	sadd.s32 $0x7800, s5;
	[dreg:$0x13] =	wrdreg s7  }
0x19: {  	s13 =	sshrl.u32 s3, $0x1;
	s9 =	sadd.s32 $0x8000, s5;
	[dreg:$0x14] =	wrdreg s8  }
0x1a: {  	s10 =	sadd.s32 $0x8800, s5;
	s11 =	sadd.s32 $0x9000, s5;
	[dreg:$0x15] =	wrdreg s9  }
0x1b: {  	s12 =	sadd.s32 $0x9800, s5;
	s14 =	sadd.s32 $0x1454800, s4;
	[dreg:$0x16] =	wrdreg s10  }
0x1c: {  	s5 =	sadd.s32 $0xF43E00, s1;
	s15 =	ssub.s32 s3, s13;
	[dreg:$0x17] =	wrdreg s11  }
0x1d: {  	s3 =	simm.s32 $0x4;
	s4 =	simm.s32 $0x8A80;
	[dreg:$0x18] =	wrdreg s12  }
0x1e: {  	s13 =	simm.s32 $0x900;
	[dreg:$0x19] =	wrdreg s14;
	s16 =	smax.u32 s15, $0x1  }
0x1f: {  	s9 =	simm.s32 $0x80;
	s10 =	simm.s32 $0xA80;
	s6 =	simm.s32 $0x1  }
0x20: {  	s8 =	simm.s32 $0x4A80;
	s26 =	simm.s32 $0x100;
	s7 =	simm.s32 $0x2  }
0x21: {  	s25 =	simm.s32 $0x380;
	s24 =	simm.s32 $0x400;
	p1 =	sne.s32 s16, $0x1  }
.Ltmp0:
0x22: {  	s22 =	simm.s32 $0x480;
	s21 =	simm.s32 $0x500;
	(pc) =	sbr.rel @!p1 .LBB2_3-.Ltmp0, $4  }
0x23: {  	s20 =	simm.s32 $0x580;
	s19 =	simm.s32 $0x600;
	s18 =	simm.s32 $0x680  }
0x24: {  	s17 =	simm.s32 $0x700;
	s15 =	simm.s32 $0x800;
	s14 =	simm.s32 $0x880  }
0x25: {  	s12 =	simm.s32 $0x980;
	s11 =	simm.s32 $0x3;
	[dreg:$0x1a] =	wrdreg s26  }
0x26: {  	s26 =	simm.s32 $0x300;
	s1 =	sadd.s32 $0xFFFFFFFF, s16;
	s16 =	simm.s32 $0x780  }
0x27: {  	[tilespmem:s2], [sflag:$0x4] =	stream.linear.gather [hbm4b:s0+s2], $0xA00, $0x38;
	[tilespmem:$0xCA80] =	vst v63  }
0x28: {  	_ =	swait.ge [sflag:s3], $0xA00  }
0x29: {  	[sflag:s3] =	ssyncset.done $0x0  }
0x2a: {  	s0 =	rddreg [dreg:$0x5];
	[sflag:s3] =	ssyncadd.s32 $0xFFFFF600  }
0x2b: {  	[tilespmem:s31], [sflag:$0x4] =	stream.linear.gather [hbm4b:s0+s2], $0x80, $0x38;
	[tilespmem:$0xCA80] =	vst v63  }
0x2c: {  	_ =	swait.ge [sflag:s3], $0x80  }
0x2d: {  	[sflag:s3] =	ssyncset.done $0x0  }
0x2e: {  	s0 =	rddreg [dreg:$0x3];
	[sflag:s3] =	ssyncadd.s32 $0xFFFFFF80  }
0x2f: {  	[tilespmem:s4], [sflag:$0x3] =	stream.indirect.gather [hbm4b:s0+s9], $0x80, s31, s9, $0xb8;
	[tilespmem:$0xCA80] =	vst v63  }
0x30: {  	_ = 	snop  }
0x31: {  	[tilespmem:s10], [sflag:$0x1] =	stream.indirect.gather [hbm4b:s5+s9], $0x80, s2, s9, $0xb8;
	[tilespmem:$0xCA80] =	vst v63  }
0x32: {  	_ =	swait.ge [sflag:s6], $0x4000  }
0x33: {  	[sflag:s6] =	ssyncset.done $0x0  }
0x34: {  	[sflag:s6] =	ssyncadd.s32 $0xFFFFC000  }
0x35: {  	[hbm4b:s23+s2] =	stream.linear.scatter [tilespmem:s10], [sflag:$0x1], $0x4000, $0x38;
	[tilespmem:$0xCA80] =	vst v63  }
0x36: {  	_ = 	snop  }
0x37: {  	[tilespmem:s8], [sflag:$0x2] =	stream.indirect.gather [hbm4b:s5+s9], $0x80, s9, s9, $0xb8;
	[tilespmem:$0xCA80] =	vst v63  }
0x38: {  	_ =	swait.ge [sflag:s7], $0x4000  }
0x39: {  	[sflag:s7] =	ssyncset.done $0x0  }
0x3a: {  	s0 =	rddreg [dreg:$0x6];
	[sflag:s7] =	ssyncadd.s32 $0xFFFFC000  }
0x3b: {  	[hbm4b:s0+s2] =	stream.linear.scatter [tilespmem:s8], [sflag:$0x2], $0x4000, $0x38;
	[tilespmem:$0xCA80] =	vst v63  }
0x3c: {  	_ =	swait.ge [sflag:s6], $0x4000  }
0x3d: {  	[sflag:s6] =	ssyncset.done $0x0  }
0x3e: {  	s0 =	rddreg [dreg:$0x1a];
	[sflag:s6] =	ssyncadd.s32 $0xFFFFC000  }
0x3f: {  	[tilespmem:s10], [sflag:$0x1] =	stream.indirect.gather [hbm4b:s5+s9], $0x80, s0, s9, $0xb8;
	[tilespmem:$0xCA80] =	vst v63  }
0x40: {  	_ =	swait.ge [sflag:s6], $0x4000  }
0x41: {  	[sflag:s6] =	ssyncset.done $0x0  }
0x42: {  	s0 =	rddreg [dreg:$0x7];
	[sflag:s6] =	ssyncadd.s32 $0xFFFFC000  }
0x43: {  	[hbm4b:s0+s2] =	stream.linear.scatter [tilespmem:s10], [sflag:$0x1], $0x4000, $0x38;
	[tilespmem:$0xCA80] =	vst v63  }
0x44: {  	_ =	swait.ge [sflag:s7], $0x4000  }
0x45: {  	[sflag:s7] =	ssyncset.done $0x0  }
0x46: {  	[sflag:s7] =	ssyncadd.s32 $0xFFFFC000  }
0x47: {  	[tilespmem:s8], [sflag:$0x2] =	stream.indirect.gather [hbm4b:s5+s9], $0x80, s30, s9, $0xb8;
	[tilespmem:$0xCA80] =	vst v63  }
0x48: {  	_ =	swait.ge [sflag:s7], $0x4000  }
0x49: {  	[sflag:s7] =	ssyncset.done $0x0  }
0x4a: {  	s0 =	rddreg [dreg:$0x8];
	[sflag:s7] =	ssyncadd.s32 $0xFFFFC000  }
0x4b: {  	[hbm4b:s0+s2] =	stream.linear.scatter [tilespmem:s8], [sflag:$0x2], $0x4000, $0x38;
	[tilespmem:$0xCA80] =	vst v63  }
0x4c: {  	_ =	swait.ge [sflag:s6], $0x4000  }
0x4d: {  	[sflag:s6] =	ssyncset.done $0x0  }
0x4e: {  	[sflag:s6] =	ssyncadd.s32 $0xFFFFC000  }
0x4f: {  	[tilespmem:s10], [sflag:$0x1] =	stream.indirect.gather [hbm4b:s5+s9], $0x80, s29, s9, $0xb8;
	[tilespmem:$0xCA80] =	vst v63  }
0x50: {  	_ =	swait.ge [sflag:s6], $0x4000  }
0x51: {  	[sflag:s6] =	ssyncset.done $0x0  }
0x52: {  	s0 =	rddreg [dreg:$0x9];
	[sflag:s6] =	ssyncadd.s32 $0xFFFFC000  }
0x53: {  	[hbm4b:s0+s2] =	stream.linear.scatter [tilespmem:s10], [sflag:$0x1], $0x4000, $0x38;
	[tilespmem:$0xCA80] =	vst v63  }
0x54: {  	_ =	swait.ge [sflag:s7], $0x4000  }
0x55: {  	[sflag:s7] =	ssyncset.done $0x0  }
0x56: {  	[sflag:s7] =	ssyncadd.s32 $0xFFFFC000  }
0x57: {  	[tilespmem:s8], [sflag:$0x2] =	stream.indirect.gather [hbm4b:s5+s9], $0x80, s28, s9, $0xb8;
	[tilespmem:$0xCA80] =	vst v63  }
0x58: {  	_ =	swait.ge [sflag:s7], $0x4000  }
0x59: {  	[sflag:s7] =	ssyncset.done $0x0  }
0x5a: {  	s0 =	rddreg [dreg:$0xa];
	[sflag:s7] =	ssyncadd.s32 $0xFFFFC000  }
0x5b: {  	[hbm4b:s0+s2] =	stream.linear.scatter [tilespmem:s8], [sflag:$0x2], $0x4000, $0x38;
	[tilespmem:$0xCA80] =	vst v63  }
0x5c: {  	_ =	swait.ge [sflag:s6], $0x4000  }
0x5d: {  	[sflag:s6] =	ssyncset.done $0x0  }
0x5e: {  	[sflag:s6] =	ssyncadd.s32 $0xFFFFC000  }
0x5f: {  	[tilespmem:s10], [sflag:$0x1] =	stream.indirect.gather [hbm4b:s5+s9], $0x80, s26, s9, $0xb8;
	[tilespmem:$0xCA80] =	vst v63  }
0x60: {  	_ =	swait.ge [sflag:s6], $0x4000  }
0x61: {  	[sflag:s6] =	ssyncset.done $0x0  }
0x62: {  	s0 =	rddreg [dreg:$0xb];
	[sflag:s6] =	ssyncadd.s32 $0xFFFFC000  }
0x63: {  	[hbm4b:s0+s2] =	stream.linear.scatter [tilespmem:s10], [sflag:$0x1], $0x4000, $0x38;
	[tilespmem:$0xCA80] =	vst v63  }
0x64: {  	_ =	swait.ge [sflag:s7], $0x4000  }
0x65: {  	[sflag:s7] =	ssyncset.done $0x0  }
0x66: {  	[sflag:s7] =	ssyncadd.s32 $0xFFFFC000  }
0x67: {  	[tilespmem:s8], [sflag:$0x2] =	stream.indirect.gather [hbm4b:s5+s9], $0x80, s25, s9, $0xb8;
	[tilespmem:$0xCA80] =	vst v63  }
0x68: {  	_ =	swait.ge [sflag:s7], $0x4000  }
0x69: {  	[sflag:s7] =	ssyncset.done $0x0  }
0x6a: {  	s0 =	rddreg [dreg:$0xc];
	[sflag:s7] =	ssyncadd.s32 $0xFFFFC000  }
0x6b: {  	[hbm4b:s0+s2] =	stream.linear.scatter [tilespmem:s8], [sflag:$0x2], $0x4000, $0x38;
	[tilespmem:$0xCA80] =	vst v63  }
0x6c: {  	_ =	swait.ge [sflag:s6], $0x4000  }
0x6d: {  	[sflag:s6] =	ssyncset.done $0x0  }
0x6e: {  	[sflag:s6] =	ssyncadd.s32 $0xFFFFC000  }
0x6f: {  	[tilespmem:s10], [sflag:$0x1] =	stream.indirect.gather [hbm4b:s5+s9], $0x80, s24, s9, $0xb8;
	[tilespmem:$0xCA80] =	vst v63  }
0x70: {  	_ =	swait.ge [sflag:s6], $0x4000  }
0x71: {  	[sflag:s6] =	ssyncset.done $0x0  }
0x72: {  	s0 =	rddreg [dreg:$0xd];
	[sflag:s6] =	ssyncadd.s32 $0xFFFFC000  }
0x73: {  	[hbm4b:s0+s2] =	stream.linear.scatter [tilespmem:s10], [sflag:$0x1], $0x4000, $0x38;
	[tilespmem:$0xCA80] =	vst v63  }
0x74: {  	_ =	swait.ge [sflag:s7], $0x4000  }
0x75: {  	[sflag:s7] =	ssyncset.done $0x0  }
0x76: {  	[sflag:s7] =	ssyncadd.s32 $0xFFFFC000  }
0x77: {  	[tilespmem:s8], [sflag:$0x2] =	stream.indirect.gather [hbm4b:s5+s9], $0x80, s22, s9, $0xb8;
	[tilespmem:$0xCA80] =	vst v63  }
0x78: {  	_ =	swait.ge [sflag:s7], $0x4000  }
0x79: {  	[sflag:s7] =	ssyncset.done $0x0  }
0x7a: {  	s0 =	rddreg [dreg:$0xe];
	[sflag:s7] =	ssyncadd.s32 $0xFFFFC000  }
0x7b: {  	[hbm4b:s0+s2] =	stream.linear.scatter [tilespmem:s8], [sflag:$0x2], $0x4000, $0x38;
	[tilespmem:$0xCA80] =	vst v63  }
0x7c: {  	_ =	swait.ge [sflag:s6], $0x4000  }
0x7d: {  	[sflag:s6] =	ssyncset.done $0x0  }
0x7e: {  	[sflag:s6] =	ssyncadd.s32 $0xFFFFC000  }
0x7f: {  	[tilespmem:s10], [sflag:$0x1] =	stream.indirect.gather [hbm4b:s5+s9], $0x80, s21, s9, $0xb8;
	[tilespmem:$0xCA80] =	vst v63  }
0x80: {  	_ =	swait.ge [sflag:s6], $0x4000  }
0x81: {  	[sflag:s6] =	ssyncset.done $0x0  }
0x82: {  	s0 =	rddreg [dreg:$0xf];
	[sflag:s6] =	ssyncadd.s32 $0xFFFFC000  }
0x83: {  	[hbm4b:s0+s2] =	stream.linear.scatter [tilespmem:s10], [sflag:$0x1], $0x4000, $0x38;
	[tilespmem:$0xCA80] =	vst v63  }
0x84: {  	_ =	swait.ge [sflag:s7], $0x4000  }
0x85: {  	[sflag:s7] =	ssyncset.done $0x0  }
0x86: {  	[sflag:s7] =	ssyncadd.s32 $0xFFFFC000  }
0x87: {  	[tilespmem:s8], [sflag:$0x2] =	stream.indirect.gather [hbm4b:s5+s9], $0x80, s20, s9, $0xb8;
	[tilespmem:$0xCA80] =	vst v63  }
0x88: {  	_ =	swait.ge [sflag:s7], $0x4000  }
0x89: {  	[sflag:s7] =	ssyncset.done $0x0  }
0x8a: {  	s0 =	rddreg [dreg:$0x10];
	[sflag:s7] =	ssyncadd.s32 $0xFFFFC000  }
0x8b: {  	[hbm4b:s0+s2] =	stream.linear.scatter [tilespmem:s8], [sflag:$0x2], $0x4000, $0x38;
	[tilespmem:$0xCA80] =	vst v63  }
0x8c: {  	_ =	swait.ge [sflag:s6], $0x4000  }
0x8d: {  	[sflag:s6] =	ssyncset.done $0x0  }
0x8e: {  	[sflag:s6] =	ssyncadd.s32 $0xFFFFC000  }
0x8f: {  	[tilespmem:s10], [sflag:$0x1] =	stream.indirect.gather [hbm4b:s5+s9], $0x80, s19, s9, $0xb8;
	[tilespmem:$0xCA80] =	vst v63  }
0x90: {  	_ =	swait.ge [sflag:s6], $0x4000  }
0x91: {  	[sflag:s6] =	ssyncset.done $0x0  }
0x92: {  	s0 =	rddreg [dreg:$0x11];
	[sflag:s6] =	ssyncadd.s32 $0xFFFFC000  }
0x93: {  	[hbm4b:s0+s2] =	stream.linear.scatter [tilespmem:s10], [sflag:$0x1], $0x4000, $0x38;
	[tilespmem:$0xCA80] =	vst v63  }
0x94: {  	_ =	swait.ge [sflag:s7], $0x4000  }
0x95: {  	[sflag:s7] =	ssyncset.done $0x0  }
0x96: {  	[sflag:s7] =	ssyncadd.s32 $0xFFFFC000  }
0x97: {  	[tilespmem:s8], [sflag:$0x2] =	stream.indirect.gather [hbm4b:s5+s9], $0x80, s18, s9, $0xb8;
	[tilespmem:$0xCA80] =	vst v63  }
0x98: {  	_ =	swait.ge [sflag:s7], $0x4000  }
0x99: {  	[sflag:s7] =	ssyncset.done $0x0  }
0x9a: {  	s0 =	rddreg [dreg:$0x12];
	[sflag:s7] =	ssyncadd.s32 $0xFFFFC000  }
0x9b: {  	[hbm4b:s0+s2] =	stream.linear.scatter [tilespmem:s8], [sflag:$0x2], $0x4000, $0x38;
	[tilespmem:$0xCA80] =	vst v63  }
0x9c: {  	_ =	swait.ge [sflag:s6], $0x4000  }
0x9d: {  	[sflag:s6] =	ssyncset.done $0x0  }
0x9e: {  	[sflag:s6] =	ssyncadd.s32 $0xFFFFC000  }
0x9f: {  	[tilespmem:s10], [sflag:$0x1] =	stream.indirect.gather [hbm4b:s5+s9], $0x80, s17, s9, $0xb8;
	[tilespmem:$0xCA80] =	vst v63  }
0xa0: {  	_ =	swait.ge [sflag:s6], $0x4000  }
0xa1: {  	[sflag:s6] =	ssyncset.done $0x0  }
0xa2: {  	s0 =	rddreg [dreg:$0x13];
	[sflag:s6] =	ssyncadd.s32 $0xFFFFC000  }
0xa3: {  	[hbm4b:s0+s2] =	stream.linear.scatter [tilespmem:s10], [sflag:$0x1], $0x4000, $0x38;
	[tilespmem:$0xCA80] =	vst v63  }
0xa4: {  	_ =	swait.ge [sflag:s7], $0x4000  }
0xa5: {  	[sflag:s7] =	ssyncset.done $0x0  }
0xa6: {  	[sflag:s7] =	ssyncadd.s32 $0xFFFFC000  }
0xa7: {  	[tilespmem:s8], [sflag:$0x2] =	stream.indirect.gather [hbm4b:s5+s9], $0x80, s16, s9, $0xb8;
	[tilespmem:$0xCA80] =	vst v63  }
0xa8: {  	_ =	swait.ge [sflag:s7], $0x4000  }
0xa9: {  	[sflag:s7] =	ssyncset.done $0x0  }
0xaa: {  	s0 =	rddreg [dreg:$0x14];
	[sflag:s7] =	ssyncadd.s32 $0xFFFFC000  }
0xab: {  	[hbm4b:s0+s2] =	stream.linear.scatter [tilespmem:s8], [sflag:$0x2], $0x4000, $0x38;
	[tilespmem:$0xCA80] =	vst v63  }
0xac: {  	_ =	swait.ge [sflag:s6], $0x4000  }
0xad: {  	[sflag:s6] =	ssyncset.done $0x0  }
0xae: {  	[sflag:s6] =	ssyncadd.s32 $0xFFFFC000  }
0xaf: {  	[tilespmem:s10], [sflag:$0x1] =	stream.indirect.gather [hbm4b:s5+s9], $0x80, s15, s9, $0xb8;
	[tilespmem:$0xCA80] =	vst v63  }
0xb0: {  	_ =	swait.ge [sflag:s6], $0x4000  }
0xb1: {  	[sflag:s6] =	ssyncset.done $0x0  }
0xb2: {  	s0 =	rddreg [dreg:$0x15];
	[sflag:s6] =	ssyncadd.s32 $0xFFFFC000  }
0xb3: {  	[hbm4b:s0+s2] =	stream.linear.scatter [tilespmem:s10], [sflag:$0x1], $0x4000, $0x38;
	[tilespmem:$0xCA80] =	vst v63  }
0xb4: {  	_ =	swait.ge [sflag:s7], $0x4000  }
0xb5: {  	[sflag:s7] =	ssyncset.done $0x0  }
0xb6: {  	[sflag:s7] =	ssyncadd.s32 $0xFFFFC000  }
0xb7: {  	[tilespmem:s8], [sflag:$0x2] =	stream.indirect.gather [hbm4b:s5+s9], $0x80, s14, s9, $0xb8;
	[tilespmem:$0xCA80] =	vst v63  }
0xb8: {  	_ =	swait.ge [sflag:s7], $0x4000  }
0xb9: {  	[sflag:s7] =	ssyncset.done $0x0  }
0xba: {  	s0 =	rddreg [dreg:$0x16];
	[sflag:s7] =	ssyncadd.s32 $0xFFFFC000  }
0xbb: {  	[hbm4b:s0+s2] =	stream.linear.scatter [tilespmem:s8], [sflag:$0x2], $0x4000, $0x38;
	[tilespmem:$0xCA80] =	vst v63  }
0xbc: {  	_ =	swait.ge [sflag:s6], $0x4000  }
0xbd: {  	[sflag:s6] =	ssyncset.done $0x0  }
0xbe: {  	[sflag:s6] =	ssyncadd.s32 $0xFFFFC000  }
0xbf: {  	[tilespmem:s10], [sflag:$0x1] =	stream.indirect.gather [hbm4b:s5+s9], $0x80, s13, s9, $0xb8;
	[tilespmem:$0xCA80] =	vst v63  }
0xc0: {  	_ =	swait.ge [sflag:s6], $0x4000  }
0xc1: {  	[sflag:s6] =	ssyncset.done $0x0  }
0xc2: {  	s0 =	rddreg [dreg:$0x17];
	[sflag:s6] =	ssyncadd.s32 $0xFFFFC000  }
0xc3: {  	[hbm4b:s0+s2] =	stream.linear.scatter [tilespmem:s10], [sflag:$0x1], $0x4000, $0x38;
	[tilespmem:$0xCA80] =	vst v63  }
0xc4: {  	_ =	swait.ge [sflag:s7], $0x4000  }
0xc5: {  	[sflag:s7] =	ssyncset.done $0x0  }
0xc6: {  	[sflag:s7] =	ssyncadd.s32 $0xFFFFC000  }
0xc7: {  	[tilespmem:s8], [sflag:$0x2] =	stream.indirect.gather [hbm4b:s5+s9], $0x80, s12, s9, $0xb8;
	[tilespmem:$0xCA80] =	vst v63  }
0xc8: {  	_ =	swait.ge [sflag:s7], $0x4000  }
0xc9: {  	[sflag:s7] =	ssyncset.done $0x0  }
0xca: {  	s0 =	rddreg [dreg:$0x18];
	[sflag:s7] =	ssyncadd.s32 $0xFFFFC000  }
0xcb: {  	[hbm4b:s0+s2] =	stream.linear.scatter [tilespmem:s8], [sflag:$0x2], $0x4000, $0x38;
	[tilespmem:$0xCA80] =	vst v63  }
0xcc: {  	_ =	swait.ge [sflag:s6], $0x4000  }
0xcd: {  	[sflag:s6] =	ssyncset.done $0x0  }
0xce: {  	[sflag:s6] =	ssyncadd.s32 $0xFFFFC000  }
0xcf: {  	_ =	swait.ge [sflag:s7], $0x4000  }
0xd0: {  	[sflag:s7] =	ssyncset.done $0x0  }
0xd1: {  	[sflag:s7] =	ssyncadd.s32 $0xFFFFC000  }
0xd2: {  	p1 =	sne.s32 s1, $0x1;
	_ =	swait.ge [sflag:s11], $0x4000  }
.Ltmp1:
0xd3: {  	[sflag:s11] =	ssyncset.done $0x0;
	(pc) =	sbr.rel @!p1 .LBB2_3-.Ltmp1, $4  }
0xd4: {  	s0 =	rddreg [dreg:$0x19];
	[sflag:s11] =	ssyncadd.s32 $0xFFFFC000  }
0xd5: {  	[hbm4b:s0+s2] =	stream.linear.scatter [tilespmem:s4], [sflag:$0x4], $0x4000, $0x38;
	[tilespmem:$0xCA80] =	vst v63  }
0xd6: {  	s1 =	sadd.s32 $0xFFFFFFFF, s1;
	_ =	swait.ge [sflag:s3], $0x4000  }
0xd7: {  	p0 =	por $0x1, $0x1;
	s0 =	rddreg [dreg:$0x4];
	[sflag:s3] =	ssyncset.done $0x0  }
.LBB2_2:
0xd8: {  	[sflag:s3] =	ssyncadd.s32 $0xFFFFC000  }
0xd9: {  	[tilespmem:s2], [sflag:$0x4] =	stream.linear.gather [hbm4b:s0+s2], $0xA00, $0x38;
	[tilespmem:$0xCA80] =	vst v63  }
0xda: {  	_ =	swait.ge [sflag:s3], $0xA00  }
0xdb: {  	[sflag:s3] =	ssyncset.done $0x0  }
0xdc: {  	s0 =	rddreg [dreg:$0x5];
	[sflag:s3] =	ssyncadd.s32 $0xFFFFF600  }
0xdd: {  	[tilespmem:s31], [sflag:$0x4] =	stream.linear.gather [hbm4b:s0+s2], $0x80, $0x38;
	[tilespmem:$0xCA80] =	vst v63  }
0xde: {  	_ =	swait.ge [sflag:s3], $0x80  }
0xdf: {  	[sflag:s3] =	ssyncset.done $0x0  }
0xe0: {  	s0 =	rddreg [dreg:$0x3];
	[sflag:s3] =	ssyncadd.s32 $0xFFFFFF80  }
0xe1: {  	[tilespmem:s4], [sflag:$0x3] =	stream.indirect.gather [hbm4b:s0+s9], $0x80, s31, s9, $0xb8;
	[tilespmem:$0xCA80] =	vst v63  }
0xe2: {  	_ = 	snop  }
0xe3: {  	[tilespmem:s10], [sflag:$0x1] =	stream.indirect.gather [hbm4b:s5+s9], $0x80, s2, s9, $0xb8;
	[tilespmem:$0xCA80] =	vst v63  }
0xe4: {  	_ =	swait.ge [sflag:s6], $0x4000  }
0xe5: {  	[sflag:s6] =	ssyncset.done $0x0  }
0xe6: {  	[sflag:s6] =	ssyncadd.s32 $0xFFFFC000  }
0xe7: {  	[hbm4b:s23+s2] =	stream.linear.scatter [tilespmem:s10], [sflag:$0x1], $0x4000, $0x38;
	[tilespmem:$0xCA80] =	vst v63  }
0xe8: {  	_ = 	snop  }
0xe9: {  	[tilespmem:s8], [sflag:$0x2] =	stream.indirect.gather [hbm4b:s5+s9], $0x80, s9, s9, $0xb8;
	[tilespmem:$0xCA80] =	vst v63  }
0xea: {  	_ =	swait.ge [sflag:s7], $0x4000  }
0xeb: {  	[sflag:s7] =	ssyncset.done $0x0  }
0xec: {  	s0 =	rddreg [dreg:$0x6];
	[sflag:s7] =	ssyncadd.s32 $0xFFFFC000  }
0xed: {  	[hbm4b:s0+s2] =	stream.linear.scatter [tilespmem:s8], [sflag:$0x2], $0x4000, $0x38;
	[tilespmem:$0xCA80] =	vst v63  }
0xee: {  	_ =	swait.ge [sflag:s6], $0x4000  }
0xef: {  	[sflag:s6] =	ssyncset.done $0x0  }
0xf0: {  	s0 =	rddreg [dreg:$0x1a];
	[sflag:s6] =	ssyncadd.s32 $0xFFFFC000  }
0xf1: {  	[tilespmem:s10], [sflag:$0x1] =	stream.indirect.gather [hbm4b:s5+s9], $0x80, s0, s9, $0xb8;
	[tilespmem:$0xCA80] =	vst v63  }
0xf2: {  	_ =	swait.ge [sflag:s6], $0x4000  }
0xf3: {  	[sflag:s6] =	ssyncset.done $0x0  }
0xf4: {  	s0 =	rddreg [dreg:$0x7];
	[sflag:s6] =	ssyncadd.s32 $0xFFFFC000  }
0xf5: {  	[hbm4b:s0+s2] =	stream.linear.scatter [tilespmem:s10], [sflag:$0x1], $0x4000, $0x38;
	[tilespmem:$0xCA80] =	vst v63  }
0xf6: {  	_ =	swait.ge [sflag:s7], $0x4000  }
0xf7: {  	[sflag:s7] =	ssyncset.done $0x0  }
0xf8: {  	[sflag:s7] =	ssyncadd.s32 $0xFFFFC000  }
0xf9: {  	[tilespmem:s8], [sflag:$0x2] =	stream.indirect.gather [hbm4b:s5+s9], $0x80, s30, s9, $0xb8;
	[tilespmem:$0xCA80] =	vst v63  }
0xfa: {  	_ =	swait.ge [sflag:s7], $0x4000  }
0xfb: {  	[sflag:s7] =	ssyncset.done $0x0  }
0xfc: {  	s0 =	rddreg [dreg:$0x8];
	[sflag:s7] =	ssyncadd.s32 $0xFFFFC000  }
0xfd: {  	[hbm4b:s0+s2] =	stream.linear.scatter [tilespmem:s8], [sflag:$0x2], $0x4000, $0x38;
	[tilespmem:$0xCA80] =	vst v63  }
0xfe: {  	_ =	swait.ge [sflag:s6], $0x4000  }
0xff: {  	[sflag:s6] =	ssyncset.done $0x0  }
0x100: {  	[sflag:s6] =	ssyncadd.s32 $0xFFFFC000  }
0x101: {  	[tilespmem:s10], [sflag:$0x1] =	stream.indirect.gather [hbm4b:s5+s9], $0x80, s29, s9, $0xb8;
	[tilespmem:$0xCA80] =	vst v63  }
0x102: {  	_ =	swait.ge [sflag:s6], $0x4000  }
0x103: {  	[sflag:s6] =	ssyncset.done $0x0  }
0x104: {  	s0 =	rddreg [dreg:$0x9];
	[sflag:s6] =	ssyncadd.s32 $0xFFFFC000  }
0x105: {  	[hbm4b:s0+s2] =	stream.linear.scatter [tilespmem:s10], [sflag:$0x1], $0x4000, $0x38;
	[tilespmem:$0xCA80] =	vst v63  }
0x106: {  	_ =	swait.ge [sflag:s7], $0x4000  }
0x107: {  	[sflag:s7] =	ssyncset.done $0x0  }
0x108: {  	[sflag:s7] =	ssyncadd.s32 $0xFFFFC000  }
0x109: {  	[tilespmem:s8], [sflag:$0x2] =	stream.indirect.gather [hbm4b:s5+s9], $0x80, s28, s9, $0xb8;
	[tilespmem:$0xCA80] =	vst v63  }
0x10a: {  	_ =	swait.ge [sflag:s7], $0x4000  }
0x10b: {  	[sflag:s7] =	ssyncset.done $0x0  }
0x10c: {  	s0 =	rddreg [dreg:$0xa];
	[sflag:s7] =	ssyncadd.s32 $0xFFFFC000  }
0x10d: {  	[hbm4b:s0+s2] =	stream.linear.scatter [tilespmem:s8], [sflag:$0x2], $0x4000, $0x38;
	[tilespmem:$0xCA80] =	vst v63  }
0x10e: {  	_ =	swait.ge [sflag:s6], $0x4000  }
0x10f: {  	[sflag:s6] =	ssyncset.done $0x0  }
0x110: {  	[sflag:s6] =	ssyncadd.s32 $0xFFFFC000  }
0x111: {  	[tilespmem:s10], [sflag:$0x1] =	stream.indirect.gather [hbm4b:s5+s9], $0x80, s26, s9, $0xb8;
	[tilespmem:$0xCA80] =	vst v63  }
0x112: {  	_ =	swait.ge [sflag:s6], $0x4000  }
0x113: {  	[sflag:s6] =	ssyncset.done $0x0  }
0x114: {  	s0 =	rddreg [dreg:$0xb];
	[sflag:s6] =	ssyncadd.s32 $0xFFFFC000  }
0x115: {  	[hbm4b:s0+s2] =	stream.linear.scatter [tilespmem:s10], [sflag:$0x1], $0x4000, $0x38;
	[tilespmem:$0xCA80] =	vst v63  }
0x116: {  	_ =	swait.ge [sflag:s7], $0x4000  }
0x117: {  	[sflag:s7] =	ssyncset.done $0x0  }
0x118: {  	[sflag:s7] =	ssyncadd.s32 $0xFFFFC000  }
0x119: {  	[tilespmem:s8], [sflag:$0x2] =	stream.indirect.gather [hbm4b:s5+s9], $0x80, s25, s9, $0xb8;
	[tilespmem:$0xCA80] =	vst v63  }
0x11a: {  	_ =	swait.ge [sflag:s7], $0x4000  }
0x11b: {  	[sflag:s7] =	ssyncset.done $0x0  }
0x11c: {  	s0 =	rddreg [dreg:$0xc];
	[sflag:s7] =	ssyncadd.s32 $0xFFFFC000  }
0x11d: {  	[hbm4b:s0+s2] =	stream.linear.scatter [tilespmem:s8], [sflag:$0x2], $0x4000, $0x38;
	[tilespmem:$0xCA80] =	vst v63  }
0x11e: {  	_ =	swait.ge [sflag:s6], $0x4000  }
0x11f: {  	[sflag:s6] =	ssyncset.done $0x0  }
0x120: {  	[sflag:s6] =	ssyncadd.s32 $0xFFFFC000  }
0x121: {  	[tilespmem:s10], [sflag:$0x1] =	stream.indirect.gather [hbm4b:s5+s9], $0x80, s24, s9, $0xb8;
	[tilespmem:$0xCA80] =	vst v63  }
0x122: {  	_ =	swait.ge [sflag:s6], $0x4000  }
0x123: {  	[sflag:s6] =	ssyncset.done $0x0  }
0x124: {  	s0 =	rddreg [dreg:$0xd];
	[sflag:s6] =	ssyncadd.s32 $0xFFFFC000  }
0x125: {  	[hbm4b:s0+s2] =	stream.linear.scatter [tilespmem:s10], [sflag:$0x1], $0x4000, $0x38;
	[tilespmem:$0xCA80] =	vst v63  }
0x126: {  	_ =	swait.ge [sflag:s7], $0x4000  }
0x127: {  	[sflag:s7] =	ssyncset.done $0x0  }
0x128: {  	[sflag:s7] =	ssyncadd.s32 $0xFFFFC000  }
0x129: {  	[tilespmem:s8], [sflag:$0x2] =	stream.indirect.gather [hbm4b:s5+s9], $0x80, s22, s9, $0xb8;
	[tilespmem:$0xCA80] =	vst v63  }
0x12a: {  	_ =	swait.ge [sflag:s7], $0x4000  }
0x12b: {  	[sflag:s7] =	ssyncset.done $0x0  }
0x12c: {  	s0 =	rddreg [dreg:$0xe];
	[sflag:s7] =	ssyncadd.s32 $0xFFFFC000  }
0x12d: {  	[hbm4b:s0+s2] =	stream.linear.scatter [tilespmem:s8], [sflag:$0x2], $0x4000, $0x38;
	[tilespmem:$0xCA80] =	vst v63  }
0x12e: {  	_ =	swait.ge [sflag:s6], $0x4000  }
0x12f: {  	[sflag:s6] =	ssyncset.done $0x0  }
0x130: {  	[sflag:s6] =	ssyncadd.s32 $0xFFFFC000  }
0x131: {  	[tilespmem:s10], [sflag:$0x1] =	stream.indirect.gather [hbm4b:s5+s9], $0x80, s21, s9, $0xb8;
	[tilespmem:$0xCA80] =	vst v63  }
0x132: {  	_ =	swait.ge [sflag:s6], $0x4000  }
0x133: {  	[sflag:s6] =	ssyncset.done $0x0  }
0x134: {  	s0 =	rddreg [dreg:$0xf];
	[sflag:s6] =	ssyncadd.s32 $0xFFFFC000  }
0x135: {  	[hbm4b:s0+s2] =	stream.linear.scatter [tilespmem:s10], [sflag:$0x1], $0x4000, $0x38;
	[tilespmem:$0xCA80] =	vst v63  }
0x136: {  	_ =	swait.ge [sflag:s7], $0x4000  }
0x137: {  	[sflag:s7] =	ssyncset.done $0x0  }
0x138: {  	[sflag:s7] =	ssyncadd.s32 $0xFFFFC000  }
0x139: {  	[tilespmem:s8], [sflag:$0x2] =	stream.indirect.gather [hbm4b:s5+s9], $0x80, s20, s9, $0xb8;
	[tilespmem:$0xCA80] =	vst v63  }
0x13a: {  	_ =	swait.ge [sflag:s7], $0x4000  }
0x13b: {  	[sflag:s7] =	ssyncset.done $0x0  }
0x13c: {  	s0 =	rddreg [dreg:$0x10];
	[sflag:s7] =	ssyncadd.s32 $0xFFFFC000  }
0x13d: {  	[hbm4b:s0+s2] =	stream.linear.scatter [tilespmem:s8], [sflag:$0x2], $0x4000, $0x38;
	[tilespmem:$0xCA80] =	vst v63  }
0x13e: {  	_ =	swait.ge [sflag:s6], $0x4000  }
0x13f: {  	[sflag:s6] =	ssyncset.done $0x0  }
0x140: {  	[sflag:s6] =	ssyncadd.s32 $0xFFFFC000  }
0x141: {  	[tilespmem:s10], [sflag:$0x1] =	stream.indirect.gather [hbm4b:s5+s9], $0x80, s19, s9, $0xb8;
	[tilespmem:$0xCA80] =	vst v63  }
0x142: {  	_ =	swait.ge [sflag:s6], $0x4000  }
0x143: {  	[sflag:s6] =	ssyncset.done $0x0  }
0x144: {  	s0 =	rddreg [dreg:$0x11];
	[sflag:s6] =	ssyncadd.s32 $0xFFFFC000  }
0x145: {  	[hbm4b:s0+s2] =	stream.linear.scatter [tilespmem:s10], [sflag:$0x1], $0x4000, $0x38;
	[tilespmem:$0xCA80] =	vst v63  }
0x146: {  	_ =	swait.ge [sflag:s7], $0x4000  }
0x147: {  	[sflag:s7] =	ssyncset.done $0x0  }
0x148: {  	[sflag:s7] =	ssyncadd.s32 $0xFFFFC000  }
0x149: {  	[tilespmem:s8], [sflag:$0x2] =	stream.indirect.gather [hbm4b:s5+s9], $0x80, s18, s9, $0xb8;
	[tilespmem:$0xCA80] =	vst v63  }
0x14a: {  	_ =	swait.ge [sflag:s7], $0x4000  }
0x14b: {  	[sflag:s7] =	ssyncset.done $0x0  }
0x14c: {  	s0 =	rddreg [dreg:$0x12];
	[sflag:s7] =	ssyncadd.s32 $0xFFFFC000  }
0x14d: {  	[hbm4b:s0+s2] =	stream.linear.scatter [tilespmem:s8], [sflag:$0x2], $0x4000, $0x38;
	[tilespmem:$0xCA80] =	vst v63  }
0x14e: {  	_ =	swait.ge [sflag:s6], $0x4000  }
0x14f: {  	[sflag:s6] =	ssyncset.done $0x0  }
0x150: {  	[sflag:s6] =	ssyncadd.s32 $0xFFFFC000  }
0x151: {  	[tilespmem:s10], [sflag:$0x1] =	stream.indirect.gather [hbm4b:s5+s9], $0x80, s17, s9, $0xb8;
	[tilespmem:$0xCA80] =	vst v63  }
0x152: {  	_ =	swait.ge [sflag:s6], $0x4000  }
0x153: {  	[sflag:s6] =	ssyncset.done $0x0  }
0x154: {  	s0 =	rddreg [dreg:$0x13];
	[sflag:s6] =	ssyncadd.s32 $0xFFFFC000  }
0x155: {  	[hbm4b:s0+s2] =	stream.linear.scatter [tilespmem:s10], [sflag:$0x1], $0x4000, $0x38;
	[tilespmem:$0xCA80] =	vst v63  }
0x156: {  	_ =	swait.ge [sflag:s7], $0x4000  }
0x157: {  	[sflag:s7] =	ssyncset.done $0x0  }
0x158: {  	[sflag:s7] =	ssyncadd.s32 $0xFFFFC000  }
0x159: {  	[tilespmem:s8], [sflag:$0x2] =	stream.indirect.gather [hbm4b:s5+s9], $0x80, s16, s9, $0xb8;
	[tilespmem:$0xCA80] =	vst v63  }
0x15a: {  	_ =	swait.ge [sflag:s7], $0x4000  }
0x15b: {  	[sflag:s7] =	ssyncset.done $0x0  }
0x15c: {  	s0 =	rddreg [dreg:$0x14];
	[sflag:s7] =	ssyncadd.s32 $0xFFFFC000  }
0x15d: {  	[hbm4b:s0+s2] =	stream.linear.scatter [tilespmem:s8], [sflag:$0x2], $0x4000, $0x38;
	[tilespmem:$0xCA80] =	vst v63  }
0x15e: {  	_ =	swait.ge [sflag:s6], $0x4000  }
0x15f: {  	[sflag:s6] =	ssyncset.done $0x0  }
0x160: {  	[sflag:s6] =	ssyncadd.s32 $0xFFFFC000  }
0x161: {  	[tilespmem:s10], [sflag:$0x1] =	stream.indirect.gather [hbm4b:s5+s9], $0x80, s15, s9, $0xb8;
	[tilespmem:$0xCA80] =	vst v63  }
0x162: {  	_ =	swait.ge [sflag:s6], $0x4000  }
0x163: {  	[sflag:s6] =	ssyncset.done $0x0  }
0x164: {  	s0 =	rddreg [dreg:$0x15];
	[sflag:s6] =	ssyncadd.s32 $0xFFFFC000  }
0x165: {  	[hbm4b:s0+s2] =	stream.linear.scatter [tilespmem:s10], [sflag:$0x1], $0x4000, $0x38;
	[tilespmem:$0xCA80] =	vst v63  }
0x166: {  	_ =	swait.ge [sflag:s7], $0x4000  }
0x167: {  	[sflag:s7] =	ssyncset.done $0x0  }
0x168: {  	[sflag:s7] =	ssyncadd.s32 $0xFFFFC000  }
0x169: {  	[tilespmem:s8], [sflag:$0x2] =	stream.indirect.gather [hbm4b:s5+s9], $0x80, s14, s9, $0xb8;
	[tilespmem:$0xCA80] =	vst v63  }
0x16a: {  	_ =	swait.ge [sflag:s7], $0x4000  }
0x16b: {  	[sflag:s7] =	ssyncset.done $0x0  }
0x16c: {  	s0 =	rddreg [dreg:$0x16];
	[sflag:s7] =	ssyncadd.s32 $0xFFFFC000  }
0x16d: {  	[hbm4b:s0+s2] =	stream.linear.scatter [tilespmem:s8], [sflag:$0x2], $0x4000, $0x38;
	[tilespmem:$0xCA80] =	vst v63  }
0x16e: {  	_ =	swait.ge [sflag:s6], $0x4000  }
0x16f: {  	[sflag:s6] =	ssyncset.done $0x0  }
0x170: {  	[sflag:s6] =	ssyncadd.s32 $0xFFFFC000  }
0x171: {  	[tilespmem:s10], [sflag:$0x1] =	stream.indirect.gather [hbm4b:s5+s9], $0x80, s13, s9, $0xb8;
	[tilespmem:$0xCA80] =	vst v63  }
0x172: {  	_ =	swait.ge [sflag:s6], $0x4000  }
0x173: {  	[sflag:s6] =	ssyncset.done $0x0  }
0x174: {  	s0 =	rddreg [dreg:$0x17];
	[sflag:s6] =	ssyncadd.s32 $0xFFFFC000  }
0x175: {  	[hbm4b:s0+s2] =	stream.linear.scatter [tilespmem:s10], [sflag:$0x1], $0x4000, $0x38;
	[tilespmem:$0xCA80] =	vst v63  }
0x176: {  	_ =	swait.ge [sflag:s7], $0x4000  }
0x177: {  	[sflag:s7] =	ssyncset.done $0x0  }
0x178: {  	[sflag:s7] =	ssyncadd.s32 $0xFFFFC000  }
0x179: {  	[tilespmem:s8], [sflag:$0x2] =	stream.indirect.gather [hbm4b:s5+s9], $0x80, s12, s9, $0xb8;
	[tilespmem:$0xCA80] =	vst v63  }
0x17a: {  	_ =	swait.ge [sflag:s7], $0x4000  }
0x17b: {  	[sflag:s7] =	ssyncset.done $0x0  }
0x17c: {  	s0 =	rddreg [dreg:$0x18];
	[sflag:s7] =	ssyncadd.s32 $0xFFFFC000  }
0x17d: {  	[hbm4b:s0+s2] =	stream.linear.scatter [tilespmem:s8], [sflag:$0x2], $0x4000, $0x38;
	[tilespmem:$0xCA80] =	vst v63  }
0x17e: {  	_ =	swait.ge [sflag:s6], $0x4000  }
0x17f: {  	[sflag:s6] =	ssyncset.done $0x0  }
0x180: {  	[sflag:s6] =	ssyncadd.s32 $0xFFFFC000  }
0x181: {  	_ =	swait.ge [sflag:s7], $0x4000  }
0x182: {  	[sflag:s7] =	ssyncset.done $0x0  }
0x183: {  	[sflag:s7] =	ssyncadd.s32 $0xFFFFC000  }
0x184: {  	p1 =	sne.s32 s1, $0x1;
	_ =	swait.ge [sflag:s11], $0x4000  }
.Ltmp2:
0x185: {  	[sflag:s11] =	ssyncset.done $0x0;
	(pc) =	sbr.rel @p1 .LBB2_2-.Ltmp2, $4  }
0x186: {  	s0 =	rddreg [dreg:$0x19];
	[sflag:s11] =	ssyncadd.s32 $0xFFFFC000  }
0x187: {  	[hbm4b:s0+s2] =	stream.linear.scatter [tilespmem:s4], [sflag:$0x4], $0x4000, $0x38;
	[tilespmem:$0xCA80] =	vst v63  }
0x188: {  	_ =	swait.ge [sflag:s3], $0x4000  }
0x189: {  	s1 =	sadd.s32 $0xFFFFFFFF, s1;
	s0 =	rddreg [dreg:$0x4];
	[sflag:s3] =	ssyncset.done $0x0  }
.LBB2_3:
0x18a: {  	[sflag:s3] =	ssyncadd.s32 @p0 $0xFFFFC000  }
0x18b: {  	[tilespmem:s2], [sflag:$0x4] =	stream.linear.gather [hbm4b:s0+s2], $0xA00, $0x38;
	[tilespmem:$0xCA80] =	vst v63  }
0x18c: {  	_ =	swait.ge [sflag:s3], $0xA00  }
0x18d: {  	[sflag:s3] =	ssyncset.done $0x0  }
0x18e: {  	s1 =	rddreg [dreg:$0x5];
	[sflag:s3] =	ssyncadd.s32 $0xFFFFF600  }
0x18f: {  	[tilespmem:s31], [sflag:$0x4] =	stream.linear.gather [hbm4b:s1+s2], $0x80, $0x38;
	[tilespmem:$0xCA80] =	vst v63  }
0x190: {  	_ =	swait.ge [sflag:s3], $0x80  }
0x191: {  	[sflag:s3] =	ssyncset.done $0x0  }
0x192: {  	s1 =	rddreg [dreg:$0x3];
	[sflag:s3] =	ssyncadd.s32 $0xFFFFFF80  }
0x193: {  	[tilespmem:s4], [sflag:$0x3] =	stream.indirect.gather [hbm4b:s1+s9], $0x80, s31, s9, $0xb8;
	[tilespmem:$0xCA80] =	vst v63  }
0x194: {  	_ = 	snop  }
0x195: {  	[tilespmem:s10], [sflag:$0x1] =	stream.indirect.gather [hbm4b:s5+s9], $0x80, s2, s9, $0xb8;
	[tilespmem:$0xCA80] =	vst v63  }
0x196: {  	_ =	swait.ge [sflag:s6], $0x4000  }
0x197: {  	[sflag:s6] =	ssyncset.done $0x0  }
0x198: {  	[sflag:s6] =	ssyncadd.s32 $0xFFFFC000  }
0x199: {  	[hbm4b:s23+s2] =	stream.linear.scatter [tilespmem:s10], [sflag:$0x1], $0x4000, $0x38;
	[tilespmem:$0xCA80] =	vst v63  }
0x19a: {  	_ = 	snop  }
0x19b: {  	[tilespmem:s8], [sflag:$0x2] =	stream.indirect.gather [hbm4b:s5+s9], $0x80, s9, s9, $0xb8;
	[tilespmem:$0xCA80] =	vst v63  }
0x19c: {  	_ =	swait.ge [sflag:s7], $0x4000  }
0x19d: {  	[sflag:s7] =	ssyncset.done $0x0  }
0x19e: {  	s31 =	rddreg [dreg:$0x6];
	[sflag:s7] =	ssyncadd.s32 $0xFFFFC000  }
0x19f: {  	[hbm4b:s31+s2] =	stream.linear.scatter [tilespmem:s8], [sflag:$0x2], $0x4000, $0x38;
	[tilespmem:$0xCA80] =	vst v63  }
0x1a0: {  	_ =	swait.ge [sflag:s6], $0x4000  }
0x1a1: {  	[sflag:s6] =	ssyncset.done $0x0  }
0x1a2: {  	s1 =	rddreg [dreg:$0x1a];
	[sflag:s6] =	ssyncadd.s32 $0xFFFFC000  }
0x1a3: {  	[tilespmem:s10], [sflag:$0x1] =	stream.indirect.gather [hbm4b:s5+s9], $0x80, s1, s9, $0xb8;
	[tilespmem:$0xCA80] =	vst v63  }
0x1a4: {  	_ =	swait.ge [sflag:s6], $0x4000  }
0x1a5: {  	[sflag:s6] =	ssyncset.done $0x0  }
0x1a6: {  	s23 =	rddreg [dreg:$0x7];
	[sflag:s6] =	ssyncadd.s32 $0xFFFFC000  }
0x1a7: {  	[hbm4b:s23+s2] =	stream.linear.scatter [tilespmem:s10], [sflag:$0x1], $0x4000, $0x38;
	[tilespmem:$0xCA80] =	vst v63  }
0x1a8: {  	_ =	swait.ge [sflag:s7], $0x4000  }
0x1a9: {  	[sflag:s7] =	ssyncset.done $0x0  }
0x1aa: {  	[sflag:s7] =	ssyncadd.s32 $0xFFFFC000  }
0x1ab: {  	[tilespmem:s8], [sflag:$0x2] =	stream.indirect.gather [hbm4b:s5+s9], $0x80, s30, s9, $0xb8;
	[tilespmem:$0xCA80] =	vst v63  }
0x1ac: {  	_ =	swait.ge [sflag:s7], $0x4000  }
0x1ad: {  	[sflag:s7] =	ssyncset.done $0x0  }
0x1ae: {  	s31 =	rddreg [dreg:$0x8];
	[sflag:s7] =	ssyncadd.s32 $0xFFFFC000  }
0x1af: {  	[hbm4b:s31+s2] =	stream.linear.scatter [tilespmem:s8], [sflag:$0x2], $0x4000, $0x38;
	[tilespmem:$0xCA80] =	vst v63  }
0x1b0: {  	_ =	swait.ge [sflag:s6], $0x4000  }
0x1b1: {  	[sflag:s6] =	ssyncset.done $0x0  }
0x1b2: {  	[sflag:s6] =	ssyncadd.s32 $0xFFFFC000  }
0x1b3: {  	[tilespmem:s10], [sflag:$0x1] =	stream.indirect.gather [hbm4b:s5+s9], $0x80, s29, s9, $0xb8;
	[tilespmem:$0xCA80] =	vst v63  }
0x1b4: {  	_ =	swait.ge [sflag:s6], $0x4000  }
0x1b5: {  	[sflag:s6] =	ssyncset.done $0x0  }
0x1b6: {  	s1 =	rddreg [dreg:$0x9];
	[sflag:s6] =	ssyncadd.s32 $0xFFFFC000  }
0x1b7: {  	[hbm4b:s1+s2] =	stream.linear.scatter [tilespmem:s10], [sflag:$0x1], $0x4000, $0x38;
	[tilespmem:$0xCA80] =	vst v63  }
0x1b8: {  	_ =	swait.ge [sflag:s7], $0x4000  }
0x1b9: {  	[sflag:s7] =	ssyncset.done $0x0  }
0x1ba: {  	[sflag:s7] =	ssyncadd.s32 $0xFFFFC000  }
0x1bb: {  	[tilespmem:s8], [sflag:$0x2] =	stream.indirect.gather [hbm4b:s5+s9], $0x80, s28, s9, $0xb8;
	[tilespmem:$0xCA80] =	vst v63  }
0x1bc: {  	_ =	swait.ge [sflag:s7], $0x4000  }
0x1bd: {  	[sflag:s7] =	ssyncset.done $0x0  }
0x1be: {  	s23 =	rddreg [dreg:$0xa];
	[sflag:s7] =	ssyncadd.s32 $0xFFFFC000  }
0x1bf: {  	[hbm4b:s23+s2] =	stream.linear.scatter [tilespmem:s8], [sflag:$0x2], $0x4000, $0x38;
	[tilespmem:$0xCA80] =	vst v63  }
0x1c0: {  	_ =	swait.ge [sflag:s6], $0x4000  }
0x1c1: {  	[sflag:s6] =	ssyncset.done $0x0  }
0x1c2: {  	[sflag:s6] =	ssyncadd.s32 $0xFFFFC000  }
0x1c3: {  	[tilespmem:s10], [sflag:$0x1] =	stream.indirect.gather [hbm4b:s5+s9], $0x80, s26, s9, $0xb8;
	[tilespmem:$0xCA80] =	vst v63  }
0x1c4: {  	_ =	swait.ge [sflag:s6], $0x4000  }
0x1c5: {  	[sflag:s6] =	ssyncset.done $0x0  }
0x1c6: {  	s28 =	rddreg [dreg:$0xb];
	[sflag:s6] =	ssyncadd.s32 $0xFFFFC000  }
0x1c7: {  	[hbm4b:s28+s2] =	stream.linear.scatter [tilespmem:s10], [sflag:$0x1], $0x4000, $0x38;
	[tilespmem:$0xCA80] =	vst v63  }
0x1c8: {  	_ =	swait.ge [sflag:s7], $0x4000  }
0x1c9: {  	[sflag:s7] =	ssyncset.done $0x0  }
0x1ca: {  	[sflag:s7] =	ssyncadd.s32 $0xFFFFC000  }
0x1cb: {  	[tilespmem:s8], [sflag:$0x2] =	stream.indirect.gather [hbm4b:s5+s9], $0x80, s25, s9, $0xb8;
	[tilespmem:$0xCA80] =	vst v63  }
0x1cc: {  	_ =	swait.ge [sflag:s7], $0x4000  }
0x1cd: {  	[sflag:s7] =	ssyncset.done $0x0  }
0x1ce: {  	s29 =	rddreg [dreg:$0xc];
	[sflag:s7] =	ssyncadd.s32 $0xFFFFC000  }
0x1cf: {  	[hbm4b:s29+s2] =	stream.linear.scatter [tilespmem:s8], [sflag:$0x2], $0x4000, $0x38;
	[tilespmem:$0xCA80] =	vst v63  }
0x1d0: {  	_ =	swait.ge [sflag:s6], $0x4000  }
0x1d1: {  	[sflag:s6] =	ssyncset.done $0x0  }
0x1d2: {  	[sflag:s6] =	ssyncadd.s32 $0xFFFFC000  }
0x1d3: {  	[tilespmem:s10], [sflag:$0x1] =	stream.indirect.gather [hbm4b:s5+s9], $0x80, s24, s9, $0xb8;
	[tilespmem:$0xCA80] =	vst v63  }
0x1d4: {  	_ =	swait.ge [sflag:s6], $0x4000  }
0x1d5: {  	[sflag:s6] =	ssyncset.done $0x0  }
0x1d6: {  	s30 =	rddreg [dreg:$0xd];
	[sflag:s6] =	ssyncadd.s32 $0xFFFFC000  }
0x1d7: {  	[hbm4b:s30+s2] =	stream.linear.scatter [tilespmem:s10], [sflag:$0x1], $0x4000, $0x38;
	[tilespmem:$0xCA80] =	vst v63  }
0x1d8: {  	_ =	swait.ge [sflag:s7], $0x4000  }
0x1d9: {  	[sflag:s7] =	ssyncset.done $0x0  }
0x1da: {  	[sflag:s7] =	ssyncadd.s32 $0xFFFFC000  }
0x1db: {  	[tilespmem:s8], [sflag:$0x2] =	stream.indirect.gather [hbm4b:s5+s9], $0x80, s22, s9, $0xb8;
	[tilespmem:$0xCA80] =	vst v63  }
0x1dc: {  	_ =	swait.ge [sflag:s7], $0x4000  }
0x1dd: {  	[sflag:s7] =	ssyncset.done $0x0  }
0x1de: {  	s31 =	rddreg [dreg:$0xe];
	[sflag:s7] =	ssyncadd.s32 $0xFFFFC000  }
0x1df: {  	[hbm4b:s31+s2] =	stream.linear.scatter [tilespmem:s8], [sflag:$0x2], $0x4000, $0x38;
	[tilespmem:$0xCA80] =	vst v63  }
0x1e0: {  	_ =	swait.ge [sflag:s6], $0x4000  }
0x1e1: {  	[sflag:s6] =	ssyncset.done $0x0  }
0x1e2: {  	[sflag:s6] =	ssyncadd.s32 $0xFFFFC000  }
0x1e3: {  	[tilespmem:s10], [sflag:$0x1] =	stream.indirect.gather [hbm4b:s5+s9], $0x80, s21, s9, $0xb8;
	[tilespmem:$0xCA80] =	vst v63  }
0x1e4: {  	_ =	swait.ge [sflag:s6], $0x4000  }
0x1e5: {  	[sflag:s6] =	ssyncset.done $0x0  }
0x1e6: {  	s1 =	rddreg [dreg:$0xf];
	[sflag:s6] =	ssyncadd.s32 $0xFFFFC000  }
0x1e7: {  	[hbm4b:s1+s2] =	stream.linear.scatter [tilespmem:s10], [sflag:$0x1], $0x4000, $0x38;
	[tilespmem:$0xCA80] =	vst v63  }
0x1e8: {  	_ =	swait.ge [sflag:s7], $0x4000  }
0x1e9: {  	[sflag:s7] =	ssyncset.done $0x0  }
0x1ea: {  	[sflag:s7] =	ssyncadd.s32 $0xFFFFC000  }
0x1eb: {  	[tilespmem:s8], [sflag:$0x2] =	stream.indirect.gather [hbm4b:s5+s9], $0x80, s20, s9, $0xb8;
	[tilespmem:$0xCA80] =	vst v63  }
0x1ec: {  	_ =	swait.ge [sflag:s7], $0x4000  }
0x1ed: {  	[sflag:s7] =	ssyncset.done $0x0  }
0x1ee: {  	s20 =	rddreg [dreg:$0x10];
	[sflag:s7] =	ssyncadd.s32 $0xFFFFC000  }
0x1ef: {  	[hbm4b:s20+s2] =	stream.linear.scatter [tilespmem:s8], [sflag:$0x2], $0x4000, $0x38;
	[tilespmem:$0xCA80] =	vst v63  }
0x1f0: {  	_ =	swait.ge [sflag:s6], $0x4000  }
0x1f1: {  	[sflag:s6] =	ssyncset.done $0x0  }
0x1f2: {  	[sflag:s6] =	ssyncadd.s32 $0xFFFFC000  }
0x1f3: {  	[tilespmem:s10], [sflag:$0x1] =	stream.indirect.gather [hbm4b:s5+s9], $0x80, s19, s9, $0xb8;
	[tilespmem:$0xCA80] =	vst v63  }
0x1f4: {  	_ =	swait.ge [sflag:s6], $0x4000  }
0x1f5: {  	[sflag:s6] =	ssyncset.done $0x0  }
0x1f6: {  	s21 =	rddreg [dreg:$0x11];
	[sflag:s6] =	ssyncadd.s32 $0xFFFFC000  }
0x1f7: {  	[hbm4b:s21+s2] =	stream.linear.scatter [tilespmem:s10], [sflag:$0x1], $0x4000, $0x38;
	[tilespmem:$0xCA80] =	vst v63  }
0x1f8: {  	_ =	swait.ge [sflag:s7], $0x4000  }
0x1f9: {  	[sflag:s7] =	ssyncset.done $0x0  }
0x1fa: {  	[sflag:s7] =	ssyncadd.s32 $0xFFFFC000  }
0x1fb: {  	[tilespmem:s8], [sflag:$0x2] =	stream.indirect.gather [hbm4b:s5+s9], $0x80, s18, s9, $0xb8;
	[tilespmem:$0xCA80] =	vst v63  }
0x1fc: {  	_ =	swait.ge [sflag:s7], $0x4000  }
0x1fd: {  	[sflag:s7] =	ssyncset.done $0x0  }
0x1fe: {  	s22 =	rddreg [dreg:$0x12];
	[sflag:s7] =	ssyncadd.s32 $0xFFFFC000  }
0x1ff: {  	[hbm4b:s22+s2] =	stream.linear.scatter [tilespmem:s8], [sflag:$0x2], $0x4000, $0x38;
	[tilespmem:$0xCA80] =	vst v63  }
0x200: {  	_ =	swait.ge [sflag:s6], $0x4000  }
0x201: {  	[sflag:s6] =	ssyncset.done $0x0  }
0x202: {  	[sflag:s6] =	ssyncadd.s32 $0xFFFFC000  }
0x203: {  	[tilespmem:s10], [sflag:$0x1] =	stream.indirect.gather [hbm4b:s5+s9], $0x80, s17, s9, $0xb8;
	[tilespmem:$0xCA80] =	vst v63  }
0x204: {  	_ =	swait.ge [sflag:s6], $0x4000  }
0x205: {  	[sflag:s6] =	ssyncset.done $0x0  }
0x206: {  	s23 =	rddreg [dreg:$0x13];
	[sflag:s6] =	ssyncadd.s32 $0xFFFFC000  }
0x207: {  	[hbm4b:s23+s2] =	stream.linear.scatter [tilespmem:s10], [sflag:$0x1], $0x4000, $0x38;
	[tilespmem:$0xCA80] =	vst v63  }
0x208: {  	_ =	swait.ge [sflag:s7], $0x4000  }
0x209: {  	[sflag:s7] =	ssyncset.done $0x0  }
0x20a: {  	[sflag:s7] =	ssyncadd.s32 $0xFFFFC000  }
0x20b: {  	[tilespmem:s8], [sflag:$0x2] =	stream.indirect.gather [hbm4b:s5+s9], $0x80, s16, s9, $0xb8;
	[tilespmem:$0xCA80] =	vst v63  }
0x20c: {  	_ =	swait.ge [sflag:s7], $0x4000  }
0x20d: {  	[sflag:s7] =	ssyncset.done $0x0  }
0x20e: {  	s24 =	rddreg [dreg:$0x14];
	[sflag:s7] =	ssyncadd.s32 $0xFFFFC000  }
0x20f: {  	[hbm4b:s24+s2] =	stream.linear.scatter [tilespmem:s8], [sflag:$0x2], $0x4000, $0x38;
	[tilespmem:$0xCA80] =	vst v63  }
0x210: {  	_ =	swait.ge [sflag:s6], $0x4000  }
0x211: {  	[sflag:s6] =	ssyncset.done $0x0  }
0x212: {  	[sflag:s6] =	ssyncadd.s32 $0xFFFFC000  }
0x213: {  	[tilespmem:s10], [sflag:$0x1] =	stream.indirect.gather [hbm4b:s5+s9], $0x80, s15, s9, $0xb8;
	[tilespmem:$0xCA80] =	vst v63  }
0x214: {  	_ =	swait.ge [sflag:s6], $0x4000  }
0x215: {  	[sflag:s6] =	ssyncset.done $0x0  }
0x216: {  	s25 =	rddreg [dreg:$0x15];
	[sflag:s6] =	ssyncadd.s32 $0xFFFFC000  }
0x217: {  	[hbm4b:s25+s2] =	stream.linear.scatter [tilespmem:s10], [sflag:$0x1], $0x4000, $0x38;
	[tilespmem:$0xCA80] =	vst v63  }
0x218: {  	_ =	swait.ge [sflag:s7], $0x4000  }
0x219: {  	[sflag:s7] =	ssyncset.done $0x0  }
0x21a: {  	[sflag:s7] =	ssyncadd.s32 $0xFFFFC000  }
0x21b: {  	[tilespmem:s8], [sflag:$0x2] =	stream.indirect.gather [hbm4b:s5+s9], $0x80, s14, s9, $0xb8;
	[tilespmem:$0xCA80] =	vst v63  }
0x21c: {  	_ =	swait.ge [sflag:s7], $0x4000  }
0x21d: {  	[sflag:s7] =	ssyncset.done $0x0  }
0x21e: {  	s26 =	rddreg [dreg:$0x16];
	[sflag:s7] =	ssyncadd.s32 $0xFFFFC000  }
0x21f: {  	[hbm4b:s26+s2] =	stream.linear.scatter [tilespmem:s8], [sflag:$0x2], $0x4000, $0x38;
	[tilespmem:$0xCA80] =	vst v63  }
0x220: {  	_ =	swait.ge [sflag:s6], $0x4000  }
0x221: {  	[sflag:s6] =	ssyncset.done $0x0  }
0x222: {  	[sflag:s6] =	ssyncadd.s32 $0xFFFFC000  }
0x223: {  	[tilespmem:s10], [sflag:$0x1] =	stream.indirect.gather [hbm4b:s5+s9], $0x80, s13, s9, $0xb8;
	[tilespmem:$0xCA80] =	vst v63  }
0x224: {  	_ =	swait.ge [sflag:s6], $0x4000  }
0x225: {  	[sflag:s6] =	ssyncset.done $0x0  }
0x226: {  	s28 =	rddreg [dreg:$0x17];
	[sflag:s6] =	ssyncadd.s32 $0xFFFFC000  }
0x227: {  	[hbm4b:s28+s2] =	stream.linear.scatter [tilespmem:s10], [sflag:$0x1], $0x4000, $0x38;
	[tilespmem:$0xCA80] =	vst v63  }
0x228: {  	_ =	swait.ge [sflag:s7], $0x4000  }
0x229: {  	[sflag:s7] =	ssyncset.done $0x0  }
0x22a: {  	[sflag:s7] =	ssyncadd.s32 $0xFFFFC000  }
0x22b: {  	[tilespmem:s8], [sflag:$0x2] =	stream.indirect.gather [hbm4b:s5+s9], $0x80, s12, s9, $0xb8;
	[tilespmem:$0xCA80] =	vst v63  }
0x22c: {  	_ =	swait.ge [sflag:s7], $0x4000  }
0x22d: {  	[sflag:s7] =	ssyncset.done $0x0  }
0x22e: {  	s29 =	rddreg [dreg:$0x18];
	[sflag:s7] =	ssyncadd.s32 $0xFFFFC000  }
0x22f: {  	[hbm4b:s29+s2] =	stream.linear.scatter [tilespmem:s8], [sflag:$0x2], $0x4000, $0x38;
	[tilespmem:$0xCA80] =	vst v63  }
0x230: {  	_ =	swait.ge [sflag:s6], $0x4000  }
0x231: {  	[sflag:s6] =	ssyncset.done $0x0  }
0x232: {  	[sflag:s6] =	ssyncadd.s32 $0xFFFFC000  }
0x233: {  	_ =	swait.ge [sflag:s7], $0x4000  }
0x234: {  	[sflag:s7] =	ssyncset.done $0x0  }
0x235: {  	[sflag:s7] =	ssyncadd.s32 $0xFFFFC000  }
0x236: {  	_ =	swait.ge [sflag:s11], $0x4000  }
0x237: {  	[sflag:s11] =	ssyncset.done $0x0  }
0x238: {  	s30 =	rddreg [dreg:$0x19];
	[sflag:s11] =	ssyncadd.s32 $0xFFFFC000  }
0x239: {  	[hbm4b:s30+s2] =	stream.linear.scatter [tilespmem:s4], [sflag:$0x4], $0x4000, $0x38;
	[tilespmem:$0xCA80] =	vst v63  }
0x23a: {  	_ =	swait.ge [sflag:s3], $0x4000  }
0x23b: {  	[sflag:s3] =	ssyncset.done $0x0  }
0x23c: {  	[sflag:s3] =	ssyncadd.s32 $0xFFFFC000  }
0x23d: {  	_ =	sfence.sel $0x180000  }
0x23e: {  	[bflag:$0x0] =	sbarrier.arrive $0xFFFF  }
0x23f: {  	_ =	strace $0x9000004A  }
0x240: {  	s31 =	stileid.u32;
	[bflag:$0x2] =	sbarrier.arrive $0xFFFF  }
0x241: {  	p0 =	sne.s32 s31, $0x0;
	s0 =	rddreg [dreg:$0x2]  }
0x242: {  	s0 =	sadd.s32 @!p0 $0x100000, s0  }
0x243: {  	[sflag:s0] =	ssyncadd.tile.s32 @!p0 $0x1;
	_ =	shalt  }
.Lfunc_end2:
_tile_overlayer_lowered:
.L_overlay_start_2:
0x244: {  	(tag) =	ssettag $0x2  }
0x245: {  	s0 =	rddreg [dreg:$0x0];
	s2 =	stileid.u32  }
0x246: {  	s1 =	rddreg [dreg:$0x1];
	p0 =	sne.s32 s2, $0x0  }
0x247: {  	s3 =	rddreg [dreg:$0x2];
	[bflag:$0x3] =	sbarrier.arrive $0xFFFF;
	s2 =	simm.s32 @!p0 $0x1C04  }
0x248: {  	[timem:s3], [sflag:s2] =	dma.local @!p0 [hbm:s0], s1  }
0x249: {  	s0 =	simm.s32 @!p0 $0x4  }
0x24a: {  	_ =	swait.ge @!p0 [sflag:s0], s1  }
0x24b: {  	s1 =	ssub.s32 @!p0 $0x0, s1;
	[sflag:s0] =	ssyncset.done @!p0 $0x0  }
0x24c: {  	[sflag:s0] =	ssyncadd.s32 @!p0 s1  }
0x24d: {  	[bflag:$0x3] =	sbarrier.arrive $0xFFFF  }
0x24e: {  	_ =	shalt  }

// kernel: sparse-core-data-format-call.cloned.1.call-start
scs
called_computation_lowered:
.L_overlay_start_0:
0x0: {  	s2 =	sld [smem:$0x3FD9]  }
0x1: {  	s3 =	sld [smem:$0x3FFE];
	_ =	sdelay $0x1  }
0x2: {  	s1 =	srdreg.scid  }
0x3: {  	s0 =	sand.u32 $0x1, s1  }
0x4: {  	s18 =	sshll.u32 s0, $0xA;
	s2 =	sadd.s32 s3, s2  }
0x5: {  	s2 =	sadd.s32 s2, s18  }
0x6: {  	[smem:$0x3FC3] =	sst s2  }
0x7: {  	_ = 	snop  }
0x8: {  	s2 =	sld [smem:$0x3FC6];
	(tm) =	ssettm $0x1  }
0x9: {  	s19 =	sld [smem:$0x3FFB];
	_ =	sdelay $0x3  }
0xa: {  	_ =	strace s19  }
0xb: {  	s3 =	sld [smem:$0x3FFC];
	_ =	sdelay $0x3  }
0xc: {  	_ =	strace s3  }
0xd: {  	s3 =	sld [smem:$0x3FFD];
	_ =	sdelay $0x3  }
0xe: {  	_ =	strace s3  }
0xf: {  	_ =	strace $0x8FFFFFFF  }
0x10: {  	s20 =	sld [smem:$0x3FDB];
	_ =	sdelay $0x1  }
0x11: {  	s4 =	simm.s32 $_scs_section_size  }
0x12: {  	s5 =	simm.s32 $_size__tile_overlayer_lowered;
	s6 =	simm.s32 $_tile_overlayer_lowered  }
0x13: {  	s23 =	simm.s32 $0x1BFF;
	s22 =	sshll.u32 s6, $0x1;
	s3 =	sadd.s32 s4, s20  }
0x14: {  	s7 =	simm.s32 $0x0;
	s21 =	sshll.u32 s5, $0x1;
	s5 =	sadd.s32 s22, s3  }
0x15: {  	[timem:s7], [sflag:s23] =	dma.local [hbm:s5], s21  }
0x16: {  	_ =	swait.ge [sflag:s23], s21  }
0x17: {  	s4 =	ssub.s32 $0x0, s21;
	[sflag:s23] =	ssyncset.done $0x0  }
0x18: {  	[sflag:s23] =	ssyncadd.s32 s4;
	_ =	sdelay $0x1  }
0x19: {  	s24 =	simm.s32 $0x1B8B  }
0x1a: {  	_ =	swait.ge [sflag:s24], $0x1  }
0x1b: {  	[sflag:s24] =	ssyncset.done $0x0  }
0x1c: {  	s26 =	simm.s32 $0x1B8E;
	s25 =	sld [smem:$0x3FFE];
	[sflag:s24] =	ssyncadd.s32 $0xFFFFFFFF  }
0x1d: {  	s27 =	simm.s32 $execute0_lowered;
	[smem:$0x3FD2] =	sst s26  }
0x1e: {  	s5 =	sshll.u32 s27, $0x1;
	_ =	strace $0x80000046;
	[dreg:$0x1] =	wrdreg $0xFFFFFFFF  }
0x1f: {  	s28 =	simm.s32 $_size_execute0_lowered;
	s3 =	sadd.s32 s3, s5;
	[dreg:$0x0] =	wrdreg $0x0  }
0x20: {  	s5 =	sshll.u32 s28, $0x1;
	[dreg:$0x2] =	wrdreg s3  }
0x21: {  	[dreg:$0x3] =	wrdreg s5  }
0x22: {  	[dreg:$0x4] =	wrdreg $0xC0  }
0x23: {  	_ =	task [dreg:s7], $0x5FFFF  }
0x24: {  	[dreg:$0x1] =	wrdreg $0xFFFFFFFF  }
0x25: {  	[dreg:$0x0] =	wrdreg $0x60  }
0x26: {  	[dreg:$0x2] =	wrdreg s2  }
0x27: {  	[dreg:$0x3] =	wrdreg s25  }
0x28: {  	[dreg:$0x4] =	wrdreg $0x9  }
0x29: {  	_ =	task.clear_ibuf [dreg:s7], $0x5FFFF;
	_ =	strace $0x90000046  }
0x2a: {  	s29 =	simm.s32 $0x9;
	_ =	strace $0x80000048  }
0x2b: {  	_ =	swait.ge [sflag:s29], $0x1  }
0x2c: {  	[sflag:s29] =	ssyncadd.s32 $0xFFFFFFFF  }
0x2d: {  	_ =	strace $0x90000048  }
0x2e: {  	_ =	sfence  }
0x2f: {  	s30 =	sld [smem:$0x0];
	_ =	sdelay $0x2  }
0x30: {  	s31 =	sshll.u32 s1, $0xD;
	s1 =	sshrl.u32 s1, $0x2  }
0x31: {  	s3 =	sand.u32 $0x4000, s31;
	s1 =	sadd.s32 s1, s30  }
0x32: {  	s0 =	sor.u32 s3, s0;
	s1 =	sshll.u32 s1, $0x11  }
0x33: {  	s0 =	sor.u32 s1, s0  }
0x34: {  	s0 =	sadd.s32 $0x8F2B, s0  }
0x35: {  	[sflag:s0] =	ssyncadd.remote.s32 $0x1  }
0x36: {  	_ =	sfence.sel $0xFFFF  }
0x37: {  	[dreg:$0x0] =	wrdreg $0xFFFFFFFF;
	(pc) =	sbr.abs _section_cstart, $3  }
0x38: {  	[dreg:$0x1] =	wrdreg $0xFFFFFFFF  }
0x39: {  	_ =	task.clear_ibuf [dreg:s7], $0x2FFFF;
	_ =	strace $0x9FFFFFFF  }
0x3a: {  	(tm) =	ssettm $0x7FFFFFFF  }
0x3b: {  	_ =	shalt  }
tec
execute0_lowered:
.L_overlay_start_1:
0x0: {  	(tag) =	ssettag $0x1  }
0x1: {  	s0 =	srdreg.scid;
	s2 =	rddreg [dreg:$0x0]  }
0x2: {  	s5 =	rddreg [dreg:$0x1];
	s1 =	stileid.u32  }
0x3: {  	s4 =	simm.s32 $0x1;
	s6 =	simm.s32 $0x2;
	s15 =	simm.s32 $0x0  }
0x4: {  	p0 =	por $0x0, $0x0;
	s8 =	simm.s32 $0x80;
	s0 =	sshll.u32 s0, $0x4  }
0x5: {  	s14 =	simm.s32 $0x0;
	s9 =	simm.s32 $0x0;
	s3 =	sand.u32 $0x10, s0  }
.Ltmp0:
0x6: {  	s10 =	simm.s32 $0x0;
	s3 =	sor.u32 s1, s3;
	(pc) =	sbr.rel .LBB1_1-.Ltmp0, $4  }
0x7: {  	s0 =	rddreg [dreg:$0x2];
	_ =	strace $0x80000047;
	s3 =	sshll.u32 s3, $0x7  }
0x8: {  	s12 =	simm.s32 $0x0;
	[sflag:s4] =	ssyncpa.u1 $0x0;
	s7 =	ssub.s32 $0xF4200, s3  }
0x9: {  	s13 =	simm.s32 $0x0;
	[sflag:s6] =	ssyncpa.u1 $0x0;
	s6 =	sshrl.u32 s7, $0xC  }
0xa: {  	s5 =	sadd.s32 $0x1800, s5;
	s11 =	smov.u32 s3;
	s7 =	sadd.s32 $0x2, s6  }
.LBB1_5:
0xb: {  	p1 =	slt.u32 s13, $0x2  }
0xc: {  	s17 =	smov.u32 s15;
	p2 =	sgt.s32 @!p1 s15, $0xF41C0;
	s16 =	sshra.s32 @!p1 s15, $0x1F  }
0xd: {  	p3 =	sgt.s32 @!p1 s14, $0x60;
	s18 =	sshra.s32 @!p1 s14, $0x1F;
	p2 =	por !p2, p1  }
0xe: {  	s15 =	sand.u32 @!p1 s16, s15;
	p3 =	por !p3, p1;
	s16 =	smov.u32 s14  }
0xf: {  	s14 =	sand.u32 @!p1 s18, s14;
	s17 =	simm.s32 @p2 $0xF41C0;
	s16 =	simm.s32 @p3 $0x60  }
0x10: {  	s15 =	ssub.s32 @!p1 s17, s15;
	s14 =	ssub.s32 @!p1 s16, s14  }
0x11: {  	s18 =	smov.u32 s12;
	s16 =	sadd.s32 @!p1 $0xFFF0BE40, s15;
	s17 =	sadd.s32 @!p1 $0xFFFFFFA0, s14  }
0x12: {  	s15 =	ssub.s32 @!p1 $0xF4240, s15;
	p2 =	sgt.s32 @!p1 s16, $0x7F;
	p3 =	sgt.s32 @!p1 s17, $0x1F  }
0x13: {  	s14 =	ssub.s32 @!p1 $0x80, s14;
	p2 =	por !p2, p1;
	p3 =	por !p3, p1  }
0x14: {  	s16 =	sadd.s32 $0x1000, s11;
	s15 =	simm.s32 @!p2 $0x0;
	s14 =	simm.s32 @!p3 $0x0  }
0x15: {  	p2 =	sgt.s32 s16, $0xF423F;
	s14 =	smul.u32 @!p1 s14, s15;
	s15 =	sadd.s32 $0x20, s12  }
0x16: {  	s18 =	smov.u32 @p2 s15  }
0x17: {  	s16 =	smov.u32 @p2 s3;
	p2 =	sgt.s32 s18, $0x1F  }
0x18: {  	s18 =	simm.s32 @p2 $0x0;
	p2 =	sne.s32 s13, s7  }
.Ltmp1:
0x19: {  	p0 =	por !p0, !p0;
	s17 =	simm.s32 @!p1 $0x2;
	(pc) =	sbr.rel @!p2 .LBB1_6-.Ltmp1, $4  }
0x1a: {  	s15 =	smov.u32 s9;
	s9 =	smov.u32 s11;
	s14 =	sand.u32 @!p1 $0x3FFFFFFF, s14  }
0x1b: {  	s11 =	smov.u32 s16;
	_ =	swait.ge @!p1 [sflag:s17], s14;
	s19 =	ssub.s32 @!p1 $0x0, s14  }
0x1c: {  	s14 =	smov.u32 s10;
	s13 =	sadd.s32 $0x1, s13;
	[sflag:s17] =	ssyncset.done @!p1 $0x0  }
0x1d: {  	s10 =	smov.u32 s12;
	s12 =	smov.u32 s18;
	[sflag:s17] =	ssyncadd.s32 @!p1 s19  }
.LBB1_1:
0x1e: {  	p1 =	sgt.u32 s13, s6  }
0x1f: {  	s16 =	sshrl.u32 @!p1 s12, $0x3  }
0x20: {  	s17 =	sshll.u32 @!p1 s11, $0x3;
	s16 =	smul.u32 @!p1 $0x7A1400, s16  }
0x21: {  	s18 =	sshll.u32 @!p1 s12, $0x7;
	s17 =	sand.u32 @!p1 $0xFFFFFC00, s17  }
0x22: {  	s16 =	sadd.s32 @!p1 s16, s17;
	s17 =	sand.u32 @!p1 $0x380, s18  }
0x23: {  	s18 =	sand.u32 @!p1 $0x7F, s11;
	s16 =	sor.u32 @!p1 s17, s16  }
0x24: {  	s17 =	sor.u32 @!p1 s18, s16  }
0x25: {  	s18 =	smulhi.u32 @!p1 $0x218D6287, s17;
	_ =	sdelay $0x1  }
0x26: {  	s16 =	smulhi.u32 @!p1 $0x218D6287, s16;
	s18 =	sshrl.u32 @!p1 s18, $0x11  }
0x27: {  	s18 =	smul.u32 @!p1 $0xF4280, s18  }
0x28: {  	s19 =	sxor.u32 @!p1 $0xFFFFFFFF, s13;
	s16 =	sshrl.u32 @!p1 s16, $0x11  }
0x29: {  	s19 =	sshll.u32 @!p1 s19, $0xC;
	s16 =	sand.u32 @!p1 $0x1F, s16;
	s17 =	ssub.s32 @!p1 s17, s18  }
0x2a: {  	s16 =	smul.u32 @!p1 $0x1E850, s16;
	s18 =	sshrl.u32 @!p1 s17, $0x3;
	s17 =	sand.u32 @!p1 $0x7, s17  }
0x2b: {  	s19 =	sand.u32 @!p1 $0x1000, s19;
	s18 =	sadd.s32 @!p1 s2, s18;
	s17 =	sshll.u32 @!p1 s17, $0x12  }
0x2c: {  	s16 =	sadd.s32 @!p1 s16, s18;
	s17 =	sor.u32 @!p1 $0x400, s17;
	s18 =	simm.s32 @!p1 $0x7A1400  }
0x2d: {  	[tilespmem:s19], [sflag:$0x1] =	stream.strided.gather @!p1 [hbm4b:s16+s17], $0x1000, s18, s17, $0x38;
	[tilespmem:$0x4100] =	vst v63  }
0x2e: {  	p1 =	seq.s32 s13, $0x0  }
0x2f: {  	p2 =	sge.u32 @!p1 s13, s7  }
0x30: {  	p1 =	por p1, p2  }
.Ltmp2:
0x31: {  	_ = 	snop;
	(pc) =	sbr.rel @p1 .LBB1_5-.Ltmp2, $1  }
0x32: {  	_ =	sdelay $0x3  }
0x33: {  	s16 =	simm.s32 $0x1  }
0x34: {  	_ =	swait.ge [sflag:s4], $0x1000;
	s16 =	simm.s32 @!p0 $0x0  }
0x35: {  	[sflag:s4] =	ssyncset.done $0x0;
	s17 =	sshll.u32 s16, $0xC  }
0x36: {  	[sflag:s4] =	ssyncadd.s32 $0xFFFFF000;
	s17 =	sor.u32 $0x40, s17  }
0x37: {  	s16 =	smul.u32 $0x4200, s16;
	v0 =	vld [tilespmem:s17+$0x30]  }
0x38: {  	v1 =	vld [tilespmem:s17+$0xFFFFFFD0]  }
0x39: {  	s16 =	sshrl.u32 s16, $0x2;
	v5 =	vld [tilespmem:s17+$0xFFFFFFE0]  }
0x3a: {  	v6 =	vld [tilespmem:s17+$0xFFFFFFF0];
	s19 =	sor.u32 $0x2000, s16  }
0x3b: {  	s31 =	sand.u32 $0x1, s13;
	v4 =	vld [tilespmem:s17+$0x0];
	s18 =	sadd.s32 $0x0, s19  }
0x3c: {  	v3 =	vld [tilespmem:s17+$0x10];
	s16 =	smul.u32 $0x4200, s31;
	[tilespmem:s18+$0xE70 ss:$0x21] =	vst.msk $0xffff, v0  }
0x3d: {  	v2 =	vld [tilespmem:s17+$0x20];
	[tilespmem:s18+$0x210 ss:$0x21] =	vst.msk $0xffff, v1  }
0x3e: {  	s16 =	sshrl.u32 s16, $0x2;
	v1 =	vld [tilespmem:s17+$0xFFFFFFC0];
	[tilespmem:s18+$0x420 ss:$0x21] =	vst.msk $0xffff, v5;
	s17 =	sadd.s32 $0x80, s17  }
0x3f: {  	s20 =	simm.s32 $0x4;
	s21 =	simm.s32 $0x8;
	s16 =	sor.u32 $0x2000, s16;
	[tilespmem:s18+$0x630 ss:$0x21] =	vst.msk $0xffff, v6;
	v0 =	vld [tilespmem:s17+$0x30]  }
.LBB1_3:
0x40: {  	p1 =	sne.s32 s21, $0x7C;
	v5 =	vld [tilespmem:s17+$0xFFFFFFD0];
	[tilespmem:s18+$0x840 ss:$0x21] =	vst.msk $0xffff, v4  }
0x41: {  	v6 =	vld [tilespmem:s17+$0xFFFFFFE0];
	[tilespmem:s18+$0xA50 ss:$0x21] =	vst.msk $0xffff, v3  }
0x42: {  	s22 =	sshra.s32 s20, $0x2;
	s20 =	smov.u32 s21;
	v7 =	vld [tilespmem:s17+$0xFFFFFFF0];
	[tilespmem:s18+$0xC60 ss:$0x21] =	vst.msk $0xffff, v2  }
.Ltmp3:
0x43: {  	v4 =	vld [tilespmem:s17+$0x0];
	[tilespmem:s18+$0x0 ss:$0x21] =	vst.msk $0xffff, v1;
	s18 =	sadd.s32 s22, s19;
	(pc) =	sbr.rel @p1 .LBB1_3-.Ltmp3, $4  }
0x44: {  	v3 =	vld [tilespmem:s17+$0x10];
	[tilespmem:s18+$0xE70 ss:$0x21] =	vst.msk $0xffff, v0  }
0x45: {  	[tilespmem:s18+$0x210 ss:$0x21] =	vst.msk $0xffff, v5;
	v2 =	vld [tilespmem:s17+$0x20]  }
0x46: {  	v1 =	vld [tilespmem:s17+$0xFFFFFFC0];
	[tilespmem:s18+$0x420 ss:$0x21] =	vst.msk $0xffff, v6;
	s17 =	sadd.s32 $0x80, s17  }
0x47: {  	s21 =	sadd.s32 $0x4, s21;
	v0 =	vld [tilespmem:s17+$0x30];
	[tilespmem:s18+$0x630 ss:$0x21] =	vst.msk $0xffff, v7  }
0x48: {  	s21 =	sshll.u32 s9, $0x7;
	s22 =	sshll.u32 s10, $0x3;
	s20 =	sshra.s32 s20, $0x2  }
0x49: {  	p1 =	sgt.s32 s9, $0xF41C0;
	s30 =	sshra.s32 s9, $0x1F;
	s25 =	sshra.s32 s10, $0x1F  }
0x4a: {  	v5 =	vld [tilespmem:s17+$0xFFFFFFD0];
	s28 =	sshrl.u32 s10, $0x3;
	s23 =	sand.u32 $0xFFFFFC00, s21;
	s22 =	sand.u32 $0xFFFFFC00, s22  }
0x4b: {  	[tilespmem:s18+$0x840 ss:$0x21] =	vst.msk $0xffff, v4;
	v58 =	vld [tilespmem:s17+$0xFFFFFFE0];
	s21 =	sand.u32 $0x380, s21;
	s19 =	sadd.s32 s20, s19;
	s22 =	sadd.s32 s22, s23  }
0x4c: {  	v59 =	vld [tilespmem:s17+$0xFFFFFFF0];
	[tilespmem:s18+$0xA50 ss:$0x21] =	vst.msk $0xffff, v3;
	s29 =	sor.u32 s21, s22;
	s21 =	smov.u32 s9;
	s22 =	sand.u32 s30, s9  }
0x4d: {  	v60 =	vld [tilespmem:s17+$0x0];
	[tilespmem:s18+$0xC60 ss:$0x21] =	vst.msk $0xffff, v2;
	s30 =	sand.u32 $0x7, s10;
	s20 =	sshrl.u32 s29, $0x7;
	s21 =	simm.s32 @!p1 $0xF41C0  }
0x4e: {  	v61 =	vld [tilespmem:s17+$0x10];
	[tilespmem:s18+$0x0 ss:$0x21] =	vst.msk $0xffff, v1;
	p1 =	sgt.s32 s10, $0x60;
	s24 =	ssub.s32 s21, s22;
	s21 =	smov.u32 s10  }
0x4f: {  	v62 =	vld [tilespmem:s17+$0x20];
	[tilespmem:s19+$0xE70 ss:$0x21] =	vst.msk $0xffff, v0;
	s31 =	smulhi.u32 $0x218DEF5, s20;
	s22 =	sand.u32 s25, s10;
	s21 =	simm.s32 @!p1 $0x60  }
0x50: {  	v63 =	vld [tilespmem:s17+$0xFFFFFFC0];
	[tilespmem:s19+$0x210 ss:$0x21] =	vst.msk $0xffff, v5;
	s26 =	sadd.s32 $0xFFF0BE40, s24;
	s17 =	ssub.s32 $0xF4240, s24;
	s21 =	ssub.s32 s21, s22  }
0x51: {  	[tilespmem:s19+$0x420 ss:$0x21] =	vst.msk $0xffff, v58;
	s23 =	sshrl.u32 s31, $0xD;
	p1 =	sgt.s32 s26, $0x7F;
	s27 =	sadd.s32 $0xFFFFFFA0, s21  }
0x52: {  	[tilespmem:s19+$0x630 ss:$0x21] =	vst.msk $0xffff, v59;
	s23 =	smul.u32 $0xF4240, s23;
	s18 =	ssub.s32 $0x80, s21;
	p2 =	sgt.s32 s27, $0x1F  }
.Ltmp4:
0x53: {  	[tilespmem:s19+$0x840 ss:$0x21] =	vst.msk $0xffff, v60;
	s17 =	simm.s32 @p1 $0x0;
	s18 =	simm.s32 @p2 $0x0;
	(pc) =	sbr.rel .LBB1_5-.Ltmp4, $4  }
0x54: {  	s29 =	sand.u32 $0xF, s28;
	[tilespmem:s19+$0xA50 ss:$0x21] =	vst.msk $0xffff, v61;
	s20 =	ssub.s32 s20, s23;
	s17 =	smul.u32 s18, s17  }
0x55: {  	[tilespmem:s19+$0xC60 ss:$0x21] =	vst.msk $0xffff, v62;
	s21 =	sshll.u32 s30, $0x12;
	s20 =	sshll.u32 s20, $0x4;
	s18 =	sadd.s32 s5, s29  }
0x56: {  	[tilespmem:s19+$0x0 ss:$0x21] =	vst.msk $0xffff, v63;
	s31 =	sor.u32 $0x20, s21;
	s18 =	sadd.s32 s20, s18;
	s17 =	sand.u32 $0x3FFFFFFF, s17  }
0x57: {  	[hbm4b:s18+s31] =	stream.strided.scatter [tilespmem:s16], [sflag:$0x2], s17, s8, s31, $0x10;
	[tilespmem:$0x4100] =	vst v63  }
.LBB1_6:
0x58: {  	_ =	sfence.sel $0x180000  }
0x59: {  	s2 =	simm.s32 $0x1;
	[bflag:$0x0] =	sbarrier.arrive $0xFFFF  }
0x5a: {  	s31 =	simm.s32 $0x2;
	[sflag:s2] =	ssyncpa.u1 $0x1  }
0x5b: {  	[sflag:s31] =	ssyncpa.u1 $0x1  }
0x5c: {  	p0 =	sne.s32 s1, $0x0;
	_ =	strace $0x90000047  }
0x5d: {  	s0 =	sadd.s32 @!p0 $0x100000, s0;
	[bflag:$0x2] =	sbarrier.arrive $0xFFFF  }
0x5e: {  	[sflag:s0] =	ssyncadd.tile.s32 @!p0 $0x1;
	_ =	shalt  }
.Lfunc_end1:
_tile_overlayer_lowered:
.L_overlay_start_2:
0x5f: {  	(tag) =	ssettag $0x2  }
0x60: {  	s0 =	rddreg [dreg:$0x0];
	s2 =	stileid.u32  }
0x61: {  	s1 =	rddreg [dreg:$0x1];
	p0 =	sne.s32 s2, $0x0  }
0x62: {  	s3 =	rddreg [dreg:$0x2];
	[bflag:$0x3] =	sbarrier.arrive $0xFFFF;
	s2 =	simm.s32 @!p0 $0x1C01  }
0x63: {  	[timem:s3], [sflag:s2] =	dma.local @!p0 [hbm:s0], s1  }
0x64: {  	s0 =	simm.s32 @!p0 $0x1  }
0x65: {  	_ =	swait.ge @!p0 [sflag:s0], s1  }
0x66: {  	s1 =	ssub.s32 @!p0 $0x0, s1;
	[sflag:s0] =	ssyncset.done @!p0 $0x0  }
0x67: {  	[sflag:s0] =	ssyncadd.s32 @!p0 s1  }
0x68: {  	[bflag:$0x3] =	sbarrier.arrive $0xFFFF  }
0x69: {  	_ =	shalt  }

</sc_bundles>
